<compile_context>
chip_gen: v7x
topology: tpu7x:2x2x1
jax: 0.10.2.dev20260603
libtpu: 0.0.44.dev20260713+nightly
codegen_flags: <defaults>
</compile_context>

<pallas_src>
import functools

import jax
import jax.numpy as jnp
from jax import lax
from jax.experimental import pallas as pl
from jax.experimental.pallas import tpu as pltpu
from jax.experimental.pallas import tpu_sc as plsc

NC = 2
NS = 16
NW = NC * NS
L = 16


def _build_sc_interp(n_points, n_frames, g):
    ppw = n_points // NW
    B = 1024
    nchunk = ppw // B
    ng = B // L
    nidx = 16 * B
    row = 128
    nrow = nidx // row

    g2 = g * g
    g3 = g * g * g
    scale = float(g - 1)
    tscale = float(n_frames - 1)
    qoffs = [fr * g3 + dx * g2 + dy * g
             for fr in (0, 1) for dx in (0, 1) for dy in (0, 1)]

    mesh = plsc.VectorSubcoreMesh(core_axis_name="c", subcore_axis_name="s")

    buf_types = [
        pltpu.VMEM((4 * B,), jnp.float32),
        pltpu.VMEM((nidx,), jnp.int32),
        pltpu.VMEM((nidx,), jnp.float32),
        pltpu.VMEM((nidx,), jnp.float32),
        pltpu.VMEM((4 * B,), jnp.float32),
        pltpu.SemaphoreType.DMA,
    ]

    @functools.partial(
        pl.kernel,
        out_type=(jax.ShapeDtypeStruct((n_points,), jnp.float32),
                  jax.ShapeDtypeStruct((n_points,), jnp.float32)),
        mesh=mesh,
        compiler_params=pltpu.CompilerParams(needs_layout_passes=False),
        scratch_types=buf_types + buf_types + [
            pltpu.VMEM((B,), jnp.float32),
            pltpu.VMEM((B,), jnp.float32),
        ],
    )
    def sc_interp(qp_hbm, rho_hbm, tt_hbm, outr_hbm, outt_hbm,
                  qb0, ix0, rv0, tv0, fb0, sem0,
                  qb1, ix1, rv1, tv1, fb1, sem1, outbr, outbt):
        wid = lax.axis_index("s") * NC + lax.axis_index("c")
        iota = lax.iota(jnp.int32, L)
        bufs = ((qb0, ix0, rv0, tv0, fb0, sem0),
                (qb1, ix1, rv1, tv1, fb1, sem1))

        def phase_a(ci, par):
            qb, ixb, rvals, tvals, fb, sem = bufs[par]
            base = wid * ppw + ci * B
            pltpu.sync_copy(qp_hbm.at[pl.ds(base * 4, 4 * B)], qb)

            def group_idx(gi, _):
                rows4 = (gi * L + iota) * 4
                x = plsc.load_gather(qb, [rows4])
                y = plsc.load_gather(qb, [rows4 + 1])
                z = plsc.load_gather(qb, [rows4 + 2])
                t = plsc.load_gather(qb, [rows4 + 3])
                xg = x * scale
                yg = y * scale
                zg = z * scale
                tg = t * tscale
                xi = jnp.minimum(jnp.maximum(xg.astype(jnp.int32), 0), g - 2)
                yi = jnp.minimum(jnp.maximum(yg.astype(jnp.int32), 0), g - 2)
                zi = jnp.minimum(jnp.maximum(zg.astype(jnp.int32), 0), g - 2)
                fi = jnp.minimum(jnp.maximum(tg.astype(jnp.int32), 0),
                                 n_frames - 2)
                fb[pl.ds(gi * L, L)] = xg - xi.astype(jnp.float32)
                fb[pl.ds(B + gi * L, L)] = yg - yi.astype(jnp.float32)
                fb[pl.ds(2 * B + gi * L, L)] = zg - zi.astype(jnp.float32)
                fb[pl.ds(3 * B + gi * L, L)] = tg - fi.astype(jnp.float32)
                base0 = fi * g3 + xi * g2 + yi * g + zi
                ppos = (gi * L + iota) * 16
                for q in range(8):
                    for dz in (0, 1):
                        plsc.store_scatter(ixb, [ppos + (q * 2 + dz)],
                                           base0 + (qoffs[q] + dz))
                return 0

            lax.fori_loop(0, ng, group_idx, 0)

            def fire_row(j, _):
                sl = pl.ds(j * row, row)
                pltpu.async_copy(rho_hbm.at[ixb.at[sl]], rvals.at[sl], sem)
                pltpu.async_copy(tt_hbm.at[ixb.at[sl]], tvals.at[sl], sem)
                return 0

            lax.fori_loop(0, nrow, fire_row, 0)

        def phase_c(ci, par):
            qb, ixb, rvals, tvals, fb, sem = bufs[par]
            base = wid * ppw + ci * B
            pltpu.make_async_copy(rho_hbm.at[pl.ds(0, nidx)], rvals,
                                  sem).wait()
            pltpu.make_async_copy(tt_hbm.at[pl.ds(0, nidx)], tvals,
                                  sem).wait()

            def group_out(gi, _):
                fx = fb[pl.ds(gi * L, L)]
                fy = fb[pl.ds(B + gi * L, L)]
                fz = fb[pl.ds(2 * B + gi * L, L)]
                ft = fb[pl.ds(3 * B + gi * L, L)]
                ppos = (gi * L + iota) * 16

                def tri(vals, fr):
                    c = [plsc.load_gather(
                            vals,
                            [ppos + ((fr * 4 + dx * 2 + dy) * 2 + dz)])
                         for dx in (0, 1) for dy in (0, 1) for dz in (0, 1)]
                    c00 = c[0] + fz * (c[1] - c[0])
                    c01 = c[2] + fz * (c[3] - c[2])
                    c10 = c[4] + fz * (c[5] - c[4])
                    c11 = c[6] + fz * (c[7] - c[6])
                    c0 = c00 + fy * (c01 - c00)
                    c1 = c10 + fy * (c11 - c10)
                    return c0 + fx * (c1 - c0)

                r1 = tri(rvals, 0)
                r2 = tri(rvals, 1)
                t1 = tri(tvals, 0)
                t2 = tri(tvals, 1)
                rho = r1 + ft * (r2 - r1)
                tmp = t1 + ft * (t2 - t1)
                outbr[pl.ds(gi * L, L)] = rho
                outbt[pl.ds(gi * L, L)] = tmp
                return 0

            lax.fori_loop(0, ng, group_out, 0)
            pltpu.sync_copy(outbr, outr_hbm.at[pl.ds(base, B)])
            pltpu.sync_copy(outbt, outt_hbm.at[pl.ds(base, B)])

        phase_a(0, 0)

        def pipe_body(k, _):
            ci0 = 2 * k
            phase_a(ci0 + 1, 1)
            phase_c(ci0, 0)

            @pl.when(ci0 + 2 < nchunk)
            def _():
                phase_a(ci0 + 2, 0)

            phase_c(ci0 + 1, 1)
            return 0

        lax.fori_loop(0, nchunk // 2, pipe_body, 0)

    return sc_interp


def kernel(query_points, frames_rho, frames_T, log_abs, vol_c):
    n = query_points.shape[0]
    nf, g = frames_rho.shape[0], frames_rho.shape[1]
    sc_interp = _build_sc_interp(n, nf, g)
    rho_o, temp_o = sc_interp(query_points.reshape(-1),
                              frames_rho.reshape(-1),
                              frames_T.reshape(-1))
    col = jnp.arange(2, dtype=jnp.int32)[None, :]
    rho_T = jnp.where(col == 0, rho_o[:, None], temp_o[:, None])
    return (rho_T, log_abs, vol_c)

# --- scband reference (transcript-rebuilt; emitter-appended) ---
"""Pipeline reference for scband-mhdmodel-9835475108476 (READ-ONLY COPY).

The authoritative reference and input builder live on the scoring server;
editing this copy changes nothing except your own understanding.
"""

import jax, jax.numpy as jnp
import numpy as np

N = 1048576  # query points
T = 8        # number of MHD time frames
G = 128      # grid resolution per axis


def setup_inputs(seed: int = 0) -> dict:
    key = jax.random.key(seed)
    k1, k2, k3, k4 = jax.random.split(key, 4)
    query_points = jax.random.uniform(k1, (N, 4), dtype=jnp.float32)
    frames_rho = jax.random.uniform(k2, (T, G, G, G), dtype=jnp.float32)
    frames_T = jax.random.uniform(k3, (T, G, G, G), dtype=jnp.float32)
    log_abs = jax.random.normal(k4, (7,), dtype=jnp.float32)
    vol_c = jnp.ones((1,), dtype=jnp.float32)
    return {"query_points": query_points, "frames_rho": frames_rho,
            "frames_T": frames_T, "log_abs": log_abs, "vol_c": vol_c}


def _trilinear(vol, fi, xg, yg, zg):
    # vol: [T, G, G, G]; fi: int32[N] frame index; xg/yg/zg: float grid coords in [0, G-1]
    g = vol.shape[1]
    x0f = jnp.floor(xg); y0f = jnp.floor(yg); z0f = jnp.floor(zg)
    fx = xg - x0f; fy = yg - y0f; fz = zg - z0f
    x0 = jnp.clip(x0f.astype(jnp.int32), 0, g - 1)
    y0 = jnp.clip(y0f.astype(jnp.int32), 0, g - 1)
    z0 = jnp.clip(z0f.astype(jnp.int32), 0, g - 1)
    x1 = jnp.clip(x0 + 1, 0, g - 1)
    y1 = jnp.clip(y0 + 1, 0, g - 1)
    z1 = jnp.clip(z0 + 1, 0, g - 1)
    c000 = vol[fi, x0, y0, z0]; c001 = vol[fi, x0, y0, z1]
    c010 = vol[fi, x0, y1, z0]; c011 = vol[fi, x0, y1, z1]
    c100 = vol[fi, x1, y0, z0]; c101 = vol[fi, x1, y0, z1]
    c110 = vol[fi, x1, y1, z0]; c111 = vol[fi, x1, y1, z1]
    c00 = c000 * (1 - fz) + c001 * fz
    c01 = c010 * (1 - fz) + c011 * fz
    c10 = c100 * (1 - fz) + c101 * fz
    c11 = c110 * (1 - fz) + c111 * fz
    c0 = c00 * (1 - fy) + c01 * fy
    c1 = c10 * (1 - fy) + c11 * fy
    return c0 * (1 - fx) + c1 * fx


def reference(query_points, frames_rho, frames_T, log_abs, vol_c):
    x = query_points[:, 0]
    y = query_points[:, 1]
    z = query_points[:, 2]
    t = query_points[:, 3]
    g = frames_rho.shape[1]
    n_frames = frames_rho.shape[0]
    xg = x * (g - 1); yg = y * (g - 1); zg = z * (g - 1)
    # map normalized time to frame index range [ffirst, flast] = [0, T-1]
    tf = t * (n_frames - 1)
    f1f = jnp.floor(tf)
    frame_fraction = tf - f1f
    f1 = jnp.clip(f1f.astype(jnp.int32), 0, n_frames - 1)
    f2 = jnp.clip(f1 + 1, 0, n_frames - 1)
    f1_rho = _trilinear(frames_rho, f1, xg, yg, zg)
    f2_rho = _trilinear(frames_rho, f2, xg, yg, zg)
    f1_t = _trilinear(frames_T, f1, xg, yg, zg)
    f2_t = _trilinear(frames_T, f2, xg, yg, zg)
    rho = (1 - frame_fraction) * f1_rho + frame_fraction * f2_rho
    temp = (1 - frame_fraction) * f1_t + frame_fraction * f2_t
    n = query_points.shape[0]
    idx = jnp.arange(n)
    output_density = jnp.zeros((n,), dtype=jnp.float32).at[idx].set(rho)
    output_temperature = jnp.zeros((n,), dtype=jnp.float32).at[idx].set(temp)
    rho_T = jnp.stack((output_density, output_temperature), axis=-1)
    return (rho_T, log_abs, vol_c)

if __name__ == "__main__":
    import jax
    _d = setup_inputs()
    print(jax.jit(kernel)(*tuple(_d.values())))

</pallas_src>

<mosaic_0001>
#map = affine_map<(d0, d1) -> (0)>
module attributes {stable_mosaic.version = 14 : i64} {
  func.func @sc_interp(%arg0: i32, %arg1: i32, %arg2: memref<4194304xf32, #tpu.memory_space<hbm>>, %arg3: memref<16777216xf32, #tpu.memory_space<hbm>>, %arg4: memref<16777216xf32, #tpu.memory_space<hbm>>, %arg5: memref<1048576xf32, #tpu.memory_space<hbm>>, %arg6: memref<1048576xf32, #tpu.memory_space<hbm>>, %arg7: memref<4096xf32, #tpu.memory_space<vmem>>, %arg8: memref<16384xi32, #tpu.memory_space<vmem>>, %arg9: memref<16384xf32, #tpu.memory_space<vmem>>, %arg10: memref<16384xf32, #tpu.memory_space<vmem>>, %arg11: memref<4096xf32, #tpu.memory_space<vmem>>, %arg12: memref<!tpu.dma_semaphore, #tpu.memory_space<semaphore_mem>>, %arg13: memref<4096xf32, #tpu.memory_space<vmem>>, %arg14: memref<16384xi32, #tpu.memory_space<vmem>>, %arg15: memref<16384xf32, #tpu.memory_space<vmem>>, %arg16: memref<16384xf32, #tpu.memory_space<vmem>>, %arg17: memref<4096xf32, #tpu.memory_space<vmem>>, %arg18: memref<!tpu.dma_semaphore, #tpu.memory_space<semaphore_mem>>, %arg19: memref<1024xf32, #tpu.memory_space<vmem>>, %arg20: memref<1024xf32, #tpu.memory_space<vmem>>) attributes {dimension_semantics = [#tpu.dimension_semantics<core_parallel>, #tpu.dimension_semantics<subcore_parallel>], iteration_bounds = array<i64: 2, 16>, scalar_prefetch = 0 : i64, scratch_operands = 14 : i64, tpu.core_type = #tpu.core_type<sc_vector_subcore>, window_params = [{transform_indices = #map}, {transform_indices = #map}, {transform_indices = #map}, {transform_indices = #map}, {transform_indices = #map}]} {
    %mul3A = arith.constant 2 : i32
    %mul3A_0 = arith.muli %arg1, %mul3A : i32
    %add3A = arith.addi %mul3A_0, %arg0 : i32
    %iota3A = tpu.iota {dimensions = array<i32: 0>} : vector<16xi32>
    %mul3A_1 = arith.constant 32768 : i32
    %mul3A_2 = arith.muli %add3A, %mul3A_1 : i32
    %add3A_3 = arith.constant 0 : i32
    %add3A_4 = arith.addi %mul3A_2, %add3A_3 : i32
    %mul3A_5 = arith.constant 4 : i32
    %mul3A_6 = arith.muli %add3A_4, %mul3A_5 : i32
    "tpu.region"() ({
      %run_scoped3A = tpu.sem_alloc : memref<!tpu.dma_semaphore, #tpu.memory_space<semaphore_mem>>
      %dma_start3A = tpu.memref_slice %arg2[%mul3A_6] : memref<4194304xf32, #tpu.memory_space<hbm>> -> memref<4096xf32, #tpu.memory_space<hbm>>
      %dma_start3A_27 = tpu.memref_slice %arg2[%mul3A_6] : memref<4194304xf32, #tpu.memory_space<hbm>> -> memref<4096xf32, #tpu.memory_space<hbm>>
      tpu.enqueue_dma source(%dma_start3A_27 : memref<4096xf32, #tpu.memory_space<hbm>>) target(%arg7 : memref<4096xf32, #tpu.memory_space<vmem>>) target_semaphore(%run_scoped3A : memref<!tpu.dma_semaphore, #tpu.memory_space<semaphore_mem>>)
      %dma_wait3A = tpu.memref_slice %arg2[%mul3A_6] : memref<4194304xf32, #tpu.memory_space<hbm>> -> memref<4096xf32, #tpu.memory_space<hbm>>
      %dma_wait3A_28 = tpu.memref_slice %arg2[%mul3A_6] : memref<4194304xf32, #tpu.memory_space<hbm>> -> memref<4096xf32, #tpu.memory_space<hbm>>
      tpu.wait_dma2 semaphore(%run_scoped3A : memref<!tpu.dma_semaphore, #tpu.memory_space<semaphore_mem>>) src(%dma_wait3A_28 : memref<4096xf32, #tpu.memory_space<hbm>>) dst(%arg7 : memref<4096xf32, #tpu.memory_space<vmem>>)
      tpu.yield
    }) : () -> ()
    %scan3A = arith.constant 0 : i32
    %scan3A_7 = arith.constant 0 : i32
    %scan3A_8 = arith.constant 64 : i32
    %scan3A_9 = arith.addi %scan3A_7, %scan3A_8 : i32
    %scan3A_10 = arith.constant 1 : i32
    %scan3A_11 = scf.for %scan3A_27 = %scan3A_7 to %scan3A_9 step %scan3A_10 iter_args(%scan3A_28 = %scan3A) -> (i32)  : i32 {
      %mul3A_29 = arith.constant 16 : i32
      %mul3A_30 = arith.muli %scan3A_27, %mul3A_29 : i32
      %add3A_31 = vector.broadcast %mul3A_30 : i32 to vector<16xi32>
      %add3A_32 = arith.addi %add3A_31, %iota3A : vector<16xi32>
      %mul3A_33 = arith.constant 4 : i32
      %mul3A_34 = vector.broadcast %mul3A_33 : i32 to vector<16xi32>
      %mul3A_35 = arith.muli %add3A_32, %mul3A_34 : vector<16xi32>
      %gather3A = tpu.vector_load_idx %arg7[%mul3A_35] : memref<4096xf32, #tpu.memory_space<vmem>>[vector<16xi32>], vector<16xf32>,
      %add3A_36 = arith.constant 1 : i32
      %add3A_37 = vector.broadcast %add3A_36 : i32 to vector<16xi32>
      %add3A_38 = arith.addi %mul3A_35, %add3A_37 : vector<16xi32>
      %gather3A_39 = tpu.vector_load_idx %arg7[%add3A_38] : memref<4096xf32, #tpu.memory_space<vmem>>[vector<16xi32>], vector<16xf32>,
      %add3A_40 = arith.constant 2 : i32
      %add3A_41 = vector.broadcast %add3A_40 : i32 to vector<16xi32>
      %add3A_42 = arith.addi %mul3A_35, %add3A_41 : vector<16xi32>
      %gather3A_43 = tpu.vector_load_idx %arg7[%add3A_42] : memref<4096xf32, #tpu.memory_space<vmem>>[vector<16xi32>], vector<16xf32>,
      %add3A_44 = arith.constant 3 : i32
      %add3A_45 = vector.broadcast %add3A_44 : i32 to vector<16xi32>
      %add3A_46 = arith.addi %mul3A_35, %add3A_45 : vector<16xi32>
      %gather3A_47 = tpu.vector_load_idx %arg7[%add3A_46] : memref<4096xf32, #tpu.memory_space<vmem>>[vector<16xi32>], vector<16xf32>,
      %mul3A_48 = arith.constant 1.270000e+02 : f32
      %mul3A_49 = vector.broadcast %mul3A_48 : f32 to vector<16xf32>
      %mul3A_50 = arith.mulf %gather3A, %mul3A_49 : vector<16xf32>
      %mul3A_51 = arith.constant 1.270000e+02 : f32
      %mul3A_52 = vector.broadcast %mul3A_51 : f32 to vector<16xf32>
      %mul3A_53 = arith.mulf %gather3A_39, %mul3A_52 : vector<16xf32>
      %mul3A_54 = arith.constant 1.270000e+02 : f32
      %mul3A_55 = vector.broadcast %mul3A_54 : f32 to vector<16xf32>
      %mul3A_56 = arith.mulf %gather3A_43, %mul3A_55 : vector<16xf32>
      %mul3A_57 = arith.constant 7.000000e+00 : f32
      %mul3A_58 = vector.broadcast %mul3A_57 : f32 to vector<16xf32>
      %mul3A_59 = arith.mulf %gather3A_47, %mul3A_58 : vector<16xf32>
      %convert_element_type3A = arith.fptosi %mul3A_50 : vector<16xf32> to vector<16xi32>
      %max3A = arith.constant 0 : i32
      %max3A_60 = vector.broadcast %max3A : i32 to vector<16xi32>
      %max3A_61 = arith.maxsi %convert_element_type3A, %max3A_60 : vector<16xi32>
      %min3A = arith.constant 126 : i32
      %min3A_62 = vector.broadcast %min3A : i32 to vector<16xi32>
      %min3A_63 = arith.minsi %max3A_61, %min3A_62 : vector<16xi32>
      %convert_element_type3A_64 = arith.fptosi %mul3A_53 : vector<16xf32> to vector<16xi32>
      %max3A_65 = arith.constant 0 : i32
      %max3A_66 = vector.broadcast %max3A_65 : i32 to vector<16xi32>
      %max3A_67 = arith.maxsi %convert_element_type3A_64, %max3A_66 : vector<16xi32>
      %min3A_68 = arith.constant 126 : i32
      %min3A_69 = vector.broadcast %min3A_68 : i32 to vector<16xi32>
      %min3A_70 = arith.minsi %max3A_67, %min3A_69 : vector<16xi32>
      %convert_element_type3A_71 = arith.fptosi %mul3A_56 : vector<16xf32> to vector<16xi32>
      %max3A_72 = arith.constant 0 : i32
      %max3A_73 = vector.broadcast %max3A_72 : i32 to vector<16xi32>
      %max3A_74 = arith.maxsi %convert_element_type3A_71, %max3A_73 : vector<16xi32>
      %min3A_75 = arith.constant 126 : i32
      %min3A_76 = vector.broadcast %min3A_75 : i32 to vector<16xi32>
      %min3A_77 = arith.minsi %max3A_74, %min3A_76 : vector<16xi32>
      %convert_element_type3A_78 = arith.fptosi %mul3A_59 : vector<16xf32> to vector<16xi32>
      %max3A_79 = arith.constant 0 : i32
      %max3A_80 = vector.broadcast %max3A_79 : i32 to vector<16xi32>
      %max3A_81 = arith.maxsi %convert_element_type3A_78, %max3A_80 : vector<16xi32>
      %min3A_82 = arith.constant 6 : i32
      %min3A_83 = vector.broadcast %min3A_82 : i32 to vector<16xi32>
      %min3A_84 = arith.minsi %max3A_81, %min3A_83 : vector<16xi32>
      %convert_element_type3A_85 = arith.sitofp %min3A_63 : vector<16xi32> to vector<16xf32>
      %sub3A = arith.subf %mul3A_50, %convert_element_type3A_85 : vector<16xf32>
      %mul3A_86 = arith.constant 16 : i32
      %mul3A_87 = arith.muli %scan3A_27, %mul3A_86 : i32
      %swap3A = arith.index_cast %mul3A_87 : i32 to index
      %swap3A_88 = tpu.vector_load %arg11[%swap3A] {strides = array<i32>} : memref<4096xf32, #tpu.memory_space<vmem>>, vector<16xf32>,
      tpu.vector_store %arg11[%swap3A], %sub3A {strides = array<i32>} : memref<4096xf32, #tpu.memory_space<vmem>>, vector<16xf32>,
      %convert_element_type3A_89 = arith.sitofp %min3A_70 : vector<16xi32> to vector<16xf32>
      %sub3A_90 = arith.subf %mul3A_53, %convert_element_type3A_89 : vector<16xf32>
      %mul3A_91 = arith.constant 16 : i32
      %mul3A_92 = arith.muli %scan3A_27, %mul3A_91 : i32
      %add3A_93 = arith.constant 1024 : i32
      %add3A_94 = arith.addi %add3A_93, %mul3A_92 : i32
      %swap3A_95 = arith.index_cast %add3A_94 : i32 to index
      %swap3A_96 = tpu.vector_load %arg11[%swap3A_95] {strides = array<i32>} : memref<4096xf32, #tpu.memory_space<vmem>>, vector<16xf32>,
      tpu.vector_store %arg11[%swap3A_95], %sub3A_90 {strides = array<i32>} : memref<4096xf32, #tpu.memory_space<vmem>>, vector<16xf32>,
      %convert_element_type3A_97 = arith.sitofp %min3A_77 : vector<16xi32> to vector<16xf32>
      %sub3A_98 = arith.subf %mul3A_56, %convert_element_type3A_97 : vector<16xf32>
      %mul3A_99 = arith.constant 16 : i32
      %mul3A_100 = arith.muli %scan3A_27, %mul3A_99 : i32
      %add3A_101 = arith.constant 2048 : i32
      %add3A_102 = arith.addi %add3A_101, %mul3A_100 : i32
      %swap3A_103 = arith.index_cast %add3A_102 : i32 to index
      %swap3A_104 = tpu.vector_load %arg11[%swap3A_103] {strides = array<i32>} : memref<4096xf32, #tpu.memory_space<vmem>>, vector<16xf32>,
      tpu.vector_store %arg11[%swap3A_103], %sub3A_98 {strides = array<i32>} : memref<4096xf32, #tpu.memory_space<vmem>>, vector<16xf32>,
      %convert_element_type3A_105 = arith.sitofp %min3A_84 : vector<16xi32> to vector<16xf32>
      %sub3A_106 = arith.subf %mul3A_59, %convert_element_type3A_105 : vector<16xf32>
      %mul3A_107 = arith.constant 16 : i32
      %mul3A_108 = arith.muli %scan3A_27, %mul3A_107 : i32
      %add3A_109 = arith.constant 3072 : i32
      %add3A_110 = arith.addi %add3A_109, %mul3A_108 : i32
      %swap3A_111 = arith.index_cast %add3A_110 : i32 to index
      %swap3A_112 = tpu.vector_load %arg11[%swap3A_111] {strides = array<i32>} : memref<4096xf32, #tpu.memory_space<vmem>>, vector<16xf32>,
      tpu.vector_store %arg11[%swap3A_111], %sub3A_106 {strides = array<i32>} : memref<4096xf32, #tpu.memory_space<vmem>>, vector<16xf32>,
      %mul3A_113 = arith.constant 2097152 : i32
      %mul3A_114 = vector.broadcast %mul3A_113 : i32 to vector<16xi32>
      %mul3A_115 = arith.muli %min3A_84, %mul3A_114 : vector<16xi32>
      %mul3A_116 = arith.constant 16384 : i32
      %mul3A_117 = vector.broadcast %mul3A_116 : i32 to vector<16xi32>
      %mul3A_118 = arith.muli %min3A_63, %mul3A_117 : vector<16xi32>
      %add3A_119 = arith.addi %mul3A_115, %mul3A_118 : vector<16xi32>
      %mul3A_120 = arith.constant 128 : i32
      %mul3A_121 = vector.broadcast %mul3A_120 : i32 to vector<16xi32>
      %mul3A_122 = arith.muli %min3A_70, %mul3A_121 : vector<16xi32>
      %add3A_123 = arith.addi %add3A_119, %mul3A_122 : vector<16xi32>
      %add3A_124 = arith.addi %add3A_123, %min3A_77 : vector<16xi32>
      %mul3A_125 = arith.constant 16 : i32
      %mul3A_126 = arith.muli %scan3A_27, %mul3A_125 : i32
      %add3A_127 = vector.broadcast %mul3A_126 : i32 to vector<16xi32>
      %add3A_128 = arith.addi %add3A_127, %iota3A : vector<16xi32>
      %mul3A_129 = arith.constant 16 : i32
      %mul3A_130 = vector.broadcast %mul3A_129 : i32 to vector<16xi32>
      %mul3A_131 = arith.muli %add3A_128, %mul3A_130 : vector<16xi32>
      %add3A_132 = arith.constant 0 : i32
      %add3A_133 = vector.broadcast %add3A_132 : i32 to vector<16xi32>
      %add3A_134 = arith.addi %mul3A_131, %add3A_133 : vector<16xi32>
      %add3A_135 = arith.constant 0 : i32
      %add3A_136 = vector.broadcast %add3A_135 : i32 to vector<16xi32>
      %add3A_137 = arith.addi %add3A_124, %add3A_136 : vector<16xi32>
      tpu.vector_store_idx %arg8[%add3A_134], %add3A_137 : memref<16384xi32, #tpu.memory_space<vmem>>[vector<16xi32>], vector<16xi32>,
      %add3A_138 = arith.constant 1 : i32
      %add3A_139 = vector.broadcast %add3A_138 : i32 to vector<16xi32>
      %add3A_140 = arith.addi %mul3A_131, %add3A_139 : vector<16xi32>
      %add3A_141 = arith.constant 1 : i32
      %add3A_142 = vector.broadcast %add3A_141 : i32 to vector<16xi32>
      %add3A_143 = arith.addi %add3A_124, %add3A_142 : vector<16xi32>
      tpu.vector_store_idx %arg8[%add3A_140], %add3A_143 : memref<16384xi32, #tpu.memory_space<vmem>>[vector<16xi32>], vector<16xi32>,
      %add3A_144 = arith.constant 2 : i32
      %add3A_145 = vector.broadcast %add3A_144 : i32 to vector<16xi32>
      %add3A_146 = arith.addi %mul3A_131, %add3A_145 : vector<16xi32>
      %add3A_147 = arith.constant 128 : i32
      %add3A_148 = vector.broadcast %add3A_147 : i32 to vector<16xi32>
      %add3A_149 = arith.addi %add3A_124, %add3A_148 : vector<16xi32>
      tpu.vector_store_idx %arg8[%add3A_146], %add3A_149 : memref<16384xi32, #tpu.memory_space<vmem>>[vector<16xi32>], vector<16xi32>,
      %add3A_150 = arith.constant 3 : i32
      %add3A_151 = vector.broadcast %add3A_150 : i32 to vector<16xi32>
      %add3A_152 = arith.addi %mul3A_131, %add3A_151 : vector<16xi32>
      %add3A_153 = arith.constant 129 : i32
      %add3A_154 = vector.broadcast %add3A_153 : i32 to vector<16xi32>
      %add3A_155 = arith.addi %add3A_124, %add3A_154 : vector<16xi32>
      tpu.vector_store_idx %arg8[%add3A_152], %add3A_155 : memref<16384xi32, #tpu.memory_space<vmem>>[vector<16xi32>], vector<16xi32>,
      %add3A_156 = arith.constant 4 : i32
      %add3A_157 = vector.broadcast %add3A_156 : i32 to vector<16xi32>
      %add3A_158 = arith.addi %mul3A_131, %add3A_157 : vector<16xi32>
      %add3A_159 = arith.constant 16384 : i32
      %add3A_160 = vector.broadcast %add3A_159 : i32 to vector<16xi32>
      %add3A_161 = arith.addi %add3A_124, %add3A_160 : vector<16xi32>
      tpu.vector_store_idx %arg8[%add3A_158], %add3A_161 : memref<16384xi32, #tpu.memory_space<vmem>>[vector<16xi32>], vector<16xi32>,
      %add3A_162 = arith.constant 5 : i32
      %add3A_163 = vector.broadcast %add3A_162 : i32 to vector<16xi32>
      %add3A_164 = arith.addi %mul3A_131, %add3A_163 : vector<16xi32>
      %add3A_165 = arith.constant 16385 : i32
      %add3A_166 = vector.broadcast %add3A_165 : i32 to vector<16xi32>
      %add3A_167 = arith.addi %add3A_124, %add3A_166 : vector<16xi32>
      tpu.vector_store_idx %arg8[%add3A_164], %add3A_167 : memref<16384xi32, #tpu.memory_space<vmem>>[vector<16xi32>], vector<16xi32>,
      %add3A_168 = arith.constant 6 : i32
      %add3A_169 = vector.broadcast %add3A_168 : i32 to vector<16xi32>
      %add3A_170 = arith.addi %mul3A_131, %add3A_169 : vector<16xi32>
      %add3A_171 = arith.constant 16512 : i32
      %add3A_172 = vector.broadcast %add3A_171 : i32 to vector<16xi32>
      %add3A_173 = arith.addi %add3A_124, %add3A_172 : vector<16xi32>
      tpu.vector_store_idx %arg8[%add3A_170], %add3A_173 : memref<16384xi32, #tpu.memory_space<vmem>>[vector<16xi32>], vector<16xi32>,
      %add3A_174 = arith.constant 7 : i32
      %add3A_175 = vector.broadcast %add3A_174 : i32 to vector<16xi32>
      %add3A_176 = arith.addi %mul3A_131, %add3A_175 : vector<16xi32>
      %add3A_177 = arith.constant 16513 : i32
      %add3A_178 = vector.broadcast %add3A_177 : i32 to vector<16xi32>
      %add3A_179 = arith.addi %add3A_124, %add3A_178 : vector<16xi32>
      tpu.vector_store_idx %arg8[%add3A_176], %add3A_179 : memref<16384xi32, #tpu.memory_space<vmem>>[vector<16xi32>], vector<16xi32>,
      %add3A_180 = arith.constant 8 : i32
      %add3A_181 = vector.broadcast %add3A_180 : i32 to vector<16xi32>
      %add3A_182 = arith.addi %mul3A_131, %add3A_181 : vector<16xi32>
      %add3A_183 = arith.constant 2097152 : i32
      %add3A_184 = vector.broadcast %add3A_183 : i32 to vector<16xi32>
      %add3A_185 = arith.addi %add3A_124, %add3A_184 : vector<16xi32>
      tpu.vector_store_idx %arg8[%add3A_182], %add3A_185 : memref<16384xi32, #tpu.memory_space<vmem>>[vector<16xi32>], vector<16xi32>,
      %add3A_186 = arith.constant 9 : i32
      %add3A_187 = vector.broadcast %add3A_186 : i32 to vector<16xi32>
      %add3A_188 = arith.addi %mul3A_131, %add3A_187 : vector<16xi32>
      %add3A_189 = arith.constant 2097153 : i32
      %add3A_190 = vector.broadcast %add3A_189 : i32 to vector<16xi32>
      %add3A_191 = arith.addi %add3A_124, %add3A_190 : vector<16xi32>
      tpu.vector_store_idx %arg8[%add3A_188], %add3A_191 : memref<16384xi32, #tpu.memory_space<vmem>>[vector<16xi32>], vector<16xi32>,
      %add3A_192 = arith.constant 10 : i32
      %add3A_193 = vector.broadcast %add3A_192 : i32 to vector<16xi32>
      %add3A_194 = arith.addi %mul3A_131, %add3A_193 : vector<16xi32>
      %add3A_195 = arith.constant 2097280 : i32
      %add3A_196 = vector.broadcast %add3A_195 : i32 to vector<16xi32>
      %add3A_197 = arith.addi %add3A_124, %add3A_196 : vector<16xi32>
      tpu.vector_store_idx %arg8[%add3A_194], %add3A_197 : memref<16384xi32, #tpu.memory_space<vmem>>[vector<16xi32>], vector<16xi32>,
      %add3A_198 = arith.constant 11 : i32
      %add3A_199 = vector.broadcast %add3A_198 : i32 to vector<16xi32>
      %add3A_200 = arith.addi %mul3A_131, %add3A_199 : vector<16xi32>
      %add3A_201 = arith.constant 2097281 : i32
      %add3A_202 = vector.broadcast %add3A_201 : i32 to vector<16xi32>
      %add3A_203 = arith.addi %add3A_124, %add3A_202 : vector<16xi32>
      tpu.vector_store_idx %arg8[%add3A_200], %add3A_203 : memref<16384xi32, #tpu.memory_space<vmem>>[vector<16xi32>], vector<16xi32>,
      %add3A_204 = arith.constant 12 : i32
      %add3A_205 = vector.broadcast %add3A_204 : i32 to vector<16xi32>
      %add3A_206 = arith.addi %mul3A_131, %add3A_205 : vector<16xi32>
      %add3A_207 = arith.constant 2113536 : i32
      %add3A_208 = vector.broadcast %add3A_207 : i32 to vector<16xi32>
      %add3A_209 = arith.addi %add3A_124, %add3A_208 : vector<16xi32>
      tpu.vector_store_idx %arg8[%add3A_206], %add3A_209 : memref<16384xi32, #tpu.memory_space<vmem>>[vector<16xi32>], vector<16xi32>,
      %add3A_210 = arith.constant 13 : i32
      %add3A_211 = vector.broadcast %add3A_210 : i32 to vector<16xi32>
      %add3A_212 = arith.addi %mul3A_131, %add3A_211 : vector<16xi32>
      %add3A_213 = arith.constant 2113537 : i32
      %add3A_214 = vector.broadcast %add3A_213 : i32 to vector<16xi32>
      %add3A_215 = arith.addi %add3A_124, %add3A_214 : vector<16xi32>
      tpu.vector_store_idx %arg8[%add3A_212], %add3A_215 : memref<16384xi32, #tpu.memory_space<vmem>>[vector<16xi32>], vector<16xi32>,
      %add3A_216 = arith.constant 14 : i32
      %add3A_217 = vector.broadcast %add3A_216 : i32 to vector<16xi32>
      %add3A_218 = arith.addi %mul3A_131, %add3A_217 : vector<16xi32>
      %add3A_219 = arith.constant 2113664 : i32
      %add3A_220 = vector.broadcast %add3A_219 : i32 to vector<16xi32>
      %add3A_221 = arith.addi %add3A_124, %add3A_220 : vector<16xi32>
      tpu.vector_store_idx %arg8[%add3A_218], %add3A_221 : memref<16384xi32, #tpu.memory_space<vmem>>[vector<16xi32>], vector<16xi32>,
      %add3A_222 = arith.constant 15 : i32
      %add3A_223 = vector.broadcast %add3A_222 : i32 to vector<16xi32>
      %add3A_224 = arith.addi %mul3A_131, %add3A_223 : vector<16xi32>
      %add3A_225 = arith.constant 2113665 : i32
      %add3A_226 = vector.broadcast %add3A_225 : i32 to vector<16xi32>
      %add3A_227 = arith.addi %add3A_124, %add3A_226 : vector<16xi32>
      tpu.vector_store_idx %arg8[%add3A_224], %add3A_227 : memref<16384xi32, #tpu.memory_space<vmem>>[vector<16xi32>], vector<16xi32>,
      %scan3A_228 = arith.constant 0 : i32
      scf.yield %scan3A_228 : i32
    }
    %scan3A_12 = arith.constant 64 : i32
    %scan3A_13 = arith.constant 0 : i32
    %scan3A_14 = arith.constant 0 : i32
    %scan3A_15 = arith.constant 128 : i32
    %scan3A_16 = arith.addi %scan3A_14, %scan3A_15 : i32
    %scan3A_17 = arith.constant 1 : i32
    %scan3A_18 = scf.for %scan3A_27 = %scan3A_14 to %scan3A_16 step %scan3A_17 iter_args(%scan3A_28 = %scan3A_13) -> (i32)  : i32 {
      %mul3A_29 = arith.constant 128 : i32
      %mul3A_30 = arith.muli %scan3A_27, %mul3A_29 : i32
      %dma_start3A = tpu.memref_slice %arg9[%mul3A_30] : memref<16384xf32, #tpu.memory_space<vmem>> -> memref<128xf32, #tpu.memory_space<vmem>>
      %dma_start3A_31 = tpu.memref_slice %arg8[%mul3A_30] : memref<16384xi32, #tpu.memory_space<vmem>> -> memref<128xi32, #tpu.memory_space<vmem>>
      %dma_start3A_32 = arith.constant 0 : i32
      %dma_start3A_33 = tpu.memref_slice %arg3[%dma_start3A_32] : memref<16777216xf32, #tpu.memory_space<hbm>> -> memref<16777216xf32, #tpu.memory_space<hbm>>
      tpu.enqueue_indirect_dma source(%dma_start3A_33 : memref<16777216xf32, #tpu.memory_space<hbm>>) target(%dma_start3A : memref<128xf32, #tpu.memory_space<vmem>>) offsets(%dma_start3A_31 : memref<128xi32, #tpu.memory_space<vmem>>) semaphore(%arg12 : memref<!tpu.dma_semaphore, #tpu.memory_space<semaphore_mem>>)
      %dma_start3A_34 = tpu.memref_slice %arg10[%mul3A_30] : memref<16384xf32, #tpu.memory_space<vmem>> -> memref<128xf32, #tpu.memory_space<vmem>>
      %dma_start3A_35 = tpu.memref_slice %arg8[%mul3A_30] : memref<16384xi32, #tpu.memory_space<vmem>> -> memref<128xi32, #tpu.memory_space<vmem>>
      %dma_start3A_36 = arith.constant 0 : i32
      %dma_start3A_37 = tpu.memref_slice %arg4[%dma_start3A_36] : memref<16777216xf32, #tpu.memory_space<hbm>> -> memref<16777216xf32, #tpu.memory_space<hbm>>
      tpu.enqueue_indirect_dma source(%dma_start3A_37 : memref<16777216xf32, #tpu.memory_space<hbm>>) target(%dma_start3A_34 : memref<128xf32, #tpu.memory_space<vmem>>) offsets(%dma_start3A_35 : memref<128xi32, #tpu.memory_space<vmem>>) semaphore(%arg12 : memref<!tpu.dma_semaphore, #tpu.memory_space<semaphore_mem>>)
      %scan3A_38 = arith.constant 0 : i32
      scf.yield %scan3A_38 : i32
    }
    %scan3A_19 = arith.constant 128 : i32
    %scan3A_20 = arith.constant 0 : i32
    %scan3A_21 = arith.constant 0 : i32
    %scan3A_22 = arith.constant 16 : i32
    %scan3A_23 = arith.addi %scan3A_21, %scan3A_22 : i32
    %scan3A_24 = arith.constant 1 : i32
    %scan3A_25 = scf.for %scan3A_27 = %scan3A_21 to %scan3A_23 step %scan3A_24 iter_args(%scan3A_28 = %scan3A_20) -> (i32)  : i32 {
      %mul3A_29 = arith.constant 2 : i32
      %mul3A_30 = arith.muli %mul3A_29, %scan3A_27 : i32
      %add3A_31 = arith.constant 1 : i32
      %add3A_32 = arith.addi %mul3A_30, %add3A_31 : i32
      %mul3A_33 = arith.constant 32768 : i32
      %mul3A_34 = arith.muli %add3A, %mul3A_33 : i32
      %mul3A_35 = arith.constant 1024 : i32
      %mul3A_36 = arith.muli %add3A_32, %mul3A_35 : i32
      %add3A_37 = arith.addi %mul3A_34, %mul3A_36 : i32
      %mul3A_38 = arith.constant 4 : i32
      %mul3A_39 = arith.muli %add3A_37, %mul3A_38 : i32
      "tpu.region"() ({
        %run_scoped3A = tpu.sem_alloc : memref<!tpu.dma_semaphore, #tpu.memory_space<semaphore_mem>>
        %dma_start3A = tpu.memref_slice %arg2[%mul3A_39] : memref<4194304xf32, #tpu.memory_space<hbm>> -> memref<4096xf32, #tpu.memory_space<hbm>>
        %dma_start3A_100 = tpu.memref_slice %arg2[%mul3A_39] : memref<4194304xf32, #tpu.memory_space<hbm>> -> memref<4096xf32, #tpu.memory_space<hbm>>
        tpu.enqueue_dma source(%dma_start3A_100 : memref<4096xf32, #tpu.memory_space<hbm>>) target(%arg13 : memref<4096xf32, #tpu.memory_space<vmem>>) target_semaphore(%run_scoped3A : memref<!tpu.dma_semaphore, #tpu.memory_space<semaphore_mem>>)
        %dma_wait3A_101 = tpu.memref_slice %arg2[%mul3A_39] : memref<4194304xf32, #tpu.memory_space<hbm>> -> memref<4096xf32, #tpu.memory_space<hbm>>
        %dma_wait3A_102 = tpu.memref_slice %arg2[%mul3A_39] : memref<4194304xf32, #tpu.memory_space<hbm>> -> memref<4096xf32, #tpu.memory_space<hbm>>
        tpu.wait_dma2 semaphore(%run_scoped3A : memref<!tpu.dma_semaphore, #tpu.memory_space<semaphore_mem>>) src(%dma_wait3A_102 : memref<4096xf32, #tpu.memory_space<hbm>>) dst(%arg13 : memref<4096xf32, #tpu.memory_space<vmem>>)
        tpu.yield
      }) : () -> ()
      %scan3A_40 = arith.constant 0 : i32
      %scan3A_41 = arith.constant 0 : i32
      %scan3A_42 = arith.constant 64 : i32
      %scan3A_43 = arith.addi %scan3A_41, %scan3A_42 : i32
      %scan3A_44 = arith.constant 1 : i32
      %scan3A_45 = scf.for %scan3A_100 = %scan3A_41 to %scan3A_43 step %scan3A_44 iter_args(%scan3A_101 = %scan3A_40) -> (i32)  : i32 {
        %mul3A_102 = arith.constant 16 : i32
        %mul3A_103 = arith.muli %scan3A_100, %mul3A_102 : i32
        %add3A_104 = vector.broadcast %mul3A_103 : i32 to vector<16xi32>
        %add3A_105 = arith.addi %add3A_104, %iota3A : vector<16xi32>
        %mul3A_106 = arith.constant 4 : i32
        %mul3A_107 = vector.broadcast %mul3A_106 : i32 to vector<16xi32>
        %mul3A_108 = arith.muli %add3A_105, %mul3A_107 : vector<16xi32>
        %gather3A = tpu.vector_load_idx %arg13[%mul3A_108] : memref<4096xf32, #tpu.memory_space<vmem>>[vector<16xi32>], vector<16xf32>,
        %add3A_109 = arith.constant 1 : i32
        %add3A_110 = vector.broadcast %add3A_109 : i32 to vector<16xi32>
        %add3A_111 = arith.addi %mul3A_108, %add3A_110 : vector<16xi32>
        %gather3A_112 = tpu.vector_load_idx %arg13[%add3A_111] : memref<4096xf32, #tpu.memory_space<vmem>>[vector<16xi32>], vector<16xf32>,
        %add3A_113 = arith.constant 2 : i32
        %add3A_114 = vector.broadcast %add3A_113 : i32 to vector<16xi32>
        %add3A_115 = arith.addi %mul3A_108, %add3A_114 : vector<16xi32>
        %gather3A_116 = tpu.vector_load_idx %arg13[%add3A_115] : memref<4096xf32, #tpu.memory_space<vmem>>[vector<16xi32>], vector<16xf32>,
        %add3A_117 = arith.constant 3 : i32
        %add3A_118 = vector.broadcast %add3A_117 : i32 to vector<16xi32>
        %add3A_119 = arith.addi %mul3A_108, %add3A_118 : vector<16xi32>
        %gather3A_120 = tpu.vector_load_idx %arg13[%add3A_119] : memref<4096xf32, #tpu.memory_space<vmem>>[vector<16xi32>], vector<16xf32>,
        %mul3A_121 = arith.constant 1.270000e+02 : f32
        %mul3A_122 = vector.broadcast %mul3A_121 : f32 to vector<16xf32>
        %mul3A_123 = arith.mulf %gather3A, %mul3A_122 : vector<16xf32>
        %mul3A_124 = arith.constant 1.270000e+02 : f32
        %mul3A_125 = vector.broadcast %mul3A_124 : f32 to vector<16xf32>
        %mul3A_126 = arith.mulf %gather3A_112, %mul3A_125 : vector<16xf32>
        %mul3A_127 = arith.constant 1.270000e+02 : f32
        %mul3A_128 = vector.broadcast %mul3A_127 : f32 to vector<16xf32>
        %mul3A_129 = arith.mulf %gather3A_116, %mul3A_128 : vector<16xf32>
        %mul3A_130 = arith.constant 7.000000e+00 : f32
        %mul3A_131 = vector.broadcast %mul3A_130 : f32 to vector<16xf32>
        %mul3A_132 = arith.mulf %gather3A_120, %mul3A_131 : vector<16xf32>
        %convert_element_type3A_133 = arith.fptosi %mul3A_123 : vector<16xf32> to vector<16xi32>
        %max3A = arith.constant 0 : i32
        %max3A_134 = vector.broadcast %max3A : i32 to vector<16xi32>
        %max3A_135 = arith.maxsi %convert_element_type3A_133, %max3A_134 : vector<16xi32>
        %min3A = arith.constant 126 : i32
        %min3A_136 = vector.broadcast %min3A : i32 to vector<16xi32>
        %min3A_137 = arith.minsi %max3A_135, %min3A_136 : vector<16xi32>
        %convert_element_type3A_138 = arith.fptosi %mul3A_126 : vector<16xf32> to vector<16xi32>
        %max3A_139 = arith.constant 0 : i32
        %max3A_140 = vector.broadcast %max3A_139 : i32 to vector<16xi32>
        %max3A_141 = arith.maxsi %convert_element_type3A_138, %max3A_140 : vector<16xi32>
        %min3A_142 = arith.constant 126 : i32
        %min3A_143 = vector.broadcast %min3A_142 : i32 to vector<16xi32>
        %min3A_144 = arith.minsi %max3A_141, %min3A_143 : vector<16xi32>
        %convert_element_type3A_145 = arith.fptosi %mul3A_129 : vector<16xf32> to vector<16xi32>
        %max3A_146 = arith.constant 0 : i32
        %max3A_147 = vector.broadcast %max3A_146 : i32 to vector<16xi32>
        %max3A_148 = arith.maxsi %convert_element_type3A_145, %max3A_147 : vector<16xi32>
        %min3A_149 = arith.constant 126 : i32
        %min3A_150 = vector.broadcast %min3A_149 : i32 to vector<16xi32>
        %min3A_151 = arith.minsi %max3A_148, %min3A_150 : vector<16xi32>
        %convert_element_type3A_152 = arith.fptosi %mul3A_132 : vector<16xf32> to vector<16xi32>
        %max3A_153 = arith.constant 0 : i32
        %max3A_154 = vector.broadcast %max3A_153 : i32 to vector<16xi32>
        %max3A_155 = arith.maxsi %convert_element_type3A_152, %max3A_154 : vector<16xi32>
        %min3A_156 = arith.constant 6 : i32
        %min3A_157 = vector.broadcast %min3A_156 : i32 to vector<16xi32>
        %min3A_158 = arith.minsi %max3A_155, %min3A_157 : vector<16xi32>
        %convert_element_type3A_159 = arith.sitofp %min3A_137 : vector<16xi32> to vector<16xf32>
        %sub3A = arith.subf %mul3A_123, %convert_element_type3A_159 : vector<16xf32>
        %mul3A_160 = arith.constant 16 : i32
        %mul3A_161 = arith.muli %scan3A_100, %mul3A_160 : i32
        %swap3A = arith.index_cast %mul3A_161 : i32 to index
        %swap3A_162 = tpu.vector_load %arg17[%swap3A] {strides = array<i32>} : memref<4096xf32, #tpu.memory_space<vmem>>, vector<16xf32>,
        tpu.vector_store %arg17[%swap3A], %sub3A {strides = array<i32>} : memref<4096xf32, #tpu.memory_space<vmem>>, vector<16xf32>,
        %convert_element_type3A_163 = arith.sitofp %min3A_144 : vector<16xi32> to vector<16xf32>
        %sub3A_164 = arith.subf %mul3A_126, %convert_element_type3A_163 : vector<16xf32>
        %mul3A_165 = arith.constant 16 : i32
        %mul3A_166 = arith.muli %scan3A_100, %mul3A_165 : i32
        %add3A_167 = arith.constant 1024 : i32
        %add3A_168 = arith.addi %add3A_167, %mul3A_166 : i32
        %swap3A_169 = arith.index_cast %add3A_168 : i32 to index
        %swap3A_170 = tpu.vector_load %arg17[%swap3A_169] {strides = array<i32>} : memref<4096xf32, #tpu.memory_space<vmem>>, vector<16xf32>,
        tpu.vector_store %arg17[%swap3A_169], %sub3A_164 {strides = array<i32>} : memref<4096xf32, #tpu.memory_space<vmem>>, vector<16xf32>,
        %convert_element_type3A_171 = arith.sitofp %min3A_151 : vector<16xi32> to vector<16xf32>
        %sub3A_172 = arith.subf %mul3A_129, %convert_element_type3A_171 : vector<16xf32>
        %mul3A_173 = arith.constant 16 : i32
        %mul3A_174 = arith.muli %scan3A_100, %mul3A_173 : i32
        %add3A_175 = arith.constant 2048 : i32
        %add3A_176 = arith.addi %add3A_175, %mul3A_174 : i32
        %swap3A_177 = arith.index_cast %add3A_176 : i32 to index
        %swap3A_178 = tpu.vector_load %arg17[%swap3A_177] {strides = array<i32>} : memref<4096xf32, #tpu.memory_space<vmem>>, vector<16xf32>,
        tpu.vector_store %arg17[%swap3A_177], %sub3A_172 {strides = array<i32>} : memref<4096xf32, #tpu.memory_space<vmem>>, vector<16xf32>,
        %convert_element_type3A_179 = arith.sitofp %min3A_158 : vector<16xi32> to vector<16xf32>
        %sub3A_180 = arith.subf %mul3A_132, %convert_element_type3A_179 : vector<16xf32>
        %mul3A_181 = arith.constant 16 : i32
        %mul3A_182 = arith.muli %scan3A_100, %mul3A_181 : i32
        %add3A_183 = arith.constant 3072 : i32
        %add3A_184 = arith.addi %add3A_183, %mul3A_182 : i32
        %swap3A_185 = arith.index_cast %add3A_184 : i32 to index
        %swap3A_186 = tpu.vector_load %arg17[%swap3A_185] {strides = array<i32>} : memref<4096xf32, #tpu.memory_space<vmem>>, vector<16xf32>,
        tpu.vector_store %arg17[%swap3A_185], %sub3A_180 {strides = array<i32>} : memref<4096xf32, #tpu.memory_space<vmem>>, vector<16xf32>,
        %mul3A_187 = arith.constant 2097152 : i32
        %mul3A_188 = vector.broadcast %mul3A_187 : i32 to vector<16xi32>
        %mul3A_189 = arith.muli %min3A_158, %mul3A_188 : vector<16xi32>
        %mul3A_190 = arith.constant 16384 : i32
        %mul3A_191 = vector.broadcast %mul3A_190 : i32 to vector<16xi32>
        %mul3A_192 = arith.muli %min3A_137, %mul3A_191 : vector<16xi32>
        %add3A_193 = arith.addi %mul3A_189, %mul3A_192 : vector<16xi32>
        %mul3A_194 = arith.constant 128 : i32
        %mul3A_195 = vector.broadcast %mul3A_194 : i32 to vector<16xi32>
        %mul3A_196 = arith.muli %min3A_144, %mul3A_195 : vector<16xi32>
        %add3A_197 = arith.addi %add3A_193, %mul3A_196 : vector<16xi32>
        %add3A_198 = arith.addi %add3A_197, %min3A_151 : vector<16xi32>
        %mul3A_199 = arith.constant 16 : i32
        %mul3A_200 = arith.muli %scan3A_100, %mul3A_199 : i32
        %add3A_201 = vector.broadcast %mul3A_200 : i32 to vector<16xi32>
        %add3A_202 = arith.addi %add3A_201, %iota3A : vector<16xi32>
        %mul3A_203 = arith.constant 16 : i32
        %mul3A_204 = vector.broadcast %mul3A_203 : i32 to vector<16xi32>
        %mul3A_205 = arith.muli %add3A_202, %mul3A_204 : vector<16xi32>
        %add3A_206 = arith.constant 0 : i32
        %add3A_207 = vector.broadcast %add3A_206 : i32 to vector<16xi32>
        %add3A_208 = arith.addi %mul3A_205, %add3A_207 : vector<16xi32>
        %add3A_209 = arith.constant 0 : i32
        %add3A_210 = vector.broadcast %add3A_209 : i32 to vector<16xi32>
        %add3A_211 = arith.addi %add3A_198, %add3A_210 : vector<16xi32>
        tpu.vector_store_idx %arg14[%add3A_208], %add3A_211 : memref<16384xi32, #tpu.memory_space<vmem>>[vector<16xi32>], vector<16xi32>,
        %add3A_212 = arith.constant 1 : i32
        %add3A_213 = vector.broadcast %add3A_212 : i32 to vector<16xi32>
        %add3A_214 = arith.addi %mul3A_205, %add3A_213 : vector<16xi32>
        %add3A_215 = arith.constant 1 : i32
        %add3A_216 = vector.broadcast %add3A_215 : i32 to vector<16xi32>
        %add3A_217 = arith.addi %add3A_198, %add3A_216 : vector<16xi32>
        tpu.vector_store_idx %arg14[%add3A_214], %add3A_217 : memref<16384xi32, #tpu.memory_space<vmem>>[vector<16xi32>], vector<16xi32>,
        %add3A_218 = arith.constant 2 : i32
        %add3A_219 = vector.broadcast %add3A_218 : i32 to vector<16xi32>
        %add3A_220 = arith.addi %mul3A_205, %add3A_219 : vector<16xi32>
        %add3A_221 = arith.constant 128 : i32
        %add3A_222 = vector.broadcast %add3A_221 : i32 to vector<16xi32>
        %add3A_223 = arith.addi %add3A_198, %add3A_222 : vector<16xi32>
        tpu.vector_store_idx %arg14[%add3A_220], %add3A_223 : memref<16384xi32, #tpu.memory_space<vmem>>[vector<16xi32>], vector<16xi32>,
        %add3A_224 = arith.constant 3 : i32
        %add3A_225 = vector.broadcast %add3A_224 : i32 to vector<16xi32>
        %add3A_226 = arith.addi %mul3A_205, %add3A_225 : vector<16xi32>
        %add3A_227 = arith.constant 129 : i32
        %add3A_228 = vector.broadcast %add3A_227 : i32 to vector<16xi32>
        %add3A_229 = arith.addi %add3A_198, %add3A_228 : vector<16xi32>
        tpu.vector_store_idx %arg14[%add3A_226], %add3A_229 : memref<16384xi32, #tpu.memory_space<vmem>>[vector<16xi32>], vector<16xi32>,
        %add3A_230 = arith.constant 4 : i32
        %add3A_231 = vector.broadcast %add3A_230 : i32 to vector<16xi32>
        %add3A_232 = arith.addi %mul3A_205, %add3A_231 : vector<16xi32>
        %add3A_233 = arith.constant 16384 : i32
        %add3A_234 = vector.broadcast %add3A_233 : i32 to vector<16xi32>
        %add3A_235 = arith.addi %add3A_198, %add3A_234 : vector<16xi32>
        tpu.vector_store_idx %arg14[%add3A_232], %add3A_235 : memref<16384xi32, #tpu.memory_space<vmem>>[vector<16xi32>], vector<16xi32>,
        %add3A_236 = arith.constant 5 : i32
        %add3A_237 = vector.broadcast %add3A_236 : i32 to vector<16xi32>
        %add3A_238 = arith.addi %mul3A_205, %add3A_237 : vector<16xi32>
        %add3A_239 = arith.constant 16385 : i32
        %add3A_240 = vector.broadcast %add3A_239 : i32 to vector<16xi32>
        %add3A_241 = arith.addi %add3A_198, %add3A_240 : vector<16xi32>
        tpu.vector_store_idx %arg14[%add3A_238], %add3A_241 : memref<16384xi32, #tpu.memory_space<vmem>>[vector<16xi32>], vector<16xi32>,
        %add3A_242 = arith.constant 6 : i32
        %add3A_243 = vector.broadcast %add3A_242 : i32 to vector<16xi32>
        %add3A_244 = arith.addi %mul3A_205, %add3A_243 : vector<16xi32>
        %add3A_245 = arith.constant 16512 : i32
        %add3A_246 = vector.broadcast %add3A_245 : i32 to vector<16xi32>
        %add3A_247 = arith.addi %add3A_198, %add3A_246 : vector<16xi32>
        tpu.vector_store_idx %arg14[%add3A_244], %add3A_247 : memref<16384xi32, #tpu.memory_space<vmem>>[vector<16xi32>], vector<16xi32>,
        %add3A_248 = arith.constant 7 : i32
        %add3A_249 = vector.broadcast %add3A_248 : i32 to vector<16xi32>
        %add3A_250 = arith.addi %mul3A_205, %add3A_249 : vector<16xi32>
        %add3A_251 = arith.constant 16513 : i32
        %add3A_252 = vector.broadcast %add3A_251 : i32 to vector<16xi32>
        %add3A_253 = arith.addi %add3A_198, %add3A_252 : vector<16xi32>
        tpu.vector_store_idx %arg14[%add3A_250], %add3A_253 : memref<16384xi32, #tpu.memory_space<vmem>>[vector<16xi32>], vector<16xi32>,
        %add3A_254 = arith.constant 8 : i32
        %add3A_255 = vector.broadcast %add3A_254 : i32 to vector<16xi32>
        %add3A_256 = arith.addi %mul3A_205, %add3A_255 : vector<16xi32>
        %add3A_257 = arith.constant 2097152 : i32
        %add3A_258 = vector.broadcast %add3A_257 : i32 to vector<16xi32>
        %add3A_259 = arith.addi %add3A_198, %add3A_258 : vector<16xi32>
        tpu.vector_store_idx %arg14[%add3A_256], %add3A_259 : memref<16384xi32, #tpu.memory_space<vmem>>[vector<16xi32>], vector<16xi32>,
        %add3A_260 = arith.constant 9 : i32
        %add3A_261 = vector.broadcast %add3A_260 : i32 to vector<16xi32>
        %add3A_262 = arith.addi %mul3A_205, %add3A_261 : vector<16xi32>
        %add3A_263 = arith.constant 2097153 : i32
        %add3A_264 = vector.broadcast %add3A_263 : i32 to vector<16xi32>
        %add3A_265 = arith.addi %add3A_198, %add3A_264 : vector<16xi32>
        tpu.vector_store_idx %arg14[%add3A_262], %add3A_265 : memref<16384xi32, #tpu.memory_space<vmem>>[vector<16xi32>], vector<16xi32>,
        %add3A_266 = arith.constant 10 : i32
        %add3A_267 = vector.broadcast %add3A_266 : i32 to vector<16xi32>
        %add3A_268 = arith.addi %mul3A_205, %add3A_267 : vector<16xi32>
        %add3A_269 = arith.constant 2097280 : i32
        %add3A_270 = vector.broadcast %add3A_269 : i32 to vector<16xi32>
        %add3A_271 = arith.addi %add3A_198, %add3A_270 : vector<16xi32>
        tpu.vector_store_idx %arg14[%add3A_268], %add3A_271 : memref<16384xi32, #tpu.memory_space<vmem>>[vector<16xi32>], vector<16xi32>,
        %add3A_272 = arith.constant 11 : i32
        %add3A_273 = vector.broadcast %add3A_272 : i32 to vector<16xi32>
        %add3A_274 = arith.addi %mul3A_205, %add3A_273 : vector<16xi32>
        %add3A_275 = arith.constant 2097281 : i32
        %add3A_276 = vector.broadcast %add3A_275 : i32 to vector<16xi32>
        %add3A_277 = arith.addi %add3A_198, %add3A_276 : vector<16xi32>
        tpu.vector_store_idx %arg14[%add3A_274], %add3A_277 : memref<16384xi32, #tpu.memory_space<vmem>>[vector<16xi32>], vector<16xi32>,
        %add3A_278 = arith.constant 12 : i32
        %add3A_279 = vector.broadcast %add3A_278 : i32 to vector<16xi32>
        %add3A_280 = arith.addi %mul3A_205, %add3A_279 : vector<16xi32>
        %add3A_281 = arith.constant 2113536 : i32
        %add3A_282 = vector.broadcast %add3A_281 : i32 to vector<16xi32>
        %add3A_283 = arith.addi %add3A_198, %add3A_282 : vector<16xi32>
        tpu.vector_store_idx %arg14[%add3A_280], %add3A_283 : memref<16384xi32, #tpu.memory_space<vmem>>[vector<16xi32>], vector<16xi32>,
        %add3A_284 = arith.constant 13 : i32
        %add3A_285 = vector.broadcast %add3A_284 : i32 to vector<16xi32>
        %add3A_286 = arith.addi %mul3A_205, %add3A_285 : vector<16xi32>
        %add3A_287 = arith.constant 2113537 : i32
        %add3A_288 = vector.broadcast %add3A_287 : i32 to vector<16xi32>
        %add3A_289 = arith.addi %add3A_198, %add3A_288 : vector<16xi32>
        tpu.vector_store_idx %arg14[%add3A_286], %add3A_289 : memref<16384xi32, #tpu.memory_space<vmem>>[vector<16xi32>], vector<16xi32>,
        %add3A_290 = arith.constant 14 : i32
        %add3A_291 = vector.broadcast %add3A_290 : i32 to vector<16xi32>
        %add3A_292 = arith.addi %mul3A_205, %add3A_291 : vector<16xi32>
        %add3A_293 = arith.constant 2113664 : i32
        %add3A_294 = vector.broadcast %add3A_293 : i32 to vector<16xi32>
        %add3A_295 = arith.addi %add3A_198, %add3A_294 : vector<16xi32>
        tpu.vector_store_idx %arg14[%add3A_292], %add3A_295 : memref<16384xi32, #tpu.memory_space<vmem>>[vector<16xi32>], vector<16xi32>,
        %add3A_296 = arith.constant 15 : i32
        %add3A_297 = vector.broadcast %add3A_296 : i32 to vector<16xi32>
        %add3A_298 = arith.addi %mul3A_205, %add3A_297 : vector<16xi32>
        %add3A_299 = arith.constant 2113665 : i32
        %add3A_300 = vector.broadcast %add3A_299 : i32 to vector<16xi32>
        %add3A_301 = arith.addi %add3A_198, %add3A_300 : vector<16xi32>
        tpu.vector_store_idx %arg14[%add3A_298], %add3A_301 : memref<16384xi32, #tpu.memory_space<vmem>>[vector<16xi32>], vector<16xi32>,
        %scan3A_302 = arith.constant 0 : i32
        scf.yield %scan3A_302 : i32
      }
      %scan3A_46 = arith.constant 64 : i32
      %scan3A_47 = arith.constant 0 : i32
      %scan3A_48 = arith.constant 0 : i32
      %scan3A_49 = arith.constant 128 : i32
      %scan3A_50 = arith.addi %scan3A_48, %scan3A_49 : i32
      %scan3A_51 = arith.constant 1 : i32
      %scan3A_52 = scf.for %scan3A_100 = %scan3A_48 to %scan3A_50 step %scan3A_51 iter_args(%scan3A_101 = %scan3A_47) -> (i32)  : i32 {
        %mul3A_102 = arith.constant 128 : i32
        %mul3A_103 = arith.muli %scan3A_100, %mul3A_102 : i32
        %dma_start3A = tpu.memref_slice %arg15[%mul3A_103] : memref<16384xf32, #tpu.memory_space<vmem>> -> memref<128xf32, #tpu.memory_space<vmem>>
        %dma_start3A_104 = tpu.memref_slice %arg14[%mul3A_103] : memref<16384xi32, #tpu.memory_space<vmem>> -> memref<128xi32, #tpu.memory_space<vmem>>
        %dma_start3A_105 = arith.constant 0 : i32
        %dma_start3A_106 = tpu.memref_slice %arg3[%dma_start3A_105] : memref<16777216xf32, #tpu.memory_space<hbm>> -> memref<16777216xf32, #tpu.memory_space<hbm>>
        tpu.enqueue_indirect_dma source(%dma_start3A_106 : memref<16777216xf32, #tpu.memory_space<hbm>>) target(%dma_start3A : memref<128xf32, #tpu.memory_space<vmem>>) offsets(%dma_start3A_104 : memref<128xi32, #tpu.memory_space<vmem>>) semaphore(%arg18 : memref<!tpu.dma_semaphore, #tpu.memory_space<semaphore_mem>>)
        %dma_start3A_107 = tpu.memref_slice %arg16[%mul3A_103] : memref<16384xf32, #tpu.memory_space<vmem>> -> memref<128xf32, #tpu.memory_space<vmem>>
        %dma_start3A_108 = tpu.memref_slice %arg14[%mul3A_103] : memref<16384xi32, #tpu.memory_space<vmem>> -> memref<128xi32, #tpu.memory_space<vmem>>
        %dma_start3A_109 = arith.constant 0 : i32
        %dma_start3A_110 = tpu.memref_slice %arg4[%dma_start3A_109] : memref<16777216xf32, #tpu.memory_space<hbm>> -> memref<16777216xf32, #tpu.memory_space<hbm>>
        tpu.enqueue_indirect_dma source(%dma_start3A_110 : memref<16777216xf32, #tpu.memory_space<hbm>>) target(%dma_start3A_107 : memref<128xf32, #tpu.memory_space<vmem>>) offsets(%dma_start3A_108 : memref<128xi32, #tpu.memory_space<vmem>>) semaphore(%arg18 : memref<!tpu.dma_semaphore, #tpu.memory_space<semaphore_mem>>)
        %scan3A_111 = arith.constant 0 : i32
        scf.yield %scan3A_111 : i32
      }
      %scan3A_53 = arith.constant 128 : i32
      %mul3A_54 = arith.constant 32768 : i32
      %mul3A_55 = arith.muli %add3A, %mul3A_54 : i32
      %mul3A_56 = arith.constant 1024 : i32
      %mul3A_57 = arith.muli %mul3A_30, %mul3A_56 : i32
      %add3A_58 = arith.addi %mul3A_55, %mul3A_57 : i32
      %dma_wait3A = arith.constant 0 : i32
      %dma_wait3A_59 = tpu.memref_slice %arg3[%dma_wait3A] : memref<16777216xf32, #tpu.memory_space<hbm>> -> memref<16384xf32, #tpu.memory_space<hbm>>
      %dma_wait3A_60 = arith.constant 0 : i32
      %dma_wait3A_61 = tpu.memref_slice %arg3[%dma_wait3A_60] : memref<16777216xf32, #tpu.memory_space<hbm>> -> memref<16384xf32, #tpu.memory_space<hbm>>
      tpu.wait_dma2 semaphore(%arg12 : memref<!tpu.dma_semaphore, #tpu.memory_space<semaphore_mem>>) src(%dma_wait3A_61 : memref<16384xf32, #tpu.memory_space<hbm>>) dst(%arg9 : memref<16384xf32, #tpu.memory_space<vmem>>)
      %dma_wait3A_62 = arith.constant 0 : i32
      %dma_wait3A_63 = tpu.memref_slice %arg4[%dma_wait3A_62] : memref<16777216xf32, #tpu.memory_space<hbm>> -> memref<16384xf32, #tpu.memory_space<hbm>>
      %dma_wait3A_64 = arith.constant 0 : i32
      %dma_wait3A_65 = tpu.memref_slice %arg4[%dma_wait3A_64] : memref<16777216xf32, #tpu.memory_space<hbm>> -> memref<16384xf32, #tpu.memory_space<hbm>>
      tpu.wait_dma2 semaphore(%arg12 : memref<!tpu.dma_semaphore, #tpu.memory_space<semaphore_mem>>) src(%dma_wait3A_65 : memref<16384xf32, #tpu.memory_space<hbm>>) dst(%arg10 : memref<16384xf32, #tpu.memory_space<vmem>>)
      %scan3A_66 = arith.constant 0 : i32
      %scan3A_67 = arith.constant 0 : i32
      %scan3A_68 = arith.constant 64 : i32
      %scan3A_69 = arith.addi %scan3A_67, %scan3A_68 : i32
      %scan3A_70 = arith.constant 1 : i32
      %scan3A_71 = scf.for %scan3A_100 = %scan3A_67 to %scan3A_69 step %scan3A_70 iter_args(%scan3A_101 = %scan3A_66) -> (i32)  : i32 {
        %mul3A_102 = arith.constant 16 : i32
        %mul3A_103 = arith.muli %scan3A_100, %mul3A_102 : i32
        %get3A = arith.index_cast %mul3A_103 : i32 to index
        %get3A_104 = tpu.vector_load %arg11[%get3A] {strides = array<i32>} : memref<4096xf32, #tpu.memory_space<vmem>>, vector<16xf32>,
        %mul3A_105 = arith.constant 16 : i32
        %mul3A_106 = arith.muli %scan3A_100, %mul3A_105 : i32
        %add3A_107 = arith.constant 1024 : i32
        %add3A_108 = arith.addi %add3A_107, %mul3A_106 : i32
        %get3A_109 = arith.index_cast %add3A_108 : i32 to index
        %get3A_110 = tpu.vector_load %arg11[%get3A_109] {strides = array<i32>} : memref<4096xf32, #tpu.memory_space<vmem>>, vector<16xf32>,
        %mul3A_111 = arith.constant 16 : i32
        %mul3A_112 = arith.muli %scan3A_100, %mul3A_111 : i32
        %add3A_113 = arith.constant 2048 : i32
        %add3A_114 = arith.addi %add3A_113, %mul3A_112 : i32
        %get3A_115 = arith.index_cast %add3A_114 : i32 to index
        %get3A_116 = tpu.vector_load %arg11[%get3A_115] {strides = array<i32>} : memref<4096xf32, #tpu.memory_space<vmem>>, vector<16xf32>,
        %mul3A_117 = arith.constant 16 : i32
        %mul3A_118 = arith.muli %scan3A_100, %mul3A_117 : i32
        %add3A_119 = arith.constant 3072 : i32
        %add3A_120 = arith.addi %add3A_119, %mul3A_118 : i32
        %get3A_121 = arith.index_cast %add3A_120 : i32 to index
        %get3A_122 = tpu.vector_load %arg11[%get3A_121] {strides = array<i32>} : memref<4096xf32, #tpu.memory_space<vmem>>, vector<16xf32>,
        %mul3A_123 = arith.constant 16 : i32
        %mul3A_124 = arith.muli %scan3A_100, %mul3A_123 : i32
        %add3A_125 = vector.broadcast %mul3A_124 : i32 to vector<16xi32>
        %add3A_126 = arith.addi %add3A_125, %iota3A : vector<16xi32>
        %mul3A_127 = arith.constant 16 : i32
        %mul3A_128 = vector.broadcast %mul3A_127 : i32 to vector<16xi32>
        %mul3A_129 = arith.muli %add3A_126, %mul3A_128 : vector<16xi32>
        %add3A_130 = arith.constant 0 : i32
        %add3A_131 = vector.broadcast %add3A_130 : i32 to vector<16xi32>
        %add3A_132 = arith.addi %mul3A_129, %add3A_131 : vector<16xi32>
        %gather3A = tpu.vector_load_idx %arg9[%add3A_132] : memref<16384xf32, #tpu.memory_space<vmem>>[vector<16xi32>], vector<16xf32>,
        %add3A_133 = arith.constant 1 : i32
        %add3A_134 = vector.broadcast %add3A_133 : i32 to vector<16xi32>
        %add3A_135 = arith.addi %mul3A_129, %add3A_134 : vector<16xi32>
        %gather3A_136 = tpu.vector_load_idx %arg9[%add3A_135] : memref<16384xf32, #tpu.memory_space<vmem>>[vector<16xi32>], vector<16xf32>,
        %add3A_137 = arith.constant 2 : i32
        %add3A_138 = vector.broadcast %add3A_137 : i32 to vector<16xi32>
        %add3A_139 = arith.addi %mul3A_129, %add3A_138 : vector<16xi32>
        %gather3A_140 = tpu.vector_load_idx %arg9[%add3A_139] : memref<16384xf32, #tpu.memory_space<vmem>>[vector<16xi32>], vector<16xf32>,
        %add3A_141 = arith.constant 3 : i32
        %add3A_142 = vector.broadcast %add3A_141 : i32 to vector<16xi32>
        %add3A_143 = arith.addi %mul3A_129, %add3A_142 : vector<16xi32>
        %gather3A_144 = tpu.vector_load_idx %arg9[%add3A_143] : memref<16384xf32, #tpu.memory_space<vmem>>[vector<16xi32>], vector<16xf32>,
        %add3A_145 = arith.constant 4 : i32
        %add3A_146 = vector.broadcast %add3A_145 : i32 to vector<16xi32>
        %add3A_147 = arith.addi %mul3A_129, %add3A_146 : vector<16xi32>
        %gather3A_148 = tpu.vector_load_idx %arg9[%add3A_147] : memref<16384xf32, #tpu.memory_space<vmem>>[vector<16xi32>], vector<16xf32>,
        %add3A_149 = arith.constant 5 : i32
        %add3A_150 = vector.broadcast %add3A_149 : i32 to vector<16xi32>
        %add3A_151 = arith.addi %mul3A_129, %add3A_150 : vector<16xi32>
        %gather3A_152 = tpu.vector_load_idx %arg9[%add3A_151] : memref<16384xf32, #tpu.memory_space<vmem>>[vector<16xi32>], vector<16xf32>,
        %add3A_153 = arith.constant 6 : i32
        %add3A_154 = vector.broadcast %add3A_153 : i32 to vector<16xi32>
        %add3A_155 = arith.addi %mul3A_129, %add3A_154 : vector<16xi32>
        %gather3A_156 = tpu.vector_load_idx %arg9[%add3A_155] : memref<16384xf32, #tpu.memory_space<vmem>>[vector<16xi32>], vector<16xf32>,
        %add3A_157 = arith.constant 7 : i32
        %add3A_158 = vector.broadcast %add3A_157 : i32 to vector<16xi32>
        %add3A_159 = arith.addi %mul3A_129, %add3A_158 : vector<16xi32>
        %gather3A_160 = tpu.vector_load_idx %arg9[%add3A_159] : memref<16384xf32, #tpu.memory_space<vmem>>[vector<16xi32>], vector<16xf32>,
        %sub3A = arith.subf %gather3A_136, %gather3A : vector<16xf32>
        %mul3A_161 = arith.mulf %get3A_116, %sub3A : vector<16xf32>
        %add3A_162 = arith.addf %gather3A, %mul3A_161 : vector<16xf32>
        %sub3A_163 = arith.subf %gather3A_144, %gather3A_140 : vector<16xf32>
        %mul3A_164 = arith.mulf %get3A_116, %sub3A_163 : vector<16xf32>
        %add3A_165 = arith.addf %gather3A_140, %mul3A_164 : vector<16xf32>
        %sub3A_166 = arith.subf %gather3A_152, %gather3A_148 : vector<16xf32>
        %mul3A_167 = arith.mulf %get3A_116, %sub3A_166 : vector<16xf32>
        %add3A_168 = arith.addf %gather3A_148, %mul3A_167 : vector<16xf32>
        %sub3A_169 = arith.subf %gather3A_160, %gather3A_156 : vector<16xf32>
        %mul3A_170 = arith.mulf %get3A_116, %sub3A_169 : vector<16xf32>
        %add3A_171 = arith.addf %gather3A_156, %mul3A_170 : vector<16xf32>
        %sub3A_172 = arith.subf %add3A_165, %add3A_162 : vector<16xf32>
        %mul3A_173 = arith.mulf %get3A_110, %sub3A_172 : vector<16xf32>
        %add3A_174 = arith.addf %add3A_162, %mul3A_173 : vector<16xf32>
        %sub3A_175 = arith.subf %add3A_171, %add3A_168 : vector<16xf32>
        %mul3A_176 = arith.mulf %get3A_110, %sub3A_175 : vector<16xf32>
        %add3A_177 = arith.addf %add3A_168, %mul3A_176 : vector<16xf32>
        %sub3A_178 = arith.subf %add3A_177, %add3A_174 : vector<16xf32>
        %mul3A_179 = arith.mulf %get3A_104, %sub3A_178 : vector<16xf32>
        %add3A_180 = arith.addf %add3A_174, %mul3A_179 : vector<16xf32>
        %add3A_181 = arith.constant 8 : i32
        %add3A_182 = vector.broadcast %add3A_181 : i32 to vector<16xi32>
        %add3A_183 = arith.addi %mul3A_129, %add3A_182 : vector<16xi32>
        %gather3A_184 = tpu.vector_load_idx %arg9[%add3A_183] : memref<16384xf32, #tpu.memory_space<vmem>>[vector<16xi32>], vector<16xf32>,
        %add3A_185 = arith.constant 9 : i32
        %add3A_186 = vector.broadcast %add3A_185 : i32 to vector<16xi32>
        %add3A_187 = arith.addi %mul3A_129, %add3A_186 : vector<16xi32>
        %gather3A_188 = tpu.vector_load_idx %arg9[%add3A_187] : memref<16384xf32, #tpu.memory_space<vmem>>[vector<16xi32>], vector<16xf32>,
        %add3A_189 = arith.constant 10 : i32
        %add3A_190 = vector.broadcast %add3A_189 : i32 to vector<16xi32>
        %add3A_191 = arith.addi %mul3A_129, %add3A_190 : vector<16xi32>
        %gather3A_192 = tpu.vector_load_idx %arg9[%add3A_191] : memref<16384xf32, #tpu.memory_space<vmem>>[vector<16xi32>], vector<16xf32>,
        %add3A_193 = arith.constant 11 : i32
        %add3A_194 = vector.broadcast %add3A_193 : i32 to vector<16xi32>
        %add3A_195 = arith.addi %mul3A_129, %add3A_194 : vector<16xi32>
        %gather3A_196 = tpu.vector_load_idx %arg9[%add3A_195] : memref<16384xf32, #tpu.memory_space<vmem>>[vector<16xi32>], vector<16xf32>,
        %add3A_197 = arith.constant 12 : i32
        %add3A_198 = vector.broadcast %add3A_197 : i32 to vector<16xi32>
        %add3A_199 = arith.addi %mul3A_129, %add3A_198 : vector<16xi32>
        %gather3A_200 = tpu.vector_load_idx %arg9[%add3A_199] : memref<16384xf32, #tpu.memory_space<vmem>>[vector<16xi32>], vector<16xf32>,
        %add3A_201 = arith.constant 13 : i32
        %add3A_202 = vector.broadcast %add3A_201 : i32 to vector<16xi32>
        %add3A_203 = arith.addi %mul3A_129, %add3A_202 : vector<16xi32>
        %gather3A_204 = tpu.vector_load_idx %arg9[%add3A_203] : memref<16384xf32, #tpu.memory_space<vmem>>[vector<16xi32>], vector<16xf32>,
        %add3A_205 = arith.constant 14 : i32
        %add3A_206 = vector.broadcast %add3A_205 : i32 to vector<16xi32>
        %add3A_207 = arith.addi %mul3A_129, %add3A_206 : vector<16xi32>
        %gather3A_208 = tpu.vector_load_idx %arg9[%add3A_207] : memref<16384xf32, #tpu.memory_space<vmem>>[vector<16xi32>], vector<16xf32>,
        %add3A_209 = arith.constant 15 : i32
        %add3A_210 = vector.broadcast %add3A_209 : i32 to vector<16xi32>
        %add3A_211 = arith.addi %mul3A_129, %add3A_210 : vector<16xi32>
        %gather3A_212 = tpu.vector_load_idx %arg9[%add3A_211] : memref<16384xf32, #tpu.memory_space<vmem>>[vector<16xi32>], vector<16xf32>,
        %sub3A_213 = arith.subf %gather3A_188, %gather3A_184 : vector<16xf32>
        %mul3A_214 = arith.mulf %get3A_116, %sub3A_213 : vector<16xf32>
        %add3A_215 = arith.addf %gather3A_184, %mul3A_214 : vector<16xf32>
        %sub3A_216 = arith.subf %gather3A_196, %gather3A_192 : vector<16xf32>
        %mul3A_217 = arith.mulf %get3A_116, %sub3A_216 : vector<16xf32>
        %add3A_218 = arith.addf %gather3A_192, %mul3A_217 : vector<16xf32>
        %sub3A_219 = arith.subf %gather3A_204, %gather3A_200 : vector<16xf32>
        %mul3A_220 = arith.mulf %get3A_116, %sub3A_219 : vector<16xf32>
        %add3A_221 = arith.addf %gather3A_200, %mul3A_220 : vector<16xf32>
        %sub3A_222 = arith.subf %gather3A_212, %gather3A_208 : vector<16xf32>
        %mul3A_223 = arith.mulf %get3A_116, %sub3A_222 : vector<16xf32>
        %add3A_224 = arith.addf %gather3A_208, %mul3A_223 : vector<16xf32>
        %sub3A_225 = arith.subf %add3A_218, %add3A_215 : vector<16xf32>
        %mul3A_226 = arith.mulf %get3A_110, %sub3A_225 : vector<16xf32>
        %add3A_227 = arith.addf %add3A_215, %mul3A_226 : vector<16xf32>
        %sub3A_228 = arith.subf %add3A_224, %add3A_221 : vector<16xf32>
        %mul3A_229 = arith.mulf %get3A_110, %sub3A_228 : vector<16xf32>
        %add3A_230 = arith.addf %add3A_221, %mul3A_229 : vector<16xf32>
        %sub3A_231 = arith.subf %add3A_230, %add3A_227 : vector<16xf32>
        %mul3A_232 = arith.mulf %get3A_104, %sub3A_231 : vector<16xf32>
        %add3A_233 = arith.addf %add3A_227, %mul3A_232 : vector<16xf32>
        %add3A_234 = arith.constant 0 : i32
        %add3A_235 = vector.broadcast %add3A_234 : i32 to vector<16xi32>
        %add3A_236 = arith.addi %mul3A_129, %add3A_235 : vector<16xi32>
        %gather3A_237 = tpu.vector_load_idx %arg10[%add3A_236] : memref<16384xf32, #tpu.memory_space<vmem>>[vector<16xi32>], vector<16xf32>,
        %add3A_238 = arith.constant 1 : i32
        %add3A_239 = vector.broadcast %add3A_238 : i32 to vector<16xi32>
        %add3A_240 = arith.addi %mul3A_129, %add3A_239 : vector<16xi32>
        %gather3A_241 = tpu.vector_load_idx %arg10[%add3A_240] : memref<16384xf32, #tpu.memory_space<vmem>>[vector<16xi32>], vector<16xf32>,
        %add3A_242 = arith.constant 2 : i32
        %add3A_243 = vector.broadcast %add3A_242 : i32 to vector<16xi32>
        %add3A_244 = arith.addi %mul3A_129, %add3A_243 : vector<16xi32>
        %gather3A_245 = tpu.vector_load_idx %arg10[%add3A_244] : memref<16384xf32, #tpu.memory_space<vmem>>[vector<16xi32>], vector<16xf32>,
        %add3A_246 = arith.constant 3 : i32
        %add3A_247 = vector.broadcast %add3A_246 : i32 to vector<16xi32>
        %add3A_248 = arith.addi %mul3A_129, %add3A_247 : vector<16xi32>
        %gather3A_249 = tpu.vector_load_idx %arg10[%add3A_248] : memref<16384xf32, #tpu.memory_space<vmem>>[vector<16xi32>], vector<16xf32>,
        %add3A_250 = arith.constant 4 : i32
        %add3A_251 = vector.broadcast %add3A_250 : i32 to vector<16xi32>
        %add3A_252 = arith.addi %mul3A_129, %add3A_251 : vector<16xi32>
        %gather3A_253 = tpu.vector_load_idx %arg10[%add3A_252] : memref<16384xf32, #tpu.memory_space<vmem>>[vector<16xi32>], vector<16xf32>,
        %add3A_254 = arith.constant 5 : i32
        %add3A_255 = vector.broadcast %add3A_254 : i32 to vector<16xi32>
        %add3A_256 = arith.addi %mul3A_129, %add3A_255 : vector<16xi32>
        %gather3A_257 = tpu.vector_load_idx %arg10[%add3A_256] : memref<16384xf32, #tpu.memory_space<vmem>>[vector<16xi32>], vector<16xf32>,
        %add3A_258 = arith.constant 6 : i32
        %add3A_259 = vector.broadcast %add3A_258 : i32 to vector<16xi32>
        %add3A_260 = arith.addi %mul3A_129, %add3A_259 : vector<16xi32>
        %gather3A_261 = tpu.vector_load_idx %arg10[%add3A_260] : memref<16384xf32, #tpu.memory_space<vmem>>[vector<16xi32>], vector<16xf32>,
        %add3A_262 = arith.constant 7 : i32
        %add3A_263 = vector.broadcast %add3A_262 : i32 to vector<16xi32>
        %add3A_264 = arith.addi %mul3A_129, %add3A_263 : vector<16xi32>
        %gather3A_265 = tpu.vector_load_idx %arg10[%add3A_264] : memref<16384xf32, #tpu.memory_space<vmem>>[vector<16xi32>], vector<16xf32>,
        %sub3A_266 = arith.subf %gather3A_241, %gather3A_237 : vector<16xf32>
        %mul3A_267 = arith.mulf %get3A_116, %sub3A_266 : vector<16xf32>
        %add3A_268 = arith.addf %gather3A_237, %mul3A_267 : vector<16xf32>
        %sub3A_269 = arith.subf %gather3A_249, %gather3A_245 : vector<16xf32>
        %mul3A_270 = arith.mulf %get3A_116, %sub3A_269 : vector<16xf32>
        %add3A_271 = arith.addf %gather3A_245, %mul3A_270 : vector<16xf32>
        %sub3A_272 = arith.subf %gather3A_257, %gather3A_253 : vector<16xf32>
        %mul3A_273 = arith.mulf %get3A_116, %sub3A_272 : vector<16xf32>
        %add3A_274 = arith.addf %gather3A_253, %mul3A_273 : vector<16xf32>
        %sub3A_275 = arith.subf %gather3A_265, %gather3A_261 : vector<16xf32>
        %mul3A_276 = arith.mulf %get3A_116, %sub3A_275 : vector<16xf32>
        %add3A_277 = arith.addf %gather3A_261, %mul3A_276 : vector<16xf32>
        %sub3A_278 = arith.subf %add3A_271, %add3A_268 : vector<16xf32>
        %mul3A_279 = arith.mulf %get3A_110, %sub3A_278 : vector<16xf32>
        %add3A_280 = arith.addf %add3A_268, %mul3A_279 : vector<16xf32>
        %sub3A_281 = arith.subf %add3A_277, %add3A_274 : vector<16xf32>
        %mul3A_282 = arith.mulf %get3A_110, %sub3A_281 : vector<16xf32>
        %add3A_283 = arith.addf %add3A_274, %mul3A_282 : vector<16xf32>
        %sub3A_284 = arith.subf %add3A_283, %add3A_280 : vector<16xf32>
        %mul3A_285 = arith.mulf %get3A_104, %sub3A_284 : vector<16xf32>
        %add3A_286 = arith.addf %add3A_280, %mul3A_285 : vector<16xf32>
        %add3A_287 = arith.constant 8 : i32
        %add3A_288 = vector.broadcast %add3A_287 : i32 to vector<16xi32>
        %add3A_289 = arith.addi %mul3A_129, %add3A_288 : vector<16xi32>
        %gather3A_290 = tpu.vector_load_idx %arg10[%add3A_289] : memref<16384xf32, #tpu.memory_space<vmem>>[vector<16xi32>], vector<16xf32>,
        %add3A_291 = arith.constant 9 : i32
        %add3A_292 = vector.broadcast %add3A_291 : i32 to vector<16xi32>
        %add3A_293 = arith.addi %mul3A_129, %add3A_292 : vector<16xi32>
        %gather3A_294 = tpu.vector_load_idx %arg10[%add3A_293] : memref<16384xf32, #tpu.memory_space<vmem>>[vector<16xi32>], vector<16xf32>,
        %add3A_295 = arith.constant 10 : i32
        %add3A_296 = vector.broadcast %add3A_295 : i32 to vector<16xi32>
        %add3A_297 = arith.addi %mul3A_129, %add3A_296 : vector<16xi32>
        %gather3A_298 = tpu.vector_load_idx %arg10[%add3A_297] : memref<16384xf32, #tpu.memory_space<vmem>>[vector<16xi32>], vector<16xf32>,
        %add3A_299 = arith.constant 11 : i32
        %add3A_300 = vector.broadcast %add3A_299 : i32 to vector<16xi32>
        %add3A_301 = arith.addi %mul3A_129, %add3A_300 : vector<16xi32>
        %gather3A_302 = tpu.vector_load_idx %arg10[%add3A_301] : memref<16384xf32, #tpu.memory_space<vmem>>[vector<16xi32>], vector<16xf32>,
        %add3A_303 = arith.constant 12 : i32
        %add3A_304 = vector.broadcast %add3A_303 : i32 to vector<16xi32>
        %add3A_305 = arith.addi %mul3A_129, %add3A_304 : vector<16xi32>
        %gather3A_306 = tpu.vector_load_idx %arg10[%add3A_305] : memref<16384xf32, #tpu.memory_space<vmem>>[vector<16xi32>], vector<16xf32>,
        %add3A_307 = arith.constant 13 : i32
        %add3A_308 = vector.broadcast %add3A_307 : i32 to vector<16xi32>
        %add3A_309 = arith.addi %mul3A_129, %add3A_308 : vector<16xi32>
        %gather3A_310 = tpu.vector_load_idx %arg10[%add3A_309] : memref<16384xf32, #tpu.memory_space<vmem>>[vector<16xi32>], vector<16xf32>,
        %add3A_311 = arith.constant 14 : i32
        %add3A_312 = vector.broadcast %add3A_311 : i32 to vector<16xi32>
        %add3A_313 = arith.addi %mul3A_129, %add3A_312 : vector<16xi32>
        %gather3A_314 = tpu.vector_load_idx %arg10[%add3A_313] : memref<16384xf32, #tpu.memory_space<vmem>>[vector<16xi32>], vector<16xf32>,
        %add3A_315 = arith.constant 15 : i32
        %add3A_316 = vector.broadcast %add3A_315 : i32 to vector<16xi32>
        %add3A_317 = arith.addi %mul3A_129, %add3A_316 : vector<16xi32>
        %gather3A_318 = tpu.vector_load_idx %arg10[%add3A_317] : memref<16384xf32, #tpu.memory_space<vmem>>[vector<16xi32>], vector<16xf32>,
        %sub3A_319 = arith.subf %gather3A_294, %gather3A_290 : vector<16xf32>
        %mul3A_320 = arith.mulf %get3A_116, %sub3A_319 : vector<16xf32>
        %add3A_321 = arith.addf %gather3A_290, %mul3A_320 : vector<16xf32>
        %sub3A_322 = arith.subf %gather3A_302, %gather3A_298 : vector<16xf32>
        %mul3A_323 = arith.mulf %get3A_116, %sub3A_322 : vector<16xf32>
        %add3A_324 = arith.addf %gather3A_298, %mul3A_323 : vector<16xf32>
        %sub3A_325 = arith.subf %gather3A_310, %gather3A_306 : vector<16xf32>
        %mul3A_326 = arith.mulf %get3A_116, %sub3A_325 : vector<16xf32>
        %add3A_327 = arith.addf %gather3A_306, %mul3A_326 : vector<16xf32>
        %sub3A_328 = arith.subf %gather3A_318, %gather3A_314 : vector<16xf32>
        %mul3A_329 = arith.mulf %get3A_116, %sub3A_328 : vector<16xf32>
        %add3A_330 = arith.addf %gather3A_314, %mul3A_329 : vector<16xf32>
        %sub3A_331 = arith.subf %add3A_324, %add3A_321 : vector<16xf32>
        %mul3A_332 = arith.mulf %get3A_110, %sub3A_331 : vector<16xf32>
        %add3A_333 = arith.addf %add3A_321, %mul3A_332 : vector<16xf32>
        %sub3A_334 = arith.subf %add3A_330, %add3A_327 : vector<16xf32>
        %mul3A_335 = arith.mulf %get3A_110, %sub3A_334 : vector<16xf32>
        %add3A_336 = arith.addf %add3A_327, %mul3A_335 : vector<16xf32>
        %sub3A_337 = arith.subf %add3A_336, %add3A_333 : vector<16xf32>
        %mul3A_338 = arith.mulf %get3A_104, %sub3A_337 : vector<16xf32>
        %add3A_339 = arith.addf %add3A_333, %mul3A_338 : vector<16xf32>
        %sub3A_340 = arith.subf %add3A_233, %add3A_180 : vector<16xf32>
        %mul3A_341 = arith.mulf %get3A_122, %sub3A_340 : vector<16xf32>
        %add3A_342 = arith.addf %add3A_180, %mul3A_341 : vector<16xf32>
        %sub3A_343 = arith.subf %add3A_339, %add3A_286 : vector<16xf32>
        %mul3A_344 = arith.mulf %get3A_122, %sub3A_343 : vector<16xf32>
        %add3A_345 = arith.addf %add3A_286, %mul3A_344 : vector<16xf32>
        %mul3A_346 = arith.constant 16 : i32
        %mul3A_347 = arith.muli %scan3A_100, %mul3A_346 : i32
        %swap3A = arith.index_cast %mul3A_347 : i32 to index
        %swap3A_348 = tpu.vector_load %arg19[%swap3A] {strides = array<i32>} : memref<1024xf32, #tpu.memory_space<vmem>>, vector<16xf32>,
        tpu.vector_store %arg19[%swap3A], %add3A_342 {strides = array<i32>} : memref<1024xf32, #tpu.memory_space<vmem>>, vector<16xf32>,
        %mul3A_349 = arith.constant 16 : i32
        %mul3A_350 = arith.muli %scan3A_100, %mul3A_349 : i32
        %swap3A_351 = arith.index_cast %mul3A_350 : i32 to index
        %swap3A_352 = tpu.vector_load %arg20[%swap3A_351] {strides = array<i32>} : memref<1024xf32, #tpu.memory_space<vmem>>, vector<16xf32>,
        tpu.vector_store %arg20[%swap3A_351], %add3A_345 {strides = array<i32>} : memref<1024xf32, #tpu.memory_space<vmem>>, vector<16xf32>,
        %scan3A_353 = arith.constant 0 : i32
        scf.yield %scan3A_353 : i32
      }
      %scan3A_72 = arith.constant 64 : i32
      "tpu.region"() ({
        %run_scoped3A = tpu.sem_alloc : memref<!tpu.dma_semaphore, #tpu.memory_space<semaphore_mem>>
        %dma_start3A = tpu.memref_slice %arg5[%add3A_58] : memref<1048576xf32, #tpu.memory_space<hbm>> -> memref<1024xf32, #tpu.memory_space<hbm>>
        %dma_start3A_100 = tpu.memref_slice %arg5[%add3A_58] : memref<1048576xf32, #tpu.memory_space<hbm>> -> memref<1024xf32, #tpu.memory_space<hbm>>
        tpu.enqueue_dma source(%arg19 : memref<1024xf32, #tpu.memory_space<vmem>>) target(%dma_start3A_100 : memref<1024xf32, #tpu.memory_space<hbm>>) target_semaphore(%run_scoped3A : memref<!tpu.dma_semaphore, #tpu.memory_space<semaphore_mem>>)
        %dma_wait3A_101 = tpu.memref_slice %arg5[%add3A_58] : memref<1048576xf32, #tpu.memory_space<hbm>> -> memref<1024xf32, #tpu.memory_space<hbm>>
        %dma_wait3A_102 = tpu.memref_slice %arg5[%add3A_58] : memref<1048576xf32, #tpu.memory_space<hbm>> -> memref<1024xf32, #tpu.memory_space<hbm>>
        tpu.wait_dma2 semaphore(%run_scoped3A : memref<!tpu.dma_semaphore, #tpu.memory_space<semaphore_mem>>) src(%arg19 : memref<1024xf32, #tpu.memory_space<vmem>>) dst(%dma_wait3A_102 : memref<1024xf32, #tpu.memory_space<hbm>>)
        tpu.yield
      }) : () -> ()
      "tpu.region"() ({
        %run_scoped3A = tpu.sem_alloc : memref<!tpu.dma_semaphore, #tpu.memory_space<semaphore_mem>>
        %dma_start3A = tpu.memref_slice %arg6[%add3A_58] : memref<1048576xf32, #tpu.memory_space<hbm>> -> memref<1024xf32, #tpu.memory_space<hbm>>
        %dma_start3A_100 = tpu.memref_slice %arg6[%add3A_58] : memref<1048576xf32, #tpu.memory_space<hbm>> -> memref<1024xf32, #tpu.memory_space<hbm>>
        tpu.enqueue_dma source(%arg20 : memref<1024xf32, #tpu.memory_space<vmem>>) target(%dma_start3A_100 : memref<1024xf32, #tpu.memory_space<hbm>>) target_semaphore(%run_scoped3A : memref<!tpu.dma_semaphore, #tpu.memory_space<semaphore_mem>>)
        %dma_wait3A_101 = tpu.memref_slice %arg6[%add3A_58] : memref<1048576xf32, #tpu.memory_space<hbm>> -> memref<1024xf32, #tpu.memory_space<hbm>>
        %dma_wait3A_102 = tpu.memref_slice %arg6[%add3A_58] : memref<1048576xf32, #tpu.memory_space<hbm>> -> memref<1024xf32, #tpu.memory_space<hbm>>
        tpu.wait_dma2 semaphore(%run_scoped3A : memref<!tpu.dma_semaphore, #tpu.memory_space<semaphore_mem>>) src(%arg20 : memref<1024xf32, #tpu.memory_space<vmem>>) dst(%dma_wait3A_102 : memref<1024xf32, #tpu.memory_space<hbm>>)
        tpu.yield
      }) : () -> ()
      %add3A_73 = arith.constant 2 : i32
      %add3A_74 = arith.addi %mul3A_30, %add3A_73 : i32
      %lt3A = arith.constant 32 : i32
      %lt3A_75 = arith.cmpi slt, %add3A_74, %lt3A : i32
      %convert_element_type3A = arith.extui %lt3A_75 : i1 to i32
      %cond3A = arith.constant 0 : i32
      %cond3A_76 = arith.cmpi ne, %convert_element_type3A, %cond3A : i32
      scf.if %cond3A_76 {
        %add3A_100 = arith.constant 2 : i32
        %add3A_101 = arith.addi %mul3A_30, %add3A_100 : i32
        %mul3A_102 = arith.constant 32768 : i32
        %mul3A_103 = arith.muli %add3A, %mul3A_102 : i32
        %mul3A_104 = arith.constant 1024 : i32
        %mul3A_105 = arith.muli %add3A_101, %mul3A_104 : i32
        %add3A_106 = arith.addi %mul3A_103, %mul3A_105 : i32
        %mul3A_107 = arith.constant 4 : i32
        %mul3A_108 = arith.muli %add3A_106, %mul3A_107 : i32
        "tpu.region"() ({
          %run_scoped3A = tpu.sem_alloc : memref<!tpu.dma_semaphore, #tpu.memory_space<semaphore_mem>>
          %dma_start3A = tpu.memref_slice %arg2[%mul3A_108] : memref<4194304xf32, #tpu.memory_space<hbm>> -> memref<4096xf32, #tpu.memory_space<hbm>>
          %dma_start3A_123 = tpu.memref_slice %arg2[%mul3A_108] : memref<4194304xf32, #tpu.memory_space<hbm>> -> memref<4096xf32, #tpu.memory_space<hbm>>
          tpu.enqueue_dma source(%dma_start3A_123 : memref<4096xf32, #tpu.memory_space<hbm>>) target(%arg7 : memref<4096xf32, #tpu.memory_space<vmem>>) target_semaphore(%run_scoped3A : memref<!tpu.dma_semaphore, #tpu.memory_space<semaphore_mem>>)
          %dma_wait3A_124 = tpu.memref_slice %arg2[%mul3A_108] : memref<4194304xf32, #tpu.memory_space<hbm>> -> memref<4096xf32, #tpu.memory_space<hbm>>
          %dma_wait3A_125 = tpu.memref_slice %arg2[%mul3A_108] : memref<4194304xf32, #tpu.memory_space<hbm>> -> memref<4096xf32, #tpu.memory_space<hbm>>
          tpu.wait_dma2 semaphore(%run_scoped3A : memref<!tpu.dma_semaphore, #tpu.memory_space<semaphore_mem>>) src(%dma_wait3A_125 : memref<4096xf32, #tpu.memory_space<hbm>>) dst(%arg7 : memref<4096xf32, #tpu.memory_space<vmem>>)
          tpu.yield
        }) : () -> ()
        %scan3A_109 = arith.constant 0 : i32
        %scan3A_110 = arith.constant 0 : i32
        %scan3A_111 = arith.constant 64 : i32
        %scan3A_112 = arith.addi %scan3A_110, %scan3A_111 : i32
        %scan3A_113 = arith.constant 1 : i32
        %scan3A_114 = scf.for %scan3A_123 = %scan3A_110 to %scan3A_112 step %scan3A_113 iter_args(%scan3A_124 = %scan3A_109) -> (i32)  : i32 {
          %mul3A_125 = arith.constant 16 : i32
          %mul3A_126 = arith.muli %scan3A_123, %mul3A_125 : i32
          %add3A_127 = vector.broadcast %mul3A_126 : i32 to vector<16xi32>
          %add3A_128 = arith.addi %add3A_127, %iota3A : vector<16xi32>
          %mul3A_129 = arith.constant 4 : i32
          %mul3A_130 = vector.broadcast %mul3A_129 : i32 to vector<16xi32>
          %mul3A_131 = arith.muli %add3A_128, %mul3A_130 : vector<16xi32>
          %gather3A = tpu.vector_load_idx %arg7[%mul3A_131] : memref<4096xf32, #tpu.memory_space<vmem>>[vector<16xi32>], vector<16xf32>,
          %add3A_132 = arith.constant 1 : i32
          %add3A_133 = vector.broadcast %add3A_132 : i32 to vector<16xi32>
          %add3A_134 = arith.addi %mul3A_131, %add3A_133 : vector<16xi32>
          %gather3A_135 = tpu.vector_load_idx %arg7[%add3A_134] : memref<4096xf32, #tpu.memory_space<vmem>>[vector<16xi32>], vector<16xf32>,
          %add3A_136 = arith.constant 2 : i32
          %add3A_137 = vector.broadcast %add3A_136 : i32 to vector<16xi32>
          %add3A_138 = arith.addi %mul3A_131, %add3A_137 : vector<16xi32>
          %gather3A_139 = tpu.vector_load_idx %arg7[%add3A_138] : memref<4096xf32, #tpu.memory_space<vmem>>[vector<16xi32>], vector<16xf32>,
          %add3A_140 = arith.constant 3 : i32
          %add3A_141 = vector.broadcast %add3A_140 : i32 to vector<16xi32>
          %add3A_142 = arith.addi %mul3A_131, %add3A_141 : vector<16xi32>
          %gather3A_143 = tpu.vector_load_idx %arg7[%add3A_142] : memref<4096xf32, #tpu.memory_space<vmem>>[vector<16xi32>], vector<16xf32>,
          %mul3A_144 = arith.constant 1.270000e+02 : f32
          %mul3A_145 = vector.broadcast %mul3A_144 : f32 to vector<16xf32>
          %mul3A_146 = arith.mulf %gather3A, %mul3A_145 : vector<16xf32>
          %mul3A_147 = arith.constant 1.270000e+02 : f32
          %mul3A_148 = vector.broadcast %mul3A_147 : f32 to vector<16xf32>
          %mul3A_149 = arith.mulf %gather3A_135, %mul3A_148 : vector<16xf32>
          %mul3A_150 = arith.constant 1.270000e+02 : f32
          %mul3A_151 = vector.broadcast %mul3A_150 : f32 to vector<16xf32>
          %mul3A_152 = arith.mulf %gather3A_139, %mul3A_151 : vector<16xf32>
          %mul3A_153 = arith.constant 7.000000e+00 : f32
          %mul3A_154 = vector.broadcast %mul3A_153 : f32 to vector<16xf32>
          %mul3A_155 = arith.mulf %gather3A_143, %mul3A_154 : vector<16xf32>
          %convert_element_type3A_156 = arith.fptosi %mul3A_146 : vector<16xf32> to vector<16xi32>
          %max3A = arith.constant 0 : i32
          %max3A_157 = vector.broadcast %max3A : i32 to vector<16xi32>
          %max3A_158 = arith.maxsi %convert_element_type3A_156, %max3A_157 : vector<16xi32>
          %min3A = arith.constant 126 : i32
          %min3A_159 = vector.broadcast %min3A : i32 to vector<16xi32>
          %min3A_160 = arith.minsi %max3A_158, %min3A_159 : vector<16xi32>
          %convert_element_type3A_161 = arith.fptosi %mul3A_149 : vector<16xf32> to vector<16xi32>
          %max3A_162 = arith.constant 0 : i32
          %max3A_163 = vector.broadcast %max3A_162 : i32 to vector<16xi32>
          %max3A_164 = arith.maxsi %convert_element_type3A_161, %max3A_163 : vector<16xi32>
          %min3A_165 = arith.constant 126 : i32
          %min3A_166 = vector.broadcast %min3A_165 : i32 to vector<16xi32>
          %min3A_167 = arith.minsi %max3A_164, %min3A_166 : vector<16xi32>
          %convert_element_type3A_168 = arith.fptosi %mul3A_152 : vector<16xf32> to vector<16xi32>
          %max3A_169 = arith.constant 0 : i32
          %max3A_170 = vector.broadcast %max3A_169 : i32 to vector<16xi32>
          %max3A_171 = arith.maxsi %convert_element_type3A_168, %max3A_170 : vector<16xi32>
          %min3A_172 = arith.constant 126 : i32
          %min3A_173 = vector.broadcast %min3A_172 : i32 to vector<16xi32>
          %min3A_174 = arith.minsi %max3A_171, %min3A_173 : vector<16xi32>
          %convert_element_type3A_175 = arith.fptosi %mul3A_155 : vector<16xf32> to vector<16xi32>
          %max3A_176 = arith.constant 0 : i32
          %max3A_177 = vector.broadcast %max3A_176 : i32 to vector<16xi32>
          %max3A_178 = arith.maxsi %convert_element_type3A_175, %max3A_177 : vector<16xi32>
          %min3A_179 = arith.constant 6 : i32
          %min3A_180 = vector.broadcast %min3A_179 : i32 to vector<16xi32>
          %min3A_181 = arith.minsi %max3A_178, %min3A_180 : vector<16xi32>
          %convert_element_type3A_182 = arith.sitofp %min3A_160 : vector<16xi32> to vector<16xf32>
          %sub3A = arith.subf %mul3A_146, %convert_element_type3A_182 : vector<16xf32>
          %mul3A_183 = arith.constant 16 : i32
          %mul3A_184 = arith.muli %scan3A_123, %mul3A_183 : i32
          %swap3A = arith.index_cast %mul3A_184 : i32 to index
          %swap3A_185 = tpu.vector_load %arg11[%swap3A] {strides = array<i32>} : memref<4096xf32, #tpu.memory_space<vmem>>, vector<16xf32>,
          tpu.vector_store %arg11[%swap3A], %sub3A {strides = array<i32>} : memref<4096xf32, #tpu.memory_space<vmem>>, vector<16xf32>,
          %convert_element_type3A_186 = arith.sitofp %min3A_167 : vector<16xi32> to vector<16xf32>
          %sub3A_187 = arith.subf %mul3A_149, %convert_element_type3A_186 : vector<16xf32>
          %mul3A_188 = arith.constant 16 : i32
          %mul3A_189 = arith.muli %scan3A_123, %mul3A_188 : i32
          %add3A_190 = arith.constant 1024 : i32
          %add3A_191 = arith.addi %add3A_190, %mul3A_189 : i32
          %swap3A_192 = arith.index_cast %add3A_191 : i32 to index
          %swap3A_193 = tpu.vector_load %arg11[%swap3A_192] {strides = array<i32>} : memref<4096xf32, #tpu.memory_space<vmem>>, vector<16xf32>,
          tpu.vector_store %arg11[%swap3A_192], %sub3A_187 {strides = array<i32>} : memref<4096xf32, #tpu.memory_space<vmem>>, vector<16xf32>,
          %convert_element_type3A_194 = arith.sitofp %min3A_174 : vector<16xi32> to vector<16xf32>
          %sub3A_195 = arith.subf %mul3A_152, %convert_element_type3A_194 : vector<16xf32>
          %mul3A_196 = arith.constant 16 : i32
          %mul3A_197 = arith.muli %scan3A_123, %mul3A_196 : i32
          %add3A_198 = arith.constant 2048 : i32
          %add3A_199 = arith.addi %add3A_198, %mul3A_197 : i32
          %swap3A_200 = arith.index_cast %add3A_199 : i32 to index
          %swap3A_201 = tpu.vector_load %arg11[%swap3A_200] {strides = array<i32>} : memref<4096xf32, #tpu.memory_space<vmem>>, vector<16xf32>,
          tpu.vector_store %arg11[%swap3A_200], %sub3A_195 {strides = array<i32>} : memref<4096xf32, #tpu.memory_space<vmem>>, vector<16xf32>,
          %convert_element_type3A_202 = arith.sitofp %min3A_181 : vector<16xi32> to vector<16xf32>
          %sub3A_203 = arith.subf %mul3A_155, %convert_element_type3A_202 : vector<16xf32>
          %mul3A_204 = arith.constant 16 : i32
          %mul3A_205 = arith.muli %scan3A_123, %mul3A_204 : i32
          %add3A_206 = arith.constant 3072 : i32
          %add3A_207 = arith.addi %add3A_206, %mul3A_205 : i32
          %swap3A_208 = arith.index_cast %add3A_207 : i32 to index
          %swap3A_209 = tpu.vector_load %arg11[%swap3A_208] {strides = array<i32>} : memref<4096xf32, #tpu.memory_space<vmem>>, vector<16xf32>,
          tpu.vector_store %arg11[%swap3A_208], %sub3A_203 {strides = array<i32>} : memref<4096xf32, #tpu.memory_space<vmem>>, vector<16xf32>,
          %mul3A_210 = arith.constant 2097152 : i32
          %mul3A_211 = vector.broadcast %mul3A_210 : i32 to vector<16xi32>
          %mul3A_212 = arith.muli %min3A_181, %mul3A_211 : vector<16xi32>
          %mul3A_213 = arith.constant 16384 : i32
          %mul3A_214 = vector.broadcast %mul3A_213 : i32 to vector<16xi32>
          %mul3A_215 = arith.muli %min3A_160, %mul3A_214 : vector<16xi32>
          %add3A_216 = arith.addi %mul3A_212, %mul3A_215 : vector<16xi32>
          %mul3A_217 = arith.constant 128 : i32
          %mul3A_218 = vector.broadcast %mul3A_217 : i32 to vector<16xi32>
          %mul3A_219 = arith.muli %min3A_167, %mul3A_218 : vector<16xi32>
          %add3A_220 = arith.addi %add3A_216, %mul3A_219 : vector<16xi32>
          %add3A_221 = arith.addi %add3A_220, %min3A_174 : vector<16xi32>
          %mul3A_222 = arith.constant 16 : i32
          %mul3A_223 = arith.muli %scan3A_123, %mul3A_222 : i32
          %add3A_224 = vector.broadcast %mul3A_223 : i32 to vector<16xi32>
          %add3A_225 = arith.addi %add3A_224, %iota3A : vector<16xi32>
          %mul3A_226 = arith.constant 16 : i32
          %mul3A_227 = vector.broadcast %mul3A_226 : i32 to vector<16xi32>
          %mul3A_228 = arith.muli %add3A_225, %mul3A_227 : vector<16xi32>
          %add3A_229 = arith.constant 0 : i32
          %add3A_230 = vector.broadcast %add3A_229 : i32 to vector<16xi32>
          %add3A_231 = arith.addi %mul3A_228, %add3A_230 : vector<16xi32>
          %add3A_232 = arith.constant 0 : i32
          %add3A_233 = vector.broadcast %add3A_232 : i32 to vector<16xi32>
          %add3A_234 = arith.addi %add3A_221, %add3A_233 : vector<16xi32>
          tpu.vector_store_idx %arg8[%add3A_231], %add3A_234 : memref<16384xi32, #tpu.memory_space<vmem>>[vector<16xi32>], vector<16xi32>,
          %add3A_235 = arith.constant 1 : i32
          %add3A_236 = vector.broadcast %add3A_235 : i32 to vector<16xi32>
          %add3A_237 = arith.addi %mul3A_228, %add3A_236 : vector<16xi32>
          %add3A_238 = arith.constant 1 : i32
          %add3A_239 = vector.broadcast %add3A_238 : i32 to vector<16xi32>
          %add3A_240 = arith.addi %add3A_221, %add3A_239 : vector<16xi32>
          tpu.vector_store_idx %arg8[%add3A_237], %add3A_240 : memref<16384xi32, #tpu.memory_space<vmem>>[vector<16xi32>], vector<16xi32>,
          %add3A_241 = arith.constant 2 : i32
          %add3A_242 = vector.broadcast %add3A_241 : i32 to vector<16xi32>
          %add3A_243 = arith.addi %mul3A_228, %add3A_242 : vector<16xi32>
          %add3A_244 = arith.constant 128 : i32
          %add3A_245 = vector.broadcast %add3A_244 : i32 to vector<16xi32>
          %add3A_246 = arith.addi %add3A_221, %add3A_245 : vector<16xi32>
          tpu.vector_store_idx %arg8[%add3A_243], %add3A_246 : memref<16384xi32, #tpu.memory_space<vmem>>[vector<16xi32>], vector<16xi32>,
          %add3A_247 = arith.constant 3 : i32
          %add3A_248 = vector.broadcast %add3A_247 : i32 to vector<16xi32>
          %add3A_249 = arith.addi %mul3A_228, %add3A_248 : vector<16xi32>
          %add3A_250 = arith.constant 129 : i32
          %add3A_251 = vector.broadcast %add3A_250 : i32 to vector<16xi32>
          %add3A_252 = arith.addi %add3A_221, %add3A_251 : vector<16xi32>
          tpu.vector_store_idx %arg8[%add3A_249], %add3A_252 : memref<16384xi32, #tpu.memory_space<vmem>>[vector<16xi32>], vector<16xi32>,
          %add3A_253 = arith.constant 4 : i32
          %add3A_254 = vector.broadcast %add3A_253 : i32 to vector<16xi32>
          %add3A_255 = arith.addi %mul3A_228, %add3A_254 : vector<16xi32>
          %add3A_256 = arith.constant 16384 : i32
          %add3A_257 = vector.broadcast %add3A_256 : i32 to vector<16xi32>
          %add3A_258 = arith.addi %add3A_221, %add3A_257 : vector<16xi32>
          tpu.vector_store_idx %arg8[%add3A_255], %add3A_258 : memref<16384xi32, #tpu.memory_space<vmem>>[vector<16xi32>], vector<16xi32>,
          %add3A_259 = arith.constant 5 : i32
          %add3A_260 = vector.broadcast %add3A_259 : i32 to vector<16xi32>
          %add3A_261 = arith.addi %mul3A_228, %add3A_260 : vector<16xi32>
          %add3A_262 = arith.constant 16385 : i32
          %add3A_263 = vector.broadcast %add3A_262 : i32 to vector<16xi32>
          %add3A_264 = arith.addi %add3A_221, %add3A_263 : vector<16xi32>
          tpu.vector_store_idx %arg8[%add3A_261], %add3A_264 : memref<16384xi32, #tpu.memory_space<vmem>>[vector<16xi32>], vector<16xi32>,
          %add3A_265 = arith.constant 6 : i32
          %add3A_266 = vector.broadcast %add3A_265 : i32 to vector<16xi32>
          %add3A_267 = arith.addi %mul3A_228, %add3A_266 : vector<16xi32>
          %add3A_268 = arith.constant 16512 : i32
          %add3A_269 = vector.broadcast %add3A_268 : i32 to vector<16xi32>
          %add3A_270 = arith.addi %add3A_221, %add3A_269 : vector<16xi32>
          tpu.vector_store_idx %arg8[%add3A_267], %add3A_270 : memref<16384xi32, #tpu.memory_space<vmem>>[vector<16xi32>], vector<16xi32>,
          %add3A_271 = arith.constant 7 : i32
          %add3A_272 = vector.broadcast %add3A_271 : i32 to vector<16xi32>
          %add3A_273 = arith.addi %mul3A_228, %add3A_272 : vector<16xi32>
          %add3A_274 = arith.constant 16513 : i32
          %add3A_275 = vector.broadcast %add3A_274 : i32 to vector<16xi32>
          %add3A_276 = arith.addi %add3A_221, %add3A_275 : vector<16xi32>
          tpu.vector_store_idx %arg8[%add3A_273], %add3A_276 : memref<16384xi32, #tpu.memory_space<vmem>>[vector<16xi32>], vector<16xi32>,
          %add3A_277 = arith.constant 8 : i32
          %add3A_278 = vector.broadcast %add3A_277 : i32 to vector<16xi32>
          %add3A_279 = arith.addi %mul3A_228, %add3A_278 : vector<16xi32>
          %add3A_280 = arith.constant 2097152 : i32
          %add3A_281 = vector.broadcast %add3A_280 : i32 to vector<16xi32>
          %add3A_282 = arith.addi %add3A_221, %add3A_281 : vector<16xi32>
          tpu.vector_store_idx %arg8[%add3A_279], %add3A_282 : memref<16384xi32, #tpu.memory_space<vmem>>[vector<16xi32>], vector<16xi32>,
          %add3A_283 = arith.constant 9 : i32
          %add3A_284 = vector.broadcast %add3A_283 : i32 to vector<16xi32>
          %add3A_285 = arith.addi %mul3A_228, %add3A_284 : vector<16xi32>
          %add3A_286 = arith.constant 2097153 : i32
          %add3A_287 = vector.broadcast %add3A_286 : i32 to vector<16xi32>
          %add3A_288 = arith.addi %add3A_221, %add3A_287 : vector<16xi32>
          tpu.vector_store_idx %arg8[%add3A_285], %add3A_288 : memref<16384xi32, #tpu.memory_space<vmem>>[vector<16xi32>], vector<16xi32>,
          %add3A_289 = arith.constant 10 : i32
          %add3A_290 = vector.broadcast %add3A_289 : i32 to vector<16xi32>
          %add3A_291 = arith.addi %mul3A_228, %add3A_290 : vector<16xi32>
          %add3A_292 = arith.constant 2097280 : i32
          %add3A_293 = vector.broadcast %add3A_292 : i32 to vector<16xi32>
          %add3A_294 = arith.addi %add3A_221, %add3A_293 : vector<16xi32>
          tpu.vector_store_idx %arg8[%add3A_291], %add3A_294 : memref<16384xi32, #tpu.memory_space<vmem>>[vector<16xi32>], vector<16xi32>,
          %add3A_295 = arith.constant 11 : i32
          %add3A_296 = vector.broadcast %add3A_295 : i32 to vector<16xi32>
          %add3A_297 = arith.addi %mul3A_228, %add3A_296 : vector<16xi32>
          %add3A_298 = arith.constant 2097281 : i32
          %add3A_299 = vector.broadcast %add3A_298 : i32 to vector<16xi32>
          %add3A_300 = arith.addi %add3A_221, %add3A_299 : vector<16xi32>
          tpu.vector_store_idx %arg8[%add3A_297], %add3A_300 : memref<16384xi32, #tpu.memory_space<vmem>>[vector<16xi32>], vector<16xi32>,
          %add3A_301 = arith.constant 12 : i32
          %add3A_302 = vector.broadcast %add3A_301 : i32 to vector<16xi32>
          %add3A_303 = arith.addi %mul3A_228, %add3A_302 : vector<16xi32>
          %add3A_304 = arith.constant 2113536 : i32
          %add3A_305 = vector.broadcast %add3A_304 : i32 to vector<16xi32>
          %add3A_306 = arith.addi %add3A_221, %add3A_305 : vector<16xi32>
          tpu.vector_store_idx %arg8[%add3A_303], %add3A_306 : memref<16384xi32, #tpu.memory_space<vmem>>[vector<16xi32>], vector<16xi32>,
          %add3A_307 = arith.constant 13 : i32
          %add3A_308 = vector.broadcast %add3A_307 : i32 to vector<16xi32>
          %add3A_309 = arith.addi %mul3A_228, %add3A_308 : vector<16xi32>
          %add3A_310 = arith.constant 2113537 : i32
          %add3A_311 = vector.broadcast %add3A_310 : i32 to vector<16xi32>
          %add3A_312 = arith.addi %add3A_221, %add3A_311 : vector<16xi32>
          tpu.vector_store_idx %arg8[%add3A_309], %add3A_312 : memref<16384xi32, #tpu.memory_space<vmem>>[vector<16xi32>], vector<16xi32>,
          %add3A_313 = arith.constant 14 : i32
          %add3A_314 = vector.broadcast %add3A_313 : i32 to vector<16xi32>
          %add3A_315 = arith.addi %mul3A_228, %add3A_314 : vector<16xi32>
          %add3A_316 = arith.constant 2113664 : i32
          %add3A_317 = vector.broadcast %add3A_316 : i32 to vector<16xi32>
          %add3A_318 = arith.addi %add3A_221, %add3A_317 : vector<16xi32>
          tpu.vector_store_idx %arg8[%add3A_315], %add3A_318 : memref<16384xi32, #tpu.memory_space<vmem>>[vector<16xi32>], vector<16xi32>,
          %add3A_319 = arith.constant 15 : i32
          %add3A_320 = vector.broadcast %add3A_319 : i32 to vector<16xi32>
          %add3A_321 = arith.addi %mul3A_228, %add3A_320 : vector<16xi32>
          %add3A_322 = arith.constant 2113665 : i32
          %add3A_323 = vector.broadcast %add3A_322 : i32 to vector<16xi32>
          %add3A_324 = arith.addi %add3A_221, %add3A_323 : vector<16xi32>
          tpu.vector_store_idx %arg8[%add3A_321], %add3A_324 : memref<16384xi32, #tpu.memory_space<vmem>>[vector<16xi32>], vector<16xi32>,
          %scan3A_325 = arith.constant 0 : i32
          scf.yield %scan3A_325 : i32
        }
        %scan3A_115 = arith.constant 64 : i32
        %scan3A_116 = arith.constant 0 : i32
        %scan3A_117 = arith.constant 0 : i32
        %scan3A_118 = arith.constant 128 : i32
        %scan3A_119 = arith.addi %scan3A_117, %scan3A_118 : i32
        %scan3A_120 = arith.constant 1 : i32
        %scan3A_121 = scf.for %scan3A_123 = %scan3A_117 to %scan3A_119 step %scan3A_120 iter_args(%scan3A_124 = %scan3A_116) -> (i32)  : i32 {
          %mul3A_125 = arith.constant 128 : i32
          %mul3A_126 = arith.muli %scan3A_123, %mul3A_125 : i32
          %dma_start3A = tpu.memref_slice %arg9[%mul3A_126] : memref<16384xf32, #tpu.memory_space<vmem>> -> memref<128xf32, #tpu.memory_space<vmem>>
          %dma_start3A_127 = tpu.memref_slice %arg8[%mul3A_126] : memref<16384xi32, #tpu.memory_space<vmem>> -> memref<128xi32, #tpu.memory_space<vmem>>
          %dma_start3A_128 = arith.constant 0 : i32
          %dma_start3A_129 = tpu.memref_slice %arg3[%dma_start3A_128] : memref<16777216xf32, #tpu.memory_space<hbm>> -> memref<16777216xf32, #tpu.memory_space<hbm>>
          tpu.enqueue_indirect_dma source(%dma_start3A_129 : memref<16777216xf32, #tpu.memory_space<hbm>>) target(%dma_start3A : memref<128xf32, #tpu.memory_space<vmem>>) offsets(%dma_start3A_127 : memref<128xi32, #tpu.memory_space<vmem>>) semaphore(%arg12 : memref<!tpu.dma_semaphore, #tpu.memory_space<semaphore_mem>>)
          %dma_start3A_130 = tpu.memref_slice %arg10[%mul3A_126] : memref<16384xf32, #tpu.memory_space<vmem>> -> memref<128xf32, #tpu.memory_space<vmem>>
          %dma_start3A_131 = tpu.memref_slice %arg8[%mul3A_126] : memref<16384xi32, #tpu.memory_space<vmem>> -> memref<128xi32, #tpu.memory_space<vmem>>
          %dma_start3A_132 = arith.constant 0 : i32
          %dma_start3A_133 = tpu.memref_slice %arg4[%dma_start3A_132] : memref<16777216xf32, #tpu.memory_space<hbm>> -> memref<16777216xf32, #tpu.memory_space<hbm>>
          tpu.enqueue_indirect_dma source(%dma_start3A_133 : memref<16777216xf32, #tpu.memory_space<hbm>>) target(%dma_start3A_130 : memref<128xf32, #tpu.memory_space<vmem>>) offsets(%dma_start3A_131 : memref<128xi32, #tpu.memory_space<vmem>>) semaphore(%arg12 : memref<!tpu.dma_semaphore, #tpu.memory_space<semaphore_mem>>)
          %scan3A_134 = arith.constant 0 : i32
          scf.yield %scan3A_134 : i32
        }
        %scan3A_122 = arith.constant 128 : i32
      } else {
      }
      %add3A_77 = arith.constant 1 : i32
      %add3A_78 = arith.addi %mul3A_30, %add3A_77 : i32
      %mul3A_79 = arith.constant 32768 : i32
      %mul3A_80 = arith.muli %add3A, %mul3A_79 : i32
      %mul3A_81 = arith.constant 1024 : i32
      %mul3A_82 = arith.muli %add3A_78, %mul3A_81 : i32
      %add3A_83 = arith.addi %mul3A_80, %mul3A_82 : i32
      %dma_wait3A_84 = arith.constant 0 : i32
      %dma_wait3A_85 = tpu.memref_slice %arg3[%dma_wait3A_84] : memref<16777216xf32, #tpu.memory_space<hbm>> -> memref<16384xf32, #tpu.memory_space<hbm>>
      %dma_wait3A_86 = arith.constant 0 : i32
      %dma_wait3A_87 = tpu.memref_slice %arg3[%dma_wait3A_86] : memref<16777216xf32, #tpu.memory_space<hbm>> -> memref<16384xf32, #tpu.memory_space<hbm>>
      tpu.wait_dma2 semaphore(%arg18 : memref<!tpu.dma_semaphore, #tpu.memory_space<semaphore_mem>>) src(%dma_wait3A_87 : memref<16384xf32, #tpu.memory_space<hbm>>) dst(%arg15 : memref<16384xf32, #tpu.memory_space<vmem>>)
      %dma_wait3A_88 = arith.constant 0 : i32
      %dma_wait3A_89 = tpu.memref_slice %arg4[%dma_wait3A_88] : memref<16777216xf32, #tpu.memory_space<hbm>> -> memref<16384xf32, #tpu.memory_space<hbm>>
      %dma_wait3A_90 = arith.constant 0 : i32
      %dma_wait3A_91 = tpu.memref_slice %arg4[%dma_wait3A_90] : memref<16777216xf32, #tpu.memory_space<hbm>> -> memref<16384xf32, #tpu.memory_space<hbm>>
      tpu.wait_dma2 semaphore(%arg18 : memref<!tpu.dma_semaphore, #tpu.memory_space<semaphore_mem>>) src(%dma_wait3A_91 : memref<16384xf32, #tpu.memory_space<hbm>>) dst(%arg16 : memref<16384xf32, #tpu.memory_space<vmem>>)
      %scan3A_92 = arith.constant 0 : i32
      %scan3A_93 = arith.constant 0 : i32
      %scan3A_94 = arith.constant 64 : i32
      %scan3A_95 = arith.addi %scan3A_93, %scan3A_94 : i32
      %scan3A_96 = arith.constant 1 : i32
      %scan3A_97 = scf.for %scan3A_100 = %scan3A_93 to %scan3A_95 step %scan3A_96 iter_args(%scan3A_101 = %scan3A_92) -> (i32)  : i32 {
        %mul3A_102 = arith.constant 16 : i32
        %mul3A_103 = arith.muli %scan3A_100, %mul3A_102 : i32
        %get3A = arith.index_cast %mul3A_103 : i32 to index
        %get3A_104 = tpu.vector_load %arg17[%get3A] {strides = array<i32>} : memref<4096xf32, #tpu.memory_space<vmem>>, vector<16xf32>,
        %mul3A_105 = arith.constant 16 : i32
        %mul3A_106 = arith.muli %scan3A_100, %mul3A_105 : i32
        %add3A_107 = arith.constant 1024 : i32
        %add3A_108 = arith.addi %add3A_107, %mul3A_106 : i32
        %get3A_109 = arith.index_cast %add3A_108 : i32 to index
        %get3A_110 = tpu.vector_load %arg17[%get3A_109] {strides = array<i32>} : memref<4096xf32, #tpu.memory_space<vmem>>, vector<16xf32>,
        %mul3A_111 = arith.constant 16 : i32
        %mul3A_112 = arith.muli %scan3A_100, %mul3A_111 : i32
        %add3A_113 = arith.constant 2048 : i32
        %add3A_114 = arith.addi %add3A_113, %mul3A_112 : i32
        %get3A_115 = arith.index_cast %add3A_114 : i32 to index
        %get3A_116 = tpu.vector_load %arg17[%get3A_115] {strides = array<i32>} : memref<4096xf32, #tpu.memory_space<vmem>>, vector<16xf32>,
        %mul3A_117 = arith.constant 16 : i32
        %mul3A_118 = arith.muli %scan3A_100, %mul3A_117 : i32
        %add3A_119 = arith.constant 3072 : i32
        %add3A_120 = arith.addi %add3A_119, %mul3A_118 : i32
        %get3A_121 = arith.index_cast %add3A_120 : i32 to index
        %get3A_122 = tpu.vector_load %arg17[%get3A_121] {strides = array<i32>} : memref<4096xf32, #tpu.memory_space<vmem>>, vector<16xf32>,
        %mul3A_123 = arith.constant 16 : i32
        %mul3A_124 = arith.muli %scan3A_100, %mul3A_123 : i32
        %add3A_125 = vector.broadcast %mul3A_124 : i32 to vector<16xi32>
        %add3A_126 = arith.addi %add3A_125, %iota3A : vector<16xi32>
        %mul3A_127 = arith.constant 16 : i32
        %mul3A_128 = vector.broadcast %mul3A_127 : i32 to vector<16xi32>
        %mul3A_129 = arith.muli %add3A_126, %mul3A_128 : vector<16xi32>
        %add3A_130 = arith.constant 0 : i32
        %add3A_131 = vector.broadcast %add3A_130 : i32 to vector<16xi32>
        %add3A_132 = arith.addi %mul3A_129, %add3A_131 : vector<16xi32>
        %gather3A = tpu.vector_load_idx %arg15[%add3A_132] : memref<16384xf32, #tpu.memory_space<vmem>>[vector<16xi32>], vector<16xf32>,
        %add3A_133 = arith.constant 1 : i32
        %add3A_134 = vector.broadcast %add3A_133 : i32 to vector<16xi32>
        %add3A_135 = arith.addi %mul3A_129, %add3A_134 : vector<16xi32>
        %gather3A_136 = tpu.vector_load_idx %arg15[%add3A_135] : memref<16384xf32, #tpu.memory_space<vmem>>[vector<16xi32>], vector<16xf32>,
        %add3A_137 = arith.constant 2 : i32
        %add3A_138 = vector.broadcast %add3A_137 : i32 to vector<16xi32>
        %add3A_139 = arith.addi %mul3A_129, %add3A_138 : vector<16xi32>
        %gather3A_140 = tpu.vector_load_idx %arg15[%add3A_139] : memref<16384xf32, #tpu.memory_space<vmem>>[vector<16xi32>], vector<16xf32>,
        %add3A_141 = arith.constant 3 : i32
        %add3A_142 = vector.broadcast %add3A_141 : i32 to vector<16xi32>
        %add3A_143 = arith.addi %mul3A_129, %add3A_142 : vector<16xi32>
        %gather3A_144 = tpu.vector_load_idx %arg15[%add3A_143] : memref<16384xf32, #tpu.memory_space<vmem>>[vector<16xi32>], vector<16xf32>,
        %add3A_145 = arith.constant 4 : i32
        %add3A_146 = vector.broadcast %add3A_145 : i32 to vector<16xi32>
        %add3A_147 = arith.addi %mul3A_129, %add3A_146 : vector<16xi32>
        %gather3A_148 = tpu.vector_load_idx %arg15[%add3A_147] : memref<16384xf32, #tpu.memory_space<vmem>>[vector<16xi32>], vector<16xf32>,
        %add3A_149 = arith.constant 5 : i32
        %add3A_150 = vector.broadcast %add3A_149 : i32 to vector<16xi32>
        %add3A_151 = arith.addi %mul3A_129, %add3A_150 : vector<16xi32>
        %gather3A_152 = tpu.vector_load_idx %arg15[%add3A_151] : memref<16384xf32, #tpu.memory_space<vmem>>[vector<16xi32>], vector<16xf32>,
        %add3A_153 = arith.constant 6 : i32
        %add3A_154 = vector.broadcast %add3A_153 : i32 to vector<16xi32>
        %add3A_155 = arith.addi %mul3A_129, %add3A_154 : vector<16xi32>
        %gather3A_156 = tpu.vector_load_idx %arg15[%add3A_155] : memref<16384xf32, #tpu.memory_space<vmem>>[vector<16xi32>], vector<16xf32>,
        %add3A_157 = arith.constant 7 : i32
        %add3A_158 = vector.broadcast %add3A_157 : i32 to vector<16xi32>
        %add3A_159 = arith.addi %mul3A_129, %add3A_158 : vector<16xi32>
        %gather3A_160 = tpu.vector_load_idx %arg15[%add3A_159] : memref<16384xf32, #tpu.memory_space<vmem>>[vector<16xi32>], vector<16xf32>,
        %sub3A = arith.subf %gather3A_136, %gather3A : vector<16xf32>
        %mul3A_161 = arith.mulf %get3A_116, %sub3A : vector<16xf32>
        %add3A_162 = arith.addf %gather3A, %mul3A_161 : vector<16xf32>
        %sub3A_163 = arith.subf %gather3A_144, %gather3A_140 : vector<16xf32>
        %mul3A_164 = arith.mulf %get3A_116, %sub3A_163 : vector<16xf32>
        %add3A_165 = arith.addf %gather3A_140, %mul3A_164 : vector<16xf32>
        %sub3A_166 = arith.subf %gather3A_152, %gather3A_148 : vector<16xf32>
        %mul3A_167 = arith.mulf %get3A_116, %sub3A_166 : vector<16xf32>
        %add3A_168 = arith.addf %gather3A_148, %mul3A_167 : vector<16xf32>
        %sub3A_169 = arith.subf %gather3A_160, %gather3A_156 : vector<16xf32>
        %mul3A_170 = arith.mulf %get3A_116, %sub3A_169 : vector<16xf32>
        %add3A_171 = arith.addf %gather3A_156, %mul3A_170 : vector<16xf32>
        %sub3A_172 = arith.subf %add3A_165, %add3A_162 : vector<16xf32>
        %mul3A_173 = arith.mulf %get3A_110, %sub3A_172 : vector<16xf32>
        %add3A_174 = arith.addf %add3A_162, %mul3A_173 : vector<16xf32>
        %sub3A_175 = arith.subf %add3A_171, %add3A_168 : vector<16xf32>
        %mul3A_176 = arith.mulf %get3A_110, %sub3A_175 : vector<16xf32>
        %add3A_177 = arith.addf %add3A_168, %mul3A_176 : vector<16xf32>
        %sub3A_178 = arith.subf %add3A_177, %add3A_174 : vector<16xf32>
        %mul3A_179 = arith.mulf %get3A_104, %sub3A_178 : vector<16xf32>
        %add3A_180 = arith.addf %add3A_174, %mul3A_179 : vector<16xf32>
        %add3A_181 = arith.constant 8 : i32
        %add3A_182 = vector.broadcast %add3A_181 : i32 to vector<16xi32>
        %add3A_183 = arith.addi %mul3A_129, %add3A_182 : vector<16xi32>
        %gather3A_184 = tpu.vector_load_idx %arg15[%add3A_183] : memref<16384xf32, #tpu.memory_space<vmem>>[vector<16xi32>], vector<16xf32>,
        %add3A_185 = arith.constant 9 : i32
        %add3A_186 = vector.broadcast %add3A_185 : i32 to vector<16xi32>
        %add3A_187 = arith.addi %mul3A_129, %add3A_186 : vector<16xi32>
        %gather3A_188 = tpu.vector_load_idx %arg15[%add3A_187] : memref<16384xf32, #tpu.memory_space<vmem>>[vector<16xi32>], vector<16xf32>,
        %add3A_189 = arith.constant 10 : i32
        %add3A_190 = vector.broadcast %add3A_189 : i32 to vector<16xi32>
        %add3A_191 = arith.addi %mul3A_129, %add3A_190 : vector<16xi32>
        %gather3A_192 = tpu.vector_load_idx %arg15[%add3A_191] : memref<16384xf32, #tpu.memory_space<vmem>>[vector<16xi32>], vector<16xf32>,
        %add3A_193 = arith.constant 11 : i32
        %add3A_194 = vector.broadcast %add3A_193 : i32 to vector<16xi32>
        %add3A_195 = arith.addi %mul3A_129, %add3A_194 : vector<16xi32>
        %gather3A_196 = tpu.vector_load_idx %arg15[%add3A_195] : memref<16384xf32, #tpu.memory_space<vmem>>[vector<16xi32>], vector<16xf32>,
        %add3A_197 = arith.constant 12 : i32
        %add3A_198 = vector.broadcast %add3A_197 : i32 to vector<16xi32>
        %add3A_199 = arith.addi %mul3A_129, %add3A_198 : vector<16xi32>
        %gather3A_200 = tpu.vector_load_idx %arg15[%add3A_199] : memref<16384xf32, #tpu.memory_space<vmem>>[vector<16xi32>], vector<16xf32>,
        %add3A_201 = arith.constant 13 : i32
        %add3A_202 = vector.broadcast %add3A_201 : i32 to vector<16xi32>
        %add3A_203 = arith.addi %mul3A_129, %add3A_202 : vector<16xi32>
        %gather3A_204 = tpu.vector_load_idx %arg15[%add3A_203] : memref<16384xf32, #tpu.memory_space<vmem>>[vector<16xi32>], vector<16xf32>,
        %add3A_205 = arith.constant 14 : i32
        %add3A_206 = vector.broadcast %add3A_205 : i32 to vector<16xi32>
        %add3A_207 = arith.addi %mul3A_129, %add3A_206 : vector<16xi32>
        %gather3A_208 = tpu.vector_load_idx %arg15[%add3A_207] : memref<16384xf32, #tpu.memory_space<vmem>>[vector<16xi32>], vector<16xf32>,
        %add3A_209 = arith.constant 15 : i32
        %add3A_210 = vector.broadcast %add3A_209 : i32 to vector<16xi32>
        %add3A_211 = arith.addi %mul3A_129, %add3A_210 : vector<16xi32>
        %gather3A_212 = tpu.vector_load_idx %arg15[%add3A_211] : memref<16384xf32, #tpu.memory_space<vmem>>[vector<16xi32>], vector<16xf32>,
        %sub3A_213 = arith.subf %gather3A_188, %gather3A_184 : vector<16xf32>
        %mul3A_214 = arith.mulf %get3A_116, %sub3A_213 : vector<16xf32>
        %add3A_215 = arith.addf %gather3A_184, %mul3A_214 : vector<16xf32>
        %sub3A_216 = arith.subf %gather3A_196, %gather3A_192 : vector<16xf32>
        %mul3A_217 = arith.mulf %get3A_116, %sub3A_216 : vector<16xf32>
        %add3A_218 = arith.addf %gather3A_192, %mul3A_217 : vector<16xf32>
        %sub3A_219 = arith.subf %gather3A_204, %gather3A_200 : vector<16xf32>
        %mul3A_220 = arith.mulf %get3A_116, %sub3A_219 : vector<16xf32>
        %add3A_221 = arith.addf %gather3A_200, %mul3A_220 : vector<16xf32>
        %sub3A_222 = arith.subf %gather3A_212, %gather3A_208 : vector<16xf32>
        %mul3A_223 = arith.mulf %get3A_116, %sub3A_222 : vector<16xf32>
        %add3A_224 = arith.addf %gather3A_208, %mul3A_223 : vector<16xf32>
        %sub3A_225 = arith.subf %add3A_218, %add3A_215 : vector<16xf32>
        %mul3A_226 = arith.mulf %get3A_110, %sub3A_225 : vector<16xf32>
        %add3A_227 = arith.addf %add3A_215, %mul3A_226 : vector<16xf32>
        %sub3A_228 = arith.subf %add3A_224, %add3A_221 : vector<16xf32>
        %mul3A_229 = arith.mulf %get3A_110, %sub3A_228 : vector<16xf32>
        %add3A_230 = arith.addf %add3A_221, %mul3A_229 : vector<16xf32>
        %sub3A_231 = arith.subf %add3A_230, %add3A_227 : vector<16xf32>
        %mul3A_232 = arith.mulf %get3A_104, %sub3A_231 : vector<16xf32>
        %add3A_233 = arith.addf %add3A_227, %mul3A_232 : vector<16xf32>
        %add3A_234 = arith.constant 0 : i32
        %add3A_235 = vector.broadcast %add3A_234 : i32 to vector<16xi32>
        %add3A_236 = arith.addi %mul3A_129, %add3A_235 : vector<16xi32>
        %gather3A_237 = tpu.vector_load_idx %arg16[%add3A_236] : memref<16384xf32, #tpu.memory_space<vmem>>[vector<16xi32>], vector<16xf32>,
        %add3A_238 = arith.constant 1 : i32
        %add3A_239 = vector.broadcast %add3A_238 : i32 to vector<16xi32>
        %add3A_240 = arith.addi %mul3A_129, %add3A_239 : vector<16xi32>
        %gather3A_241 = tpu.vector_load_idx %arg16[%add3A_240] : memref<16384xf32, #tpu.memory_space<vmem>>[vector<16xi32>], vector<16xf32>,
        %add3A_242 = arith.constant 2 : i32
        %add3A_243 = vector.broadcast %add3A_242 : i32 to vector<16xi32>
        %add3A_244 = arith.addi %mul3A_129, %add3A_243 : vector<16xi32>
        %gather3A_245 = tpu.vector_load_idx %arg16[%add3A_244] : memref<16384xf32, #tpu.memory_space<vmem>>[vector<16xi32>], vector<16xf32>,
        %add3A_246 = arith.constant 3 : i32
        %add3A_247 = vector.broadcast %add3A_246 : i32 to vector<16xi32>
        %add3A_248 = arith.addi %mul3A_129, %add3A_247 : vector<16xi32>
        %gather3A_249 = tpu.vector_load_idx %arg16[%add3A_248] : memref<16384xf32, #tpu.memory_space<vmem>>[vector<16xi32>], vector<16xf32>,
        %add3A_250 = arith.constant 4 : i32
        %add3A_251 = vector.broadcast %add3A_250 : i32 to vector<16xi32>
        %add3A_252 = arith.addi %mul3A_129, %add3A_251 : vector<16xi32>
        %gather3A_253 = tpu.vector_load_idx %arg16[%add3A_252] : memref<16384xf32, #tpu.memory_space<vmem>>[vector<16xi32>], vector<16xf32>,
        %add3A_254 = arith.constant 5 : i32
        %add3A_255 = vector.broadcast %add3A_254 : i32 to vector<16xi32>
        %add3A_256 = arith.addi %mul3A_129, %add3A_255 : vector<16xi32>
        %gather3A_257 = tpu.vector_load_idx %arg16[%add3A_256] : memref<16384xf32, #tpu.memory_space<vmem>>[vector<16xi32>], vector<16xf32>,
        %add3A_258 = arith.constant 6 : i32
        %add3A_259 = vector.broadcast %add3A_258 : i32 to vector<16xi32>
        %add3A_260 = arith.addi %mul3A_129, %add3A_259 : vector<16xi32>
        %gather3A_261 = tpu.vector_load_idx %arg16[%add3A_260] : memref<16384xf32, #tpu.memory_space<vmem>>[vector<16xi32>], vector<16xf32>,
        %add3A_262 = arith.constant 7 : i32
        %add3A_263 = vector.broadcast %add3A_262 : i32 to vector<16xi32>
        %add3A_264 = arith.addi %mul3A_129, %add3A_263 : vector<16xi32>
        %gather3A_265 = tpu.vector_load_idx %arg16[%add3A_264] : memref<16384xf32, #tpu.memory_space<vmem>>[vector<16xi32>], vector<16xf32>,
        %sub3A_266 = arith.subf %gather3A_241, %gather3A_237 : vector<16xf32>
        %mul3A_267 = arith.mulf %get3A_116, %sub3A_266 : vector<16xf32>
        %add3A_268 = arith.addf %gather3A_237, %mul3A_267 : vector<16xf32>
        %sub3A_269 = arith.subf %gather3A_249, %gather3A_245 : vector<16xf32>
        %mul3A_270 = arith.mulf %get3A_116, %sub3A_269 : vector<16xf32>
        %add3A_271 = arith.addf %gather3A_245, %mul3A_270 : vector<16xf32>
        %sub3A_272 = arith.subf %gather3A_257, %gather3A_253 : vector<16xf32>
        %mul3A_273 = arith.mulf %get3A_116, %sub3A_272 : vector<16xf32>
        %add3A_274 = arith.addf %gather3A_253, %mul3A_273 : vector<16xf32>
        %sub3A_275 = arith.subf %gather3A_265, %gather3A_261 : vector<16xf32>
        %mul3A_276 = arith.mulf %get3A_116, %sub3A_275 : vector<16xf32>
        %add3A_277 = arith.addf %gather3A_261, %mul3A_276 : vector<16xf32>
        %sub3A_278 = arith.subf %add3A_271, %add3A_268 : vector<16xf32>
        %mul3A_279 = arith.mulf %get3A_110, %sub3A_278 : vector<16xf32>
        %add3A_280 = arith.addf %add3A_268, %mul3A_279 : vector<16xf32>
        %sub3A_281 = arith.subf %add3A_277, %add3A_274 : vector<16xf32>
        %mul3A_282 = arith.mulf %get3A_110, %sub3A_281 : vector<16xf32>
        %add3A_283 = arith.addf %add3A_274, %mul3A_282 : vector<16xf32>
        %sub3A_284 = arith.subf %add3A_283, %add3A_280 : vector<16xf32>
        %mul3A_285 = arith.mulf %get3A_104, %sub3A_284 : vector<16xf32>
        %add3A_286 = arith.addf %add3A_280, %mul3A_285 : vector<16xf32>
        %add3A_287 = arith.constant 8 : i32
        %add3A_288 = vector.broadcast %add3A_287 : i32 to vector<16xi32>
        %add3A_289 = arith.addi %mul3A_129, %add3A_288 : vector<16xi32>
        %gather3A_290 = tpu.vector_load_idx %arg16[%add3A_289] : memref<16384xf32, #tpu.memory_space<vmem>>[vector<16xi32>], vector<16xf32>,
        %add3A_291 = arith.constant 9 : i32
        %add3A_292 = vector.broadcast %add3A_291 : i32 to vector<16xi32>
        %add3A_293 = arith.addi %mul3A_129, %add3A_292 : vector<16xi32>
        %gather3A_294 = tpu.vector_load_idx %arg16[%add3A_293] : memref<16384xf32, #tpu.memory_space<vmem>>[vector<16xi32>], vector<16xf32>,
        %add3A_295 = arith.constant 10 : i32
        %add3A_296 = vector.broadcast %add3A_295 : i32 to vector<16xi32>
        %add3A_297 = arith.addi %mul3A_129, %add3A_296 : vector<16xi32>
        %gather3A_298 = tpu.vector_load_idx %arg16[%add3A_297] : memref<16384xf32, #tpu.memory_space<vmem>>[vector<16xi32>], vector<16xf32>,
        %add3A_299 = arith.constant 11 : i32
        %add3A_300 = vector.broadcast %add3A_299 : i32 to vector<16xi32>
        %add3A_301 = arith.addi %mul3A_129, %add3A_300 : vector<16xi32>
        %gather3A_302 = tpu.vector_load_idx %arg16[%add3A_301] : memref<16384xf32, #tpu.memory_space<vmem>>[vector<16xi32>], vector<16xf32>,
        %add3A_303 = arith.constant 12 : i32
        %add3A_304 = vector.broadcast %add3A_303 : i32 to vector<16xi32>
        %add3A_305 = arith.addi %mul3A_129, %add3A_304 : vector<16xi32>
        %gather3A_306 = tpu.vector_load_idx %arg16[%add3A_305] : memref<16384xf32, #tpu.memory_space<vmem>>[vector<16xi32>], vector<16xf32>,
        %add3A_307 = arith.constant 13 : i32
        %add3A_308 = vector.broadcast %add3A_307 : i32 to vector<16xi32>
        %add3A_309 = arith.addi %mul3A_129, %add3A_308 : vector<16xi32>
        %gather3A_310 = tpu.vector_load_idx %arg16[%add3A_309] : memref<16384xf32, #tpu.memory_space<vmem>>[vector<16xi32>], vector<16xf32>,
        %add3A_311 = arith.constant 14 : i32
        %add3A_312 = vector.broadcast %add3A_311 : i32 to vector<16xi32>
        %add3A_313 = arith.addi %mul3A_129, %add3A_312 : vector<16xi32>
        %gather3A_314 = tpu.vector_load_idx %arg16[%add3A_313] : memref<16384xf32, #tpu.memory_space<vmem>>[vector<16xi32>], vector<16xf32>,
        %add3A_315 = arith.constant 15 : i32
        %add3A_316 = vector.broadcast %add3A_315 : i32 to vector<16xi32>
        %add3A_317 = arith.addi %mul3A_129, %add3A_316 : vector<16xi32>
        %gather3A_318 = tpu.vector_load_idx %arg16[%add3A_317] : memref<16384xf32, #tpu.memory_space<vmem>>[vector<16xi32>], vector<16xf32>,
        %sub3A_319 = arith.subf %gather3A_294, %gather3A_290 : vector<16xf32>
        %mul3A_320 = arith.mulf %get3A_116, %sub3A_319 : vector<16xf32>
        %add3A_321 = arith.addf %gather3A_290, %mul3A_320 : vector<16xf32>
        %sub3A_322 = arith.subf %gather3A_302, %gather3A_298 : vector<16xf32>
        %mul3A_323 = arith.mulf %get3A_116, %sub3A_322 : vector<16xf32>
        %add3A_324 = arith.addf %gather3A_298, %mul3A_323 : vector<16xf32>
        %sub3A_325 = arith.subf %gather3A_310, %gather3A_306 : vector<16xf32>
        %mul3A_326 = arith.mulf %get3A_116, %sub3A_325 : vector<16xf32>
        %add3A_327 = arith.addf %gather3A_306, %mul3A_326 : vector<16xf32>
        %sub3A_328 = arith.subf %gather3A_318, %gather3A_314 : vector<16xf32>
        %mul3A_329 = arith.mulf %get3A_116, %sub3A_328 : vector<16xf32>
        %add3A_330 = arith.addf %gather3A_314, %mul3A_329 : vector<16xf32>
        %sub3A_331 = arith.subf %add3A_324, %add3A_321 : vector<16xf32>
        %mul3A_332 = arith.mulf %get3A_110, %sub3A_331 : vector<16xf32>
        %add3A_333 = arith.addf %add3A_321, %mul3A_332 : vector<16xf32>
        %sub3A_334 = arith.subf %add3A_330, %add3A_327 : vector<16xf32>
        %mul3A_335 = arith.mulf %get3A_110, %sub3A_334 : vector<16xf32>
        %add3A_336 = arith.addf %add3A_327, %mul3A_335 : vector<16xf32>
        %sub3A_337 = arith.subf %add3A_336, %add3A_333 : vector<16xf32>
        %mul3A_338 = arith.mulf %get3A_104, %sub3A_337 : vector<16xf32>
        %add3A_339 = arith.addf %add3A_333, %mul3A_338 : vector<16xf32>
        %sub3A_340 = arith.subf %add3A_233, %add3A_180 : vector<16xf32>
        %mul3A_341 = arith.mulf %get3A_122, %sub3A_340 : vector<16xf32>
        %add3A_342 = arith.addf %add3A_180, %mul3A_341 : vector<16xf32>
        %sub3A_343 = arith.subf %add3A_339, %add3A_286 : vector<16xf32>
        %mul3A_344 = arith.mulf %get3A_122, %sub3A_343 : vector<16xf32>
        %add3A_345 = arith.addf %add3A_286, %mul3A_344 : vector<16xf32>
        %mul3A_346 = arith.constant 16 : i32
        %mul3A_347 = arith.muli %scan3A_100, %mul3A_346 : i32
        %swap3A = arith.index_cast %mul3A_347 : i32 to index
        %swap3A_348 = tpu.vector_load %arg19[%swap3A] {strides = array<i32>} : memref<1024xf32, #tpu.memory_space<vmem>>, vector<16xf32>,
        tpu.vector_store %arg19[%swap3A], %add3A_342 {strides = array<i32>} : memref<1024xf32, #tpu.memory_space<vmem>>, vector<16xf32>,
        %mul3A_349 = arith.constant 16 : i32
        %mul3A_350 = arith.muli %scan3A_100, %mul3A_349 : i32
        %swap3A_351 = arith.index_cast %mul3A_350 : i32 to index
        %swap3A_352 = tpu.vector_load %arg20[%swap3A_351] {strides = array<i32>} : memref<1024xf32, #tpu.memory_space<vmem>>, vector<16xf32>,
        tpu.vector_store %arg20[%swap3A_351], %add3A_345 {strides = array<i32>} : memref<1024xf32, #tpu.memory_space<vmem>>, vector<16xf32>,
        %scan3A_353 = arith.constant 0 : i32
        scf.yield %scan3A_353 : i32
      }
      %scan3A_98 = arith.constant 64 : i32
      "tpu.region"() ({
        %run_scoped3A = tpu.sem_alloc : memref<!tpu.dma_semaphore, #tpu.memory_space<semaphore_mem>>
        %dma_start3A = tpu.memref_slice %arg5[%add3A_83] : memref<1048576xf32, #tpu.memory_space<hbm>> -> memref<1024xf32, #tpu.memory_space<hbm>>
        %dma_start3A_100 = tpu.memref_slice %arg5[%add3A_83] : memref<1048576xf32, #tpu.memory_space<hbm>> -> memref<1024xf32, #tpu.memory_space<hbm>>
        tpu.enqueue_dma source(%arg19 : memref<1024xf32, #tpu.memory_space<vmem>>) target(%dma_start3A_100 : memref<1024xf32, #tpu.memory_space<hbm>>) target_semaphore(%run_scoped3A : memref<!tpu.dma_semaphore, #tpu.memory_space<semaphore_mem>>)
        %dma_wait3A_101 = tpu.memref_slice %arg5[%add3A_83] : memref<1048576xf32, #tpu.memory_space<hbm>> -> memref<1024xf32, #tpu.memory_space<hbm>>
        %dma_wait3A_102 = tpu.memref_slice %arg5[%add3A_83] : memref<1048576xf32, #tpu.memory_space<hbm>> -> memref<1024xf32, #tpu.memory_space<hbm>>
        tpu.wait_dma2 semaphore(%run_scoped3A : memref<!tpu.dma_semaphore, #tpu.memory_space<semaphore_mem>>) src(%arg19 : memref<1024xf32, #tpu.memory_space<vmem>>) dst(%dma_wait3A_102 : memref<1024xf32, #tpu.memory_space<hbm>>)
        tpu.yield
      }) : () -> ()
      "tpu.region"() ({
        %run_scoped3A = tpu.sem_alloc : memref<!tpu.dma_semaphore, #tpu.memory_space<semaphore_mem>>
        %dma_start3A = tpu.memref_slice %arg6[%add3A_83] : memref<1048576xf32, #tpu.memory_space<hbm>> -> memref<1024xf32, #tpu.memory_space<hbm>>
        %dma_start3A_100 = tpu.memref_slice %arg6[%add3A_83] : memref<1048576xf32, #tpu.memory_space<hbm>> -> memref<1024xf32, #tpu.memory_space<hbm>>
        tpu.enqueue_dma source(%arg20 : memref<1024xf32, #tpu.memory_space<vmem>>) target(%dma_start3A_100 : memref<1024xf32, #tpu.memory_space<hbm>>) target_semaphore(%run_scoped3A : memref<!tpu.dma_semaphore, #tpu.memory_space<semaphore_mem>>)
        %dma_wait3A_101 = tpu.memref_slice %arg6[%add3A_83] : memref<1048576xf32, #tpu.memory_space<hbm>> -> memref<1024xf32, #tpu.memory_space<hbm>>
        %dma_wait3A_102 = tpu.memref_slice %arg6[%add3A_83] : memref<1048576xf32, #tpu.memory_space<hbm>> -> memref<1024xf32, #tpu.memory_space<hbm>>
        tpu.wait_dma2 semaphore(%run_scoped3A : memref<!tpu.dma_semaphore, #tpu.memory_space<semaphore_mem>>) src(%arg20 : memref<1024xf32, #tpu.memory_space<vmem>>) dst(%dma_wait3A_102 : memref<1024xf32, #tpu.memory_space<hbm>>)
        tpu.yield
      }) : () -> ()
      %scan3A_99 = arith.constant 0 : i32
      scf.yield %scan3A_99 : i32
    }
    %scan3A_26 = arith.constant 16 : i32
    return
  }
}

</mosaic_0001>

<sc_bundles>
// kernel: kernel.3.cloned.1.call-start
scs
__scs_entry_jumppad:
0x0: {  	(pc) =	sbr.rel $0x88, $3  }
0x1: {  	(tag) =	ssettag $0x0;
	lr =	simm.s32 $0x1  }
0x2: {  	[smem:$0x3F9C] =	sst lr;
	_ =	strace $0xD0000000  }
0x3: {  	_ = 	snop  }
0x4: {  	_ = 	snop  }
0x5: {  	_ = 	snop  }
0x6: {  	_ = 	snop  }
0x7: {  	_ = 	snop  }
__scs_overlays_trampoline_lowered:
0x8: {  	[smem:$0x3FAB] =	sst s0  }
0x9: {  	[smem:$0x3FAC] =	sst s1  }
0xa: {  	[smem:$0x3FAD] =	sst s2  }
0xb: {  	[smem:$0x3FAE] =	sst s3  }
0xc: {  	[smem:$0x3FAF] =	sst s4  }
0xd: {  	[smem:$0x3FB0] =	sst s5  }
0xe: {  	[smem:$0x3FB1] =	sst s6  }
0xf: {  	[smem:$0x3FB2] =	sst s7  }
0x10: {  	[smem:$0x3FB3] =	sst s8  }
0x11: {  	[smem:$0x3FB4] =	sst s9;
	s0 =	simm.s32 @!p0 $0x0  }
0x12: {  	s1 =	sld [smem:$0x3F9A];
	s0 =	simm.s32 @p0 $0x1  }
0x13: {  	[smem:$0x3FB5] =	sst s0;
	s0 =	simm.s32 @!p1 $0x0  }
0x14: {  	s2 =	sld [smem:$0x3F99];
	s0 =	simm.s32 @p1 $0x1  }
0x15: {  	[smem:$0x3FB6] =	sst s0;
	s0 =	simm.s32 @!p2 $0x0  }
0x16: {  	s3 =	sld [smem:$0x3FDB];
	s0 =	simm.s32 @p2 $0x1  }
0x17: {  	s4 =	simm.s32 $0x1BF5;
	[smem:$0x3FB8] =	sst s0  }
0x18: {  	s0 =	sld [smem:$0x3F9B];
	_ =	swait.ge [sflag:s4], $0x0  }
0x19: {  	s7 =	sld [smem:$0x3F9C]  }
0x1a: {  	s8 =	sadd.s32 $0xFFFFE003, lr  }
0x1b: {  	s9 =	sadd.s32 $0xFFFFFEF7, lr;
	s5 =	simm.s32 $0xFFFFFFFF;
	p2 =	slt.u32 s8, $0xFFFFF086  }
0x1c: {  	p1 =	slt.u32 s9, $0xF7A;
	s5 =	simm.s32 @!p2 $0x0  }
0x1d: {  	s5 =	simm.s32 @p1 $0x1;
	p0 =	seq.s32 s7, s2  }
0x1e: {  	s7 =	smul.u32 @!p0 $0xF7A, s2;
	p2 =	seq.s32 @!p0 s5, $0x0  }
0x1f: {  	s9 =	smul.u32 $0xF7A, s1;
	s8 =	simm.s32 @!p0 $0x1BF5;
	p2 =	por !p2, p0  }
0x20: {  	[sflag:s8] =	ssyncset.s32 @!p0 $0xFFFFF086;
	s6 =	sadd.s32 @!p0 s3, s7;
	s7 =	simm.s32 @!p0 $0x108  }
0x21: {  	s3 =	sadd.s32 s3, s9;
	s6 =	sadd.s32 @!p0 $0x88, s6;
	s7 =	simm.s32 @p2 $0x1082  }
0x22: {  	[simem:s7], [sflag:s8] =	dma.local @!p0 [hbm:s6], $0xF7A  }
0x23: {  	s9 =	sor.u32 $0xD0000000, s2;
	s6 =	simm.s32 $0x108;
	_ =	swait.ge @!p0 [sflag:s8], $0x0  }
0x24: {  	s3 =	sadd.s32 $0x88, s3;
	s6 =	simm.s32 @!p1 $0x1082;
	[sflag:s4] =	ssyncset.s32 $0xFFFFF086  }
0x25: {  	[simem:s6], [sflag:s4] =	dma.local [hbm:s3], $0xF7A  }
0x26: {  	[smem:$0x3F9C] =	sst s1;
	(tag) =	ssettag s2;
	_ =	strace s9  }
0x27: {  	s1 =	sld [smem:$0x3FAC]  }
0x28: {  	s2 =	sld [smem:$0x3FAD]  }
0x29: {  	s4 =	sld [smem:$0x3FAF]  }
0x2a: {  	p0 =	seq.s32 s5, $0x0;
	s5 =	sld [smem:$0x3FB0]  }
0x2b: {  	s6 =	sld [smem:$0x3FB1]  }
0x2c: {  	s7 =	sld [smem:$0x3FB2]  }
0x2d: {  	s3 =	simm.s32 $0x108;
	s8 =	sld [smem:$0x3FB3]  }
0x2e: {  	s3 =	simm.s32 @!p0 $0x1082;
	s9 =	sld [smem:$0x3FB4]  }
0x2f: {  	lr =	sadd.s32 s0, s3;
	s0 =	sld [smem:$0x3FAB]  }
0x30: {  	s3 =	sld [smem:$0x3FAE]  }
0x31: {  	[smem:$0x3FB7] =	sst s10  }
0x32: {  	s10 =	sld [smem:$0x3FB5];
	_ =	sdelay $0x3  }
0x33: {  	p0 =	seq.s32 s10, $0x1;
	s10 =	sld [smem:$0x3FB7];
	_ =	sdelay $0x3  }
0x34: {  	[smem:$0x3FB7] =	sst s10  }
0x35: {  	s10 =	sld [smem:$0x3FB6];
	_ =	sdelay $0x3  }
0x36: {  	p1 =	seq.s32 s10, $0x1;
	s10 =	sld [smem:$0x3FB7];
	_ =	sdelay $0x3  }
0x37: {  	[smem:$0x3FB7] =	sst s10  }
0x38: {  	s10 =	sld [smem:$0x3FB8]  }
0x39: {  	_ = 	snop;
	(pc) =	sbr.ind lr, $3  }
0x3a: {  	_ = 	snop  }
0x3b: {  	_ = 	snop  }
0x3c: {  	p2 =	seq.s32 s10, $0x1;
	s10 =	sld [smem:$0x3FB7]  }
0x3d: {  	_ =	shalt  }
0x3e: {  	_ =	shalt  }
0x3f: {  	_ =	shalt  }
0x40: {  	_ =	shalt  }
0x41: {  	_ =	shalt  }
0x42: {  	_ =	shalt  }
0x43: {  	_ =	shalt  }
0x44: {  	_ =	shalt  }
0x45: {  	_ =	shalt  }
0x46: {  	_ =	shalt  }
0x47: {  	_ =	shalt  }
0x48: {  	_ =	shalt  }
0x49: {  	_ =	shalt  }
0x4a: {  	_ =	shalt  }
0x4b: {  	_ =	shalt  }
0x4c: {  	_ =	shalt  }
0x4d: {  	_ =	shalt  }
0x4e: {  	_ =	shalt  }
0x4f: {  	_ =	shalt  }
0x50: {  	_ =	shalt  }
0x51: {  	_ =	shalt  }
0x52: {  	_ =	shalt  }
0x53: {  	_ =	shalt  }
0x54: {  	_ =	shalt  }
0x55: {  	_ =	shalt  }
0x56: {  	_ =	shalt  }
0x57: {  	_ =	shalt  }
0x58: {  	_ =	shalt  }
0x59: {  	_ =	shalt  }
0x5a: {  	_ =	shalt  }
0x5b: {  	_ =	shalt  }
0x5c: {  	_ =	shalt  }
0x5d: {  	_ =	shalt  }
0x5e: {  	_ =	shalt  }
0x5f: {  	_ =	shalt  }
0x60: {  	_ =	shalt  }
0x61: {  	_ =	shalt  }
0x62: {  	_ =	shalt  }
0x63: {  	_ =	shalt  }
0x64: {  	_ =	shalt  }
0x65: {  	_ =	shalt  }
0x66: {  	_ =	shalt  }
0x67: {  	_ =	shalt  }
0x68: {  	_ =	shalt  }
0x69: {  	_ =	shalt  }
0x6a: {  	_ =	shalt  }
0x6b: {  	_ =	shalt  }
0x6c: {  	_ =	shalt  }
0x6d: {  	_ =	shalt  }
0x6e: {  	_ =	shalt  }
0x6f: {  	_ =	shalt  }
0x70: {  	_ =	shalt  }
0x71: {  	_ =	shalt  }
0x72: {  	_ =	shalt  }
0x73: {  	_ =	shalt  }
0x74: {  	_ =	shalt  }
0x75: {  	_ =	shalt  }
0x76: {  	_ =	shalt  }
0x77: {  	_ =	shalt  }
0x78: {  	_ =	shalt  }
0x79: {  	_ =	shalt  }
0x7a: {  	_ =	shalt  }
0x7b: {  	_ =	shalt  }
0x7c: {  	_ =	shalt  }
0x7d: {  	_ =	shalt  }
0x7e: {  	_ =	shalt  }
0x7f: {  	_ =	shalt  }
0x80: {  	_ =	shalt  }
0x81: {  	_ =	shalt  }
0x82: {  	_ =	shalt  }
0x83: {  	_ =	shalt  }
0x84: {  	_ =	shalt  }
0x85: {  	_ =	shalt  }
0x86: {  	_ =	shalt  }
0x87: {  	_ =	shalt  }
.Lfunc_end0:
.L_simem_size_0:
called_computation_lowered:
.L_overlay_start_0:
0x88: {  	s2 =	sld [smem:$0x3FD9]  }
0x89: {  	s3 =	sld [smem:$0x3FFE];
	_ =	sdelay $0x1  }
0x8a: {  	s1 =	srdreg.scid  }
0x8b: {  	s0 =	sand.u32 $0x1, s1  }
0x8c: {  	s17 =	sshll.u32 s0, $0xA;
	s2 =	sadd.s32 s3, s2  }
0x8d: {  	s2 =	sadd.s32 s2, s17  }
0x8e: {  	[smem:$0x3FC3] =	sst s2  }
0x8f: {  	_ = 	snop  }
0x90: {  	s2 =	sld [smem:$0x3FC8]  }
0x91: {  	s18 =	sld [smem:$0x3FC7];
	(tm) =	ssettm $0x1  }
0x92: {  	s4 =	sld [smem:$0x3FFB];
	_ =	sdelay $0x3  }
0x93: {  	_ =	strace s4  }
0x94: {  	s4 =	sld [smem:$0x3FFC];
	_ =	sdelay $0x3  }
0x95: {  	_ =	strace s4  }
0x96: {  	s4 =	sld [smem:$0x3FFD];
	_ =	sdelay $0x3  }
0x97: {  	_ =	strace s4  }
0x98: {  	_ =	strace $0x8FFFFFFF  }
0x99: {  	s19 =	sld [smem:$0x3FDB];
	_ =	sdelay $0x1  }
0x9a: {  	s5 =	simm.s32 $_scs_section_size  }
0x9b: {  	s6 =	simm.s32 $_size__tile_overlayer_lowered;
	s7 =	simm.s32 $_tile_overlayer_lowered  }
0x9c: {  	s22 =	simm.s32 $0x1BFF;
	s21 =	sshll.u32 s7, $0x1;
	s4 =	sadd.s32 s5, s19  }
0x9d: {  	s8 =	simm.s32 $0x0;
	s20 =	sshll.u32 s6, $0x1;
	s6 =	sadd.s32 s21, s4  }
0x9e: {  	[timem:s8], [sflag:s22] =	dma.local [hbm:s6], s20  }
0x9f: {  	_ =	swait.ge [sflag:s22], s20  }
0xa0: {  	s5 =	ssub.s32 $0x0, s20;
	[sflag:s22] =	ssyncset.done $0x0  }
0xa1: {  	[sflag:s22] =	ssyncadd.s32 s5;
	_ =	sdelay $0x1  }
0xa2: {  	s23 =	simm.s32 $0x1B8B  }
0xa3: {  	_ =	swait.ge [sflag:s23], $0x1  }
0xa4: {  	[sflag:s23] =	ssyncset.done $0x0  }
0xa5: {  	s25 =	simm.s32 $0x1B8E;
	s24 =	sld [smem:$0x3FFE];
	[sflag:s23] =	ssyncadd.s32 $0xFFFFFFFF  }
0xa6: {  	s26 =	simm.s32 $execute0_lowered;
	[smem:$0x3FD2] =	sst s25  }
0xa7: {  	s6 =	sshll.u32 s26, $0x1;
	_ =	strace $0x80000046;
	[dreg:$0x1] =	wrdreg $0xFFFFFFFF  }
0xa8: {  	s28 =	simm.s32 $_size_execute0_lowered;
	s4 =	sadd.s32 s4, s6;
	[dreg:$0x0] =	wrdreg $0x0  }
0xa9: {  	s6 =	sshll.u32 s28, $0x1;
	[dreg:$0x2] =	wrdreg s4  }
0xaa: {  	[dreg:$0x3] =	wrdreg s6  }
0xab: {  	[dreg:$0x4] =	wrdreg $0xC0  }
0xac: {  	_ =	task [dreg:s8], $0x5FFFF  }
0xad: {  	[dreg:$0x1] =	wrdreg $0xFFFFFFFF  }
0xae: {  	[dreg:$0x0] =	wrdreg $0x60  }
0xaf: {  	[dreg:$0x2] =	wrdreg s24  }
0xb0: {  	[dreg:$0x3] =	wrdreg s2  }
0xb1: {  	[dreg:$0x4] =	wrdreg s18  }
0xb2: {  	[dreg:$0x5] =	wrdreg $0x9  }
0xb3: {  	_ =	task.clear_ibuf [dreg:s8], $0x6FFFF;
	_ =	strace $0x90000046  }
0xb4: {  	s29 =	simm.s32 $0x9;
	_ =	strace $0x80000048  }
0xb5: {  	_ =	swait.ge [sflag:s29], $0x1  }
0xb6: {  	[sflag:s29] =	ssyncadd.s32 $0xFFFFFFFF  }
0xb7: {  	_ =	strace $0x90000048  }
0xb8: {  	_ =	sfence  }
0xb9: {  	s30 =	sld [smem:$0x0];
	_ =	sdelay $0x2  }
0xba: {  	s31 =	sshll.u32 s1, $0xD;
	s1 =	sshrl.u32 s1, $0x2  }
0xbb: {  	s3 =	sand.u32 $0x4000, s31;
	s1 =	sadd.s32 s1, s30  }
0xbc: {  	s0 =	sor.u32 s3, s0;
	s1 =	sshll.u32 s1, $0x11  }
0xbd: {  	s0 =	sor.u32 s1, s0  }
0xbe: {  	s0 =	sadd.s32 $0x8F2B, s0  }
0xbf: {  	[sflag:s0] =	ssyncadd.remote.s32 $0x1  }
0xc0: {  	_ =	sfence.sel $0xFFFF  }
0xc1: {  	[dreg:$0x0] =	wrdreg $0xFFFFFFFF;
	(pc) =	sbr.abs _section_cstart, $3  }
0xc2: {  	[dreg:$0x1] =	wrdreg $0xFFFFFFFF  }
0xc3: {  	_ =	task.clear_ibuf [dreg:s8], $0x2FFFF;
	_ =	strace $0x9FFFFFFF  }
0xc4: {  	(tm) =	ssettm $0x7FFFFFFF  }
0xc5: {  	_ =	shalt  }
tec
execute0_lowered:
.L_overlay_start_1:
0x0: {  	(tag) =	ssettag $0x1  }
0x1: {  	s0 =	rddreg [dreg:$0x0]  }
0x2: {  	s1 =	rddreg [dreg:$0x1]  }
0x3: {  	s2 =	rddreg [dreg:$0x2]  }
0x4: {  	s4 =	simm.s32 $0x0;
	s3 =	srdreg.scid;
	s5 =	stileid.u32  }
0x5: {  	s13 =	simm.s32 $0x3;
	s14 =	simm.s32 $0x1000;
	s15 =	simm.s32 $0x80  }
0x6: {  	s16 =	simm.s32 $0xE000;
	s17 =	simm.s32 $0xF000;
	s18 =	simm.s32 $0x1  }
0x7: {  	s19 =	simm.s32 $0x5000;
	s20 =	simm.s32 $0x9000;
	s22 =	simm.s32 $0x1C400  }
0x8: {  	s23 =	simm.s32 $0x2;
	s24 =	simm.s32 $0x13000;
	[smem:$0x7FF] =	sst s4  }
0x9: {  	s3 =	sand.u32 $0x1, s3;
	s5 =	sshll.u32 s5, $0x1;
	s9 =	sadd.s32 $0x1000A00, s0  }
0xa: {  	s6 =	sadd.s32 $0xA00, s0;
	s7 =	sadd.s32 $0x20A00, s0;
	s5 =	sor.u32 s3, s5  }
0xb: {  	_ =	strace $0x80000047;
	s31 =	sshll.u32 s5, $0xE;
	s5 =	sshll.u32 s5, $0xF  }
0xc: {  	s30 =	ssub.s32 $0x2, s3;
	s21 =	smov.u32 s5;
	s5 =	sor.u32 $0x400, s5  }
0xd: {  	s8 =	sshrl.u32 s30, $0x1;
	s3 =	sadd.s32 s9, s31;
	[dreg:$0x5] =	wrdreg s5  }
0xe: {  	s0 =	ssub.s32 s30, s8;
	[dreg:$0x4] =	wrdreg s3;
	s3 =	sadd.s32 $0x400, s3  }
0xf: {  	v0 =	vlaneseq.u32;
	s25 =	simm.s32 $0x17000;
	s0 =	smax.u32 s0, $0x1;
	[dreg:$0x6] =	wrdreg s3  }
0x10: {  	v1 =	vmul.u32 $0x10, v0;
	s10 =	smov.u32 s9;
	[dreg:$0x7] =	wrdreg s0;
	s3 =	simm.s32 $0x0  }
.LBB2_1:
0x11: {  	[dreg:$0x8] =	wrdreg s3;
	v2 =	vor.u32 s4, v0  }
0x12: {  	s0 =	rddreg [dreg:$0x4];
	v3 =	vshll.u32 v2, $0x2  }
0x13: {  	[tilespmem:s4], [sflag:$0x3] =	stream.linear.gather [hbm4b:s0+s4], $0x1000, $0x38;
	v4 =	vor.u32 $0x3, v3;
	[tilespmem:$0x1C800] =	vst v63  }
0x14: {  	_ =	swait.ge [sflag:s13], $0x1000;
	v5 =	vor.u32 $0x2, v3  }
0x15: {  	v6 =	vor.u32 $0x1, v3;
	[sflag:s13] =	ssyncset.done $0x0  }
0x16: {  	[sflag:s13] =	ssyncadd.s32 $0xFFFFF000  }
0x17: {  	v3 =	vld.idx.msk [tilespmem:v3+s4+$0x0], $0xffff  }
0x18: {  	v4 =	vld.idx.msk [tilespmem:v4+s4+$0x0], $0xffff  }
0x19: {  	v5 =	vld.idx.msk [tilespmem:v5+s4+$0x0], $0xffff  }
0x1a: {  	v6 =	vld.idx.msk [tilespmem:v6+s4+$0x0], $0xffff;
	_ =	sdelay $0x1  }
0x1b: {  	v3 =	vmul.f32 $1.270000000e+02, v3  }
0x1c: {  	v4 =	vmul.f32 $7.000000000e+00, v4  }
0x1d: {  	v5 =	vmul.f32 $1.270000000e+02, v5;
	v7 =	vtrunc.f32 v3  }
0x1e: {  	v6 =	vmul.f32 $1.270000000e+02, v6;
	v7 =	vcvt.f32.s32 v7  }
0x1f: {  	v8 =	vtrunc.f32 v5;
	v9 =	vtrunc.f32 v4  }
0x20: {  	v10 =	vtrunc.f32 v6;
	v9 =	vcvt.f32.s32 v9  }
0x21: {  	v10 =	vcvt.f32.s32 v10;
	v8 =	vcvt.f32.s32 v8;
	vm0 =	vgt.s32 v7, $0x0  }
0x22: {  	v7 =	vnsel vm0, $0x0, v7;
	vm15 =	vgt.s32 v9, $0x0  }
0x23: {  	vm1 =	vgt.s32 v10, $0x0;
	vm2 =	vgt.s32 v8, $0x0;
	v7 =	vmin.u32 v7, $0x7E  }
0x24: {  	v10 =	vnsel vm1, $0x0, v10;
	v8 =	vnsel vm2, $0x0, v8;
	v9 =	vnsel vm15, $0x0, v9  }
0x25: {  	v11 =	vcvt.s32.f32 v7;
	v10 =	vmin.u32 v10, $0x7E;
	v8 =	vmin.u32 v8, $0x7E  }
0x26: {  	v9 =	vmin.u32 v9, $0x6;
	v12 =	vcvt.s32.f32 v10;
	v13 =	vcvt.s32.f32 v8  }
0x27: {  	v7 =	vshll.u32 v7, $0xE;
	v11 =	vsub.f32 v3, v11;
	v3 =	vshll.u32 v2, $0x4  }
0x28: {  	s0 =	simm.s32 $0xD000;
	v2 =	vsub.f32 v6, v12;
	v5 =	vsub.f32 v5, v13;
	v6 =	vcvt.s32.f32 v9  }
0x29: {  	s31 =	sand.u32 $0x3F0, s4;
	v10 =	vshll.u32 v10, $0x7;
	v9 =	vshll.u32 v9, $0x15;
	[tilespmem:s0+$0x0] =	vst v11;
	v11 =	vor.u32 $0x1, v3  }
0x2a: {  	[tilespmem:s31+$0xD800] =	vst v5;
	v4 =	vsub.f32 v4, v6;
	v5 =	vor.u32 v7, v9;
	v9 =	vor.u32 $0x2, v3  }
0x2b: {  	[tilespmem:s31+$0xD400] =	vst v2;
	v2 =	vor.u32 v10, v5;
	v10 =	vor.u32 $0x3, v3  }
0x2c: {  	v12 =	vor.u32 $0x4, v3;
	[tilespmem:s31+$0xDC00] =	vst v4;
	v4 =	vor.u32 v8, v2  }
0x2d: {  	[tilespmem:v3+s14+$0x0] =	vst.idx.msk $0xffff, v4;
	v2 =	vadd.s32 $0x1, v4  }
0x2e: {  	v7 =	vor.u32 $0x6, v3;
	v8 =	vor.u32 $0x5, v3;
	[tilespmem:v11+s14+$0x0] =	vst.idx.msk $0xffff, v2;
	v2 =	vadd.s32 $0x80, v4  }
0x2f: {  	v5 =	vor.u32 $0xA, v3;
	v6 =	vadd.s32 $0x4080, v4;
	[tilespmem:v9+s14+$0x0] =	vst.idx.msk $0xffff, v2;
	v2 =	vadd.s32 $0x81, v4  }
0x30: {  	s3 =	simm.s32 $0x10;
	v11 =	vadd.s32 $0x4000, v4;
	v9 =	vor.u32 $0x7, v3;
	[tilespmem:v10+s14+$0x0] =	vst.idx.msk $0xffff, v2;
	v10 =	vor.u32 $0x8, v3  }
0x31: {  	s5 =	simm.s32 $0x20;
	v2 =	vor.u32 s3, v0;
	[tilespmem:v12+s14+$0x0] =	vst.idx.msk $0xffff, v11;
	v12 =	vadd.s32 $0x4001, v4;
	v11 =	vor.u32 $0x9, v3  }
.LBB2_2:
0x32: {  	p0 =	sne.s32 s5, $0x3F0  }
0x33: {  	v13 =	vshll.u32 v2, $0x2;
	[tilespmem:v8+s14+$0x0] =	vst.idx.msk $0xffff, v12;
	v8 =	vadd.s32 $0x4081, v4;
	v12 =	vor.u32 $0xB, v3;
	s0 =	sadd.s32 $0x10, s0;
	s8 =	smov.u32 s5;
	s5 =	sadd.s32 $0x10, s5  }
0x34: {  	v14 =	vor.u32 $0x1, v13;
	v15 =	vor.u32 $0x2, v13;
	v16 =	vor.u32 $0x3, v13;
	[tilespmem:v7+s14+$0x0] =	vst.idx.msk $0xffff, v6  }
0x35: {  	v6 =	vadd.s32 $0x200000, v4;
	v7 =	vor.u32 $0xC, v3;
	[tilespmem:v9+s14+$0x0] =	vst.idx.msk $0xffff, v8  }
0x36: {  	v8 =	vor.u32 $0xD, v3;
	[tilespmem:v10+s14+$0x0] =	vst.idx.msk $0xffff, v6;
	v6 =	vadd.s32 $0x200001, v4  }
0x37: {  	v9 =	vor.u32 $0xE, v3;
	[tilespmem:v11+s14+$0x0] =	vst.idx.msk $0xffff, v6;
	v6 =	vadd.s32 $0x200080, v4  }
0x38: {  	v3 =	vor.u32 $0xF, v3;
	[tilespmem:v5+s14+$0x0] =	vst.idx.msk $0xffff, v6;
	v5 =	vadd.s32 $0x200081, v4  }
0x39: {  	[tilespmem:v12+s14+$0x0] =	vst.idx.msk $0xffff, v5;
	v5 =	vadd.s32 $0x204000, v4  }
0x3a: {  	[tilespmem:v7+s14+$0x0] =	vst.idx.msk $0xffff, v5;
	v5 =	vadd.s32 $0x204001, v4  }
0x3b: {  	[tilespmem:v8+s14+$0x0] =	vst.idx.msk $0xffff, v5;
	v5 =	vadd.s32 $0x204080, v4  }
0x3c: {  	v4 =	vadd.s32 $0x204081, v4;
	[tilespmem:v9+s14+$0x0] =	vst.idx.msk $0xffff, v5  }
0x3d: {  	s28 =	simm.s32 $0x0;
	[tilespmem:v3+s14+$0x0] =	vst.idx.msk $0xffff, v4  }
0x3e: {  	v3 =	vld.idx.msk [tilespmem:v13+s28+$0x0], $0xffff  }
0x3f: {  	v4 =	vld.idx.msk [tilespmem:v16+s28+$0x0], $0xffff  }
0x40: {  	v5 =	vld.idx.msk [tilespmem:v15+s28+$0x0], $0xffff  }
0x41: {  	v6 =	vld.idx.msk [tilespmem:v14+s28+$0x0], $0xffff;
	_ =	sdelay $0x2  }
0x42: {  	v3 =	vmul.f32 $1.270000000e+02, v3  }
0x43: {  	v4 =	vmul.f32 $7.000000000e+00, v4  }
0x44: {  	v5 =	vmul.f32 $1.270000000e+02, v5;
	v7 =	vtrunc.f32 v3  }
0x45: {  	v6 =	vmul.f32 $1.270000000e+02, v6;
	v7 =	vcvt.f32.s32 v7  }
0x46: {  	v9 =	vtrunc.f32 v4;
	v8 =	vtrunc.f32 v5  }
0x47: {  	v9 =	vcvt.f32.s32 v9;
	vm0 =	vgt.s32 v7, $0x0;
	v10 =	vtrunc.f32 v6  }
0x48: {  	v8 =	vcvt.f32.s32 v8;
	v7 =	vnsel vm0, $0x0, v7;
	v10 =	vcvt.f32.s32 v10  }
0x49: {  	vm0 =	vgt.s32 v9, $0x0;
	v7 =	vmin.u32 v7, $0x7E  }
0x4a: {  	vm2 =	vgt.s32 v8, $0x0;
	vm1 =	vgt.s32 v10, $0x0;
	v11 =	vcvt.s32.f32 v7  }
0x4b: {  	v9 =	vnsel vm0, $0x0, v9;
	v8 =	vnsel vm2, $0x0, v8;
	v10 =	vnsel vm1, $0x0, v10  }
0x4c: {  	v8 =	vmin.u32 v8, $0x7E;
	v10 =	vmin.u32 v10, $0x7E;
	v11 =	vsub.f32 v3, v11  }
0x4d: {  	v13 =	vcvt.s32.f32 v8;
	v12 =	vcvt.s32.f32 v10;
	v10 =	vshll.u32 v10, $0x7  }
0x4e: {  	v9 =	vmin.u32 v9, $0x6;
	v3 =	vshll.u32 v2, $0x4  }
0x4f: {  	v5 =	vsub.f32 v5, v13;
	v2 =	vsub.f32 v6, v12;
	v6 =	vcvt.s32.f32 v9  }
0x50: {  	s9 =	sand.u32 $0x3F0, s3;
	s3 =	smov.u32 s8;
	v7 =	vshll.u32 v7, $0xE;
	v9 =	vshll.u32 v9, $0x15;
	[tilespmem:s0+$0x0] =	vst v11;
	v11 =	vor.u32 $0x1, v3  }
0x51: {  	v4 =	vsub.f32 v4, v6;
	[tilespmem:s9+$0xD800] =	vst v5;
	v5 =	vor.u32 v7, v9;
	v9 =	vor.u32 $0x2, v3  }
0x52: {  	[tilespmem:s9+$0xD400] =	vst v2;
	v2 =	vor.u32 v10, v5;
	v10 =	vor.u32 $0x3, v3;
	v5 =	vor.u32 $0xA, v3  }
0x53: {  	v12 =	vor.u32 $0x4, v3;
	[tilespmem:s9+$0xDC00] =	vst v4;
	v4 =	vor.u32 v8, v2  }
.Ltmp0:
0x54: {  	v8 =	vor.u32 $0x5, v3;
	[tilespmem:v3+s14+$0x0] =	vst.idx.msk $0xffff, v4;
	v2 =	vadd.s32 $0x1, v4;
	v6 =	vadd.s32 $0x4080, v4;
	(pc) =	sbr.rel @p0 .LBB2_2-.Ltmp0, $4  }
0x55: {  	v7 =	vor.u32 $0x6, v3;
	[tilespmem:v11+s14+$0x0] =	vst.idx.msk $0xffff, v2;
	v2 =	vadd.s32 $0x80, v4  }
0x56: {  	[tilespmem:v9+s14+$0x0] =	vst.idx.msk $0xffff, v2;
	v2 =	vadd.s32 $0x81, v4;
	v9 =	vor.u32 $0x7, v3  }
0x57: {  	v11 =	vadd.s32 $0x4000, v4;
	[tilespmem:v10+s14+$0x0] =	vst.idx.msk $0xffff, v2;
	v10 =	vor.u32 $0x8, v3  }
0x58: {  	v2 =	vor.u32 s3, v0;
	[tilespmem:v12+s14+$0x0] =	vst.idx.msk $0xffff, v11;
	v12 =	vadd.s32 $0x4001, v4;
	v11 =	vor.u32 $0x9, v3  }
0x59: {  	_ =	sdelay $0x3  }
0x5a: {  	[tilespmem:v8+s14+$0x0] =	vst.idx.msk $0xffff, v12  }
0x5b: {  	v62 =	vadd.s32 $0x4081, v4;
	v63 =	vor.u32 $0xB, v3;
	[tilespmem:v7+s14+$0x0] =	vst.idx.msk $0xffff, v6  }
0x5c: {  	v13 =	vor.u32 $0xC, v3;
	[tilespmem:v9+s14+$0x0] =	vst.idx.msk $0xffff, v62;
	v9 =	vadd.s32 $0x200000, v4  }
0x5d: {  	v14 =	vadd.s32 $0x200001, v4;
	v15 =	vor.u32 $0xD, v3;
	[tilespmem:v10+s14+$0x0] =	vst.idx.msk $0xffff, v9  }
0x5e: {  	v16 =	vadd.s32 $0x200080, v4;
	v17 =	vor.u32 $0xE, v3;
	[tilespmem:v11+s14+$0x0] =	vst.idx.msk $0xffff, v14  }
0x5f: {  	v18 =	vadd.s32 $0x200081, v4;
	v3 =	vor.u32 $0xF, v3;
	[tilespmem:v5+s14+$0x0] =	vst.idx.msk $0xffff, v16  }
0x60: {  	v19 =	vshll.u32 v2, $0x2;
	v20 =	vadd.s32 $0x204000, v4;
	[tilespmem:v63+s14+$0x0] =	vst.idx.msk $0xffff, v18  }
0x61: {  	v22 =	vadd.s32 $0x204001, v4;
	v21 =	vor.u32 $0x3, v19;
	[tilespmem:v13+s14+$0x0] =	vst.idx.msk $0xffff, v20  }
0x62: {  	v24 =	vadd.s32 $0x204080, v4;
	v23 =	vor.u32 $0x2, v19;
	[tilespmem:v15+s14+$0x0] =	vst.idx.msk $0xffff, v22  }
0x63: {  	v26 =	vadd.s32 $0x204081, v4;
	v25 =	vor.u32 $0x1, v19;
	[tilespmem:v17+s14+$0x0] =	vst.idx.msk $0xffff, v24  }
0x64: {  	[tilespmem:v3+s14+$0x0] =	vst.idx.msk $0xffff, v26  }
0x65: {  	v3 =	vld.idx.msk [tilespmem:v19+s28+$0x0], $0xffff  }
0x66: {  	v4 =	vld.idx.msk [tilespmem:v21+s28+$0x0], $0xffff  }
0x67: {  	v5 =	vld.idx.msk [tilespmem:v23+s28+$0x0], $0xffff  }
0x68: {  	v27 =	vld.idx.msk [tilespmem:v25+s28+$0x0], $0xffff;
	_ =	sdelay $0x2  }
0x69: {  	v3 =	vmul.f32 $1.270000000e+02, v3  }
0x6a: {  	v4 =	vmul.f32 $7.000000000e+00, v4;
	v5 =	vmul.f32 $1.270000000e+02, v5  }
0x6b: {  	v6 =	vmul.f32 $1.270000000e+02, v27;
	v28 =	vtrunc.f32 v3  }
0x6c: {  	v29 =	vtrunc.f32 v5;
	v30 =	vtrunc.f32 v4  }
0x6d: {  	v31 =	vtrunc.f32 v6;
	v7 =	vcvt.f32.s32 v28  }
0x6e: {  	v2 =	vshll.u32 v2, $0x4;
	v9 =	vcvt.f32.s32 v30;
	v8 =	vcvt.f32.s32 v29  }
0x6f: {  	v36 =	vor.u32 $0x1, v2;
	v10 =	vcvt.f32.s32 v31;
	vm0 =	vgt.s32 v7, $0x0  }
0x70: {  	vm15 =	vgt.s32 v9, $0x0;
	vm2 =	vgt.s32 v8, $0x0;
	v7 =	vnsel vm0, $0x0, v7  }
0x71: {  	vm1 =	vgt.s32 v10, $0x0;
	v8 =	vnsel vm2, $0x0, v8;
	v7 =	vmin.u32 v7, $0x7E  }
0x72: {  	v10 =	vnsel vm1, $0x0, v10;
	v8 =	vmin.u32 v8, $0x7E;
	v32 =	vcvt.s32.f32 v7  }
0x73: {  	v9 =	vnsel vm15, $0x0, v9;
	v10 =	vmin.u32 v10, $0x7E;
	v34 =	vcvt.s32.f32 v8  }
0x74: {  	v9 =	vmin.u32 v9, $0x6;
	v33 =	vcvt.s32.f32 v10;
	v3 =	vsub.f32 v3, v32  }
0x75: {  	s0 =	sadd.s32 $0x10, s0;
	v37 =	vor.u32 $0x2, v2;
	v35 =	vcvt.s32.f32 v9;
	v5 =	vsub.f32 v5, v34  }
0x76: {  	s30 =	sand.u32 $0x3F0, s3;
	v7 =	vshll.u32 v7, $0xE;
	v6 =	vsub.f32 v6, v33;
	[tilespmem:s0+$0x0] =	vst v3;
	v3 =	vshll.u32 v9, $0x15  }
0x77: {  	v10 =	vshll.u32 v10, $0x7;
	v4 =	vsub.f32 v4, v35;
	[tilespmem:s30+$0xD800] =	vst v5;
	v3 =	vor.u32 v7, v3  }
0x78: {  	v38 =	vor.u32 $0x3, v2;
	[tilespmem:s30+$0xD400] =	vst v6;
	v3 =	vor.u32 v10, v3  }
0x79: {  	v39 =	vor.u32 $0x4, v2;
	[tilespmem:s30+$0xDC00] =	vst v4;
	v3 =	vor.u32 v8, v3  }
0x7a: {  	v41 =	vor.u32 $0x5, v2;
	[tilespmem:v2+s14+$0x0] =	vst.idx.msk $0xffff, v3;
	v40 =	vadd.s32 $0x1, v3  }
0x7b: {  	v43 =	vor.u32 $0x6, v2;
	v42 =	vadd.s32 $0x80, v3;
	[tilespmem:v36+s14+$0x0] =	vst.idx.msk $0xffff, v40  }
0x7c: {  	v45 =	vor.u32 $0x7, v2;
	v44 =	vadd.s32 $0x81, v3;
	[tilespmem:v37+s14+$0x0] =	vst.idx.msk $0xffff, v42  }
0x7d: {  	v47 =	vor.u32 $0x8, v2;
	v46 =	vadd.s32 $0x4000, v3;
	[tilespmem:v38+s14+$0x0] =	vst.idx.msk $0xffff, v44  }
0x7e: {  	v49 =	vor.u32 $0x9, v2;
	v48 =	vadd.s32 $0x4001, v3;
	[tilespmem:v39+s14+$0x0] =	vst.idx.msk $0xffff, v46  }
0x7f: {  	v50 =	vor.u32 $0xA, v2;
	v51 =	vadd.s32 $0x4080, v3;
	[tilespmem:v41+s14+$0x0] =	vst.idx.msk $0xffff, v48  }
0x80: {  	v53 =	vor.u32 $0xB, v2;
	v52 =	vadd.s32 $0x4081, v3;
	[tilespmem:v43+s14+$0x0] =	vst.idx.msk $0xffff, v51  }
0x81: {  	v55 =	vor.u32 $0xC, v2;
	v54 =	vadd.s32 $0x200000, v3;
	[tilespmem:v45+s14+$0x0] =	vst.idx.msk $0xffff, v52  }
0x82: {  	v57 =	vor.u32 $0xD, v2;
	v56 =	vadd.s32 $0x200001, v3;
	[tilespmem:v47+s14+$0x0] =	vst.idx.msk $0xffff, v54  }
0x83: {  	v59 =	vor.u32 $0xE, v2;
	v58 =	vadd.s32 $0x200080, v3;
	[tilespmem:v49+s14+$0x0] =	vst.idx.msk $0xffff, v56  }
0x84: {  	v60 =	vadd.s32 $0x200081, v3;
	v2 =	vor.u32 $0xF, v2;
	[tilespmem:v50+s14+$0x0] =	vst.idx.msk $0xffff, v58  }
0x85: {  	p0 =	por $0x1, $0x1;
	v61 =	vadd.s32 $0x204000, v3;
	[tilespmem:v53+s14+$0x0] =	vst.idx.msk $0xffff, v60  }
.Ltmp1:
0x86: {  	v62 =	vadd.s32 $0x204001, v3;
	[tilespmem:v55+s14+$0x0] =	vst.idx.msk $0xffff, v61;
	(pc) =	sbr.rel @!p0 .LBB2_5-.Ltmp1, $4  }
0x87: {  	v63 =	vadd.s32 $0x204080, v3;
	[tilespmem:v57+s14+$0x0] =	vst.idx.msk $0xffff, v62  }
0x88: {  	s31 =	simm.s32 $0x5000;
	v3 =	vadd.s32 $0x204081, v3;
	[tilespmem:v59+s14+$0x0] =	vst.idx.msk $0xffff, v63  }
0x89: {  	s3 =	simm.s32 $0x1000;
	s5 =	simm.s32 $0x9000;
	s0 =	simm.s32 $0x200;
	[tilespmem:v2+s14+$0x0] =	vst.idx.msk $0xffff, v3  }
0x8a: {  	[tilespmem:s31], [sflag:$0x1] =	stream.indirect.gather [hbm4b:s1+s15], $0x1, s3, s15, $0xb8;
	[tilespmem:$0x1C800] =	vst v63  }
.LBB2_4:
0x8b: {  	[tilespmem:s5], [sflag:$0x1] =	stream.indirect.gather [hbm4b:s2+s15], $0x1, s3, s15, $0xb8;
	[tilespmem:$0x1C800] =	vst v63  }
0x8c: {  	s3 =	smov.u32 s0;
	p0 =	sne.s32 s0, $0xFE00  }
.Ltmp2:
0x8d: {  	s0 =	sadd.s32 $0x200, s0;
	(pc) =	sbr.rel @p0 .LBB2_4-.Ltmp2, $4  }
0x8e: {  	s5 =	sshra.s32 s3, $0x2  }
0x8f: {  	s8 =	sadd.s32 $0x5000, s5;
	s3 =	sadd.s32 $0x1000, s5  }
0x90: {  	[tilespmem:s8], [sflag:$0x1] =	stream.indirect.gather [hbm4b:s1+s15], $0x1, s3, s15, $0xb8;
	[tilespmem:$0x1C800] =	vst v63  }
0x91: {  	s5 =	sadd.s32 $0x9000, s5  }
.LBB2_5:
0x92: {  	[tilespmem:s5], [sflag:$0x1] =	stream.indirect.gather [hbm4b:s2+s15], $0x1, s3, s15, $0xb8;
	[tilespmem:$0x1C800] =	vst v63  }
.LBB2_6:
0x93: {  	s30 =	sshll.u32 s28, $0xB;
	s0 =	rddreg [dreg:$0x5]  }
0x94: {  	s3 =	simm.s32 $0x0;
	s29 =	sor.u32 s0, s30  }
0x95: {  	v2 =	vor.u32 s3, v0;
	s0 =	sshrl.u32 s29, $0x1  }
0x96: {  	v3 =	vshll.u32 v2, $0x2;
	s0 =	sadd.s32 s10, s0  }
0x97: {  	v4 =	vor.u32 $0x1, v3;
	[tilespmem:s16], [sflag:$0x3] =	stream.linear.gather [hbm4b:s0+s3], $0x1000, $0x38;
	[tilespmem:$0x1C800] =	vst v63  }
0x98: {  	v5 =	vor.u32 $0x3, v3;
	_ =	swait.ge [sflag:s13], $0x1000  }
0x99: {  	v6 =	vor.u32 $0x2, v3;
	[sflag:s13] =	ssyncset.done $0x0  }
0x9a: {  	[sflag:s13] =	ssyncadd.s32 $0xFFFFF000  }
0x9b: {  	v3 =	vld.idx.msk [tilespmem:v3+s16+$0x0], $0xffff  }
0x9c: {  	v4 =	vld.idx.msk [tilespmem:v4+s16+$0x0], $0xffff  }
0x9d: {  	v5 =	vld.idx.msk [tilespmem:v5+s16+$0x0], $0xffff  }
0x9e: {  	v6 =	vld.idx.msk [tilespmem:v6+s16+$0x0], $0xffff;
	_ =	sdelay $0x2  }
0x9f: {  	v3 =	vmul.f32 $1.270000000e+02, v3  }
0xa0: {  	v4 =	vmul.f32 $1.270000000e+02, v4;
	v5 =	vmul.f32 $7.000000000e+00, v5  }
0xa1: {  	v6 =	vmul.f32 $1.270000000e+02, v6;
	v7 =	vtrunc.f32 v3  }
0xa2: {  	v8 =	vtrunc.f32 v4;
	v7 =	vcvt.f32.s32 v7  }
0xa3: {  	v9 =	vtrunc.f32 v5;
	v10 =	vtrunc.f32 v6  }
0xa4: {  	v8 =	vcvt.f32.s32 v8;
	v9 =	vcvt.f32.s32 v9;
	vm0 =	vgt.s32 v7, $0x0  }
0xa5: {  	v2 =	vshll.u32 v2, $0x4;
	v10 =	vcvt.f32.s32 v10;
	v7 =	vnsel vm0, $0x0, v7  }
0xa6: {  	vm13 =	vgt.s32 v8, $0x0;
	vm14 =	vgt.s32 v9, $0x0;
	v7 =	vmin.u32 v7, $0x7E  }
0xa7: {  	vm15 =	vgt.s32 v10, $0x0;
	v8 =	vnsel vm13, $0x0, v8;
	v11 =	vcvt.s32.f32 v7  }
0xa8: {  	v9 =	vnsel vm14, $0x0, v9;
	v10 =	vnsel vm15, $0x0, v10;
	v8 =	vmin.u32 v8, $0x7E  }
0xa9: {  	v9 =	vmin.u32 v9, $0x6;
	v3 =	vsub.f32 v3, v11;
	v11 =	vcvt.s32.f32 v8  }
0xaa: {  	v10 =	vmin.u32 v10, $0x7E;
	v12 =	vcvt.s32.f32 v9;
	v9 =	vshll.u32 v9, $0x15  }
0xab: {  	s0 =	simm.s32 $0x1B000;
	v7 =	vshll.u32 v7, $0xE;
	v4 =	vsub.f32 v4, v11;
	v11 =	vcvt.s32.f32 v10  }
0xac: {  	s3 =	sand.u32 $0x3F0, s3;
	v7 =	vor.u32 v7, v9;
	v9 =	vor.u32 $0x1, v2;
	v5 =	vsub.f32 v5, v12;
	[tilespmem:s0+$0x0] =	vst v3  }
0xad: {  	[tilespmem:s3+$0x1B400] =	vst v4;
	v3 =	vsub.f32 v6, v11;
	v4 =	vshll.u32 v8, $0x7;
	v6 =	vor.u32 $0x2, v2  }
0xae: {  	[tilespmem:s3+$0x1BC00] =	vst v5;
	v5 =	vor.u32 $0x3, v2;
	v4 =	vor.u32 v4, v7  }
0xaf: {  	v7 =	vor.u32 $0x4, v2;
	[tilespmem:s3+$0x1B800] =	vst v3;
	v3 =	vor.u32 v10, v4  }
0xb0: {  	v8 =	vor.u32 $0x5, v2;
	[tilespmem:v2+s17+$0x0] =	vst.idx.msk $0xffff, v3;
	v4 =	vadd.s32 $0x1, v3  }
0xb1: {  	v11 =	vor.u32 $0x6, v2;
	[tilespmem:v9+s17+$0x0] =	vst.idx.msk $0xffff, v4;
	v4 =	vadd.s32 $0x80, v3  }
0xb2: {  	[tilespmem:v6+s17+$0x0] =	vst.idx.msk $0xffff, v4;
	v6 =	vadd.s32 $0x81, v3  }
0xb3: {  	v10 =	vor.u32 $0x7, v2;
	[tilespmem:v5+s17+$0x0] =	vst.idx.msk $0xffff, v6;
	v6 =	vadd.s32 $0x4000, v3  }
0xb4: {  	v9 =	vor.u32 $0x8, v2;
	v4 =	vor.u32 $0xC, v2;
	[tilespmem:v7+s17+$0x0] =	vst.idx.msk $0xffff, v6;
	v7 =	vadd.s32 $0x4001, v3  }
0xb5: {  	v5 =	vadd.s32 $0x200000, v3;
	v6 =	vor.u32 $0x9, v2;
	[tilespmem:v8+s17+$0x0] =	vst.idx.msk $0xffff, v7;
	v7 =	vadd.s32 $0x4080, v3  }
0xb6: {  	s5 =	simm.s32 $0x20;
	s3 =	simm.s32 $0x10;
	v8 =	vor.u32 $0xA, v2;
	[tilespmem:v11+s17+$0x0] =	vst.idx.msk $0xffff, v7;
	v11 =	vadd.s32 $0x4081, v3;
	v7 =	vor.u32 $0xB, v2  }
.LBB2_7:
0xb7: {  	p0 =	sne.s32 s5, $0x3F0  }
0xb8: {  	v12 =	vor.u32 s3, v0;
	[tilespmem:v10+s17+$0x0] =	vst.idx.msk $0xffff, v11;
	v10 =	vor.u32 $0xD, v2;
	v11 =	vor.u32 $0xE, v2;
	s0 =	sadd.s32 $0x10, s0;
	s8 =	smov.u32 s5;
	s5 =	sadd.s32 $0x10, s5  }
0xb9: {  	v13 =	vshll.u32 v12, $0x2;
	[tilespmem:v9+s17+$0x0] =	vst.idx.msk $0xffff, v5;
	v5 =	vadd.s32 $0x200001, v3;
	v9 =	vadd.s32 $0x200080, v3  }
0xba: {  	v14 =	vor.u32 $0x1, v13;
	v15 =	vor.u32 $0x2, v13;
	v16 =	vor.u32 $0x3, v13;
	[tilespmem:v6+s17+$0x0] =	vst.idx.msk $0xffff, v5  }
0xbb: {  	v2 =	vor.u32 $0xF, v2;
	v5 =	vadd.s32 $0x200081, v3;
	[tilespmem:v8+s17+$0x0] =	vst.idx.msk $0xffff, v9  }
0xbc: {  	[tilespmem:v7+s17+$0x0] =	vst.idx.msk $0xffff, v5;
	v5 =	vadd.s32 $0x204000, v3  }
0xbd: {  	[tilespmem:v4+s17+$0x0] =	vst.idx.msk $0xffff, v5;
	v4 =	vadd.s32 $0x204001, v3  }
0xbe: {  	[tilespmem:v10+s17+$0x0] =	vst.idx.msk $0xffff, v4;
	v4 =	vadd.s32 $0x204080, v3  }
0xbf: {  	v3 =	vadd.s32 $0x204081, v3;
	[tilespmem:v11+s17+$0x0] =	vst.idx.msk $0xffff, v4  }
0xc0: {  	[tilespmem:v2+s17+$0x0] =	vst.idx.msk $0xffff, v3  }
0xc1: {  	v2 =	vld.idx.msk [tilespmem:v13+s16+$0x0], $0xffff  }
0xc2: {  	v3 =	vld.idx.msk [tilespmem:v14+s16+$0x0], $0xffff  }
0xc3: {  	v4 =	vld.idx.msk [tilespmem:v16+s16+$0x0], $0xffff;
	_ =	sdelay $0x2  }
0xc4: {  	v5 =	vld.idx.msk [tilespmem:v15+s16+$0x0], $0xffff  }
0xc5: {  	v2 =	vmul.f32 $1.270000000e+02, v2  }
0xc6: {  	v3 =	vmul.f32 $1.270000000e+02, v3  }
0xc7: {  	v4 =	vmul.f32 $7.000000000e+00, v4;
	v6 =	vtrunc.f32 v2  }
0xc8: {  	v6 =	vcvt.f32.s32 v6;
	v7 =	vtrunc.f32 v3  }
0xc9: {  	v7 =	vcvt.f32.s32 v7;
	v8 =	vtrunc.f32 v4  }
0xca: {  	v5 =	vmul.f32 $1.270000000e+02, v5;
	vm0 =	vgt.s32 v6, $0x0;
	v8 =	vcvt.f32.s32 v8  }
0xcb: {  	v6 =	vnsel vm0, $0x0, v6;
	vm0 =	vgt.s32 v7, $0x0  }
0xcc: {  	v6 =	vmin.u32 v6, $0x7E;
	v7 =	vnsel vm0, $0x0, v7;
	vm0 =	vgt.s32 v8, $0x0  }
0xcd: {  	v9 =	vtrunc.f32 v5;
	v8 =	vnsel vm0, $0x0, v8;
	v10 =	vcvt.s32.f32 v6  }
0xce: {  	v7 =	vmin.u32 v7, $0x7E;
	v9 =	vcvt.f32.s32 v9;
	v8 =	vmin.u32 v8, $0x6  }
0xcf: {  	v10 =	vsub.f32 v2, v10;
	v2 =	vcvt.s32.f32 v7;
	v11 =	vcvt.s32.f32 v8  }
0xd0: {  	v6 =	vshll.u32 v6, $0xE;
	vm0 =	vgt.s32 v9, $0x0;
	v8 =	vshll.u32 v8, $0x15  }
0xd1: {  	v9 =	vnsel vm0, $0x0, v9;
	v3 =	vsub.f32 v3, v2;
	v11 =	vsub.f32 v4, v11  }
0xd2: {  	v6 =	vor.u32 v6, v8;
	v9 =	vmin.u32 v9, $0x7E  }
0xd3: {  	v2 =	vshll.u32 v12, $0x4;
	v8 =	vcvt.s32.f32 v9  }
0xd4: {  	s9 =	sand.u32 $0x3F0, s3;
	s3 =	smov.u32 s8;
	v4 =	vor.u32 $0xC, v2;
	[tilespmem:s0+$0x0] =	vst v10;
	v10 =	vor.u32 $0x1, v2  }
0xd5: {  	[tilespmem:s9+$0x1B400] =	vst v3;
	v3 =	vsub.f32 v5, v8;
	v5 =	vshll.u32 v7, $0x7;
	v7 =	vor.u32 $0x2, v2  }
0xd6: {  	[tilespmem:s9+$0x1BC00] =	vst v11;
	v5 =	vor.u32 v5, v6;
	v6 =	vor.u32 $0x3, v2  }
0xd7: {  	v8 =	vor.u32 $0x4, v2;
	[tilespmem:s9+$0x1B800] =	vst v3;
	v3 =	vor.u32 v9, v5  }
0xd8: {  	v11 =	vor.u32 $0x5, v2;
	[tilespmem:v2+s17+$0x0] =	vst.idx.msk $0xffff, v3;
	v9 =	vadd.s32 $0x1, v3;
	v5 =	vadd.s32 $0x200000, v3  }
0xd9: {  	v12 =	vor.u32 $0x6, v2;
	[tilespmem:v10+s17+$0x0] =	vst.idx.msk $0xffff, v9;
	v9 =	vadd.s32 $0x80, v3  }
.Ltmp3:
0xda: {  	v10 =	vor.u32 $0x7, v2;
	[tilespmem:v7+s17+$0x0] =	vst.idx.msk $0xffff, v9;
	v7 =	vadd.s32 $0x81, v3;
	(pc) =	sbr.rel @p0 .LBB2_7-.Ltmp3, $4  }
0xdb: {  	v9 =	vor.u32 $0x8, v2;
	[tilespmem:v6+s17+$0x0] =	vst.idx.msk $0xffff, v7;
	v6 =	vadd.s32 $0x4000, v3  }
0xdc: {  	v7 =	vadd.s32 $0x4001, v3;
	[tilespmem:v8+s17+$0x0] =	vst.idx.msk $0xffff, v6;
	v6 =	vor.u32 $0x9, v2  }
0xdd: {  	v8 =	vor.u32 $0xA, v2;
	[tilespmem:v11+s17+$0x0] =	vst.idx.msk $0xffff, v7;
	v7 =	vadd.s32 $0x4080, v3  }
0xde: {  	v11 =	vadd.s32 $0x4081, v3;
	[tilespmem:v12+s17+$0x0] =	vst.idx.msk $0xffff, v7;
	v7 =	vor.u32 $0xB, v2  }
0xdf: {  	_ =	sdelay $0x3  }
0xe0: {  	[tilespmem:v10+s17+$0x0] =	vst.idx.msk $0xffff, v11  }
0xe1: {  	v25 =	vor.u32 $0xD, v2;
	v26 =	vadd.s32 $0x200001, v3;
	[tilespmem:v9+s17+$0x0] =	vst.idx.msk $0xffff, v5  }
0xe2: {  	v27 =	vor.u32 $0xE, v2;
	v28 =	vadd.s32 $0x200080, v3;
	[tilespmem:v6+s17+$0x0] =	vst.idx.msk $0xffff, v26  }
0xe3: {  	v29 =	vor.u32 s3, v0;
	v30 =	vadd.s32 $0x200081, v3;
	v2 =	vor.u32 $0xF, v2;
	[tilespmem:v8+s17+$0x0] =	vst.idx.msk $0xffff, v28  }
0xe4: {  	v32 =	vadd.s32 $0x204000, v3;
	v31 =	vshll.u32 v29, $0x2;
	[tilespmem:v7+s17+$0x0] =	vst.idx.msk $0xffff, v30  }
0xe5: {  	v34 =	vadd.s32 $0x204001, v3;
	v33 =	vor.u32 $0x1, v31;
	[tilespmem:v4+s17+$0x0] =	vst.idx.msk $0xffff, v32  }
0xe6: {  	v36 =	vadd.s32 $0x204080, v3;
	v35 =	vor.u32 $0x3, v31;
	[tilespmem:v25+s17+$0x0] =	vst.idx.msk $0xffff, v34  }
0xe7: {  	v3 =	vadd.s32 $0x204081, v3;
	[tilespmem:v27+s17+$0x0] =	vst.idx.msk $0xffff, v36  }
0xe8: {  	[tilespmem:v2+s17+$0x0] =	vst.idx.msk $0xffff, v3  }
0xe9: {  	v2 =	vor.u32 $0x2, v31;
	v3 =	vld.idx.msk [tilespmem:v31+s16+$0x0], $0xffff  }
0xea: {  	v4 =	vld.idx.msk [tilespmem:v33+s16+$0x0], $0xffff  }
0xeb: {  	v6 =	vld.idx.msk [tilespmem:v35+s16+$0x0], $0xffff;
	_ =	sdelay $0x2  }
0xec: {  	v2 =	vld.idx.msk [tilespmem:v2+s16+$0x0], $0xffff  }
0xed: {  	v3 =	vmul.f32 $1.270000000e+02, v3;
	v4 =	vmul.f32 $1.270000000e+02, v4  }
0xee: {  	v6 =	vmul.f32 $7.000000000e+00, v6  }
0xef: {  	v37 =	vtrunc.f32 v3;
	v38 =	vtrunc.f32 v4  }
0xf0: {  	v39 =	vtrunc.f32 v6;
	v7 =	vcvt.f32.s32 v37  }
0xf1: {  	v5 =	vshll.u32 v29, $0x4;
	v8 =	vcvt.f32.s32 v38;
	v2 =	vmul.f32 $1.270000000e+02, v2  }
0xf2: {  	v45 =	vor.u32 $0x2, v5;
	v9 =	vcvt.f32.s32 v39  }
0xf3: {  	vm0 =	vgt.s32 v7, $0x0;
	vm13 =	vgt.s32 v8, $0x0;
	v40 =	vtrunc.f32 v2  }
0xf4: {  	vm14 =	vgt.s32 v9, $0x0;
	v7 =	vnsel vm0, $0x0, v7;
	v10 =	vcvt.f32.s32 v40  }
0xf5: {  	v8 =	vnsel vm13, $0x0, v8;
	v9 =	vnsel vm14, $0x0, v9;
	v7 =	vmin.u32 v7, $0x7E  }
0xf6: {  	v8 =	vmin.u32 v8, $0x7E;
	v41 =	vcvt.s32.f32 v7;
	vm15 =	vgt.s32 v10, $0x0  }
0xf7: {  	v9 =	vmin.u32 v9, $0x6;
	v42 =	vcvt.s32.f32 v8;
	v10 =	vnsel vm15, $0x0, v10  }
0xf8: {  	v12 =	vcvt.s32.f32 v9;
	v3 =	vsub.f32 v3, v41;
	v10 =	vmin.u32 v10, $0x7E  }
0xf9: {  	s0 =	sadd.s32 $0x10, s0;
	v9 =	vshll.u32 v9, $0x15;
	v4 =	vsub.f32 v4, v42;
	v43 =	vcvt.s32.f32 v10  }
0xfa: {  	s26 =	sand.u32 $0x3F0, s3;
	v7 =	vshll.u32 v7, $0xE;
	v6 =	vsub.f32 v6, v12;
	[tilespmem:s0+$0x0] =	vst v3;
	v3 =	vor.u32 $0x1, v5  }
0xfb: {  	v44 =	vshll.u32 v8, $0x7;
	v7 =	vor.u32 v7, v9;
	[tilespmem:s26+$0x1B400] =	vst v4;
	v2 =	vsub.f32 v2, v43  }
0xfc: {  	v46 =	vor.u32 $0x3, v5;
	[tilespmem:s26+$0x1BC00] =	vst v6;
	v4 =	vor.u32 v44, v7  }
0xfd: {  	v47 =	vor.u32 $0x4, v5;
	[tilespmem:s26+$0x1B800] =	vst v2;
	v2 =	vor.u32 v10, v4  }
0xfe: {  	v49 =	vor.u32 $0x5, v5;
	[tilespmem:v5+s17+$0x0] =	vst.idx.msk $0xffff, v2;
	v48 =	vadd.s32 $0x1, v2  }
0xff: {  	v50 =	vor.u32 $0x6, v5;
	[tilespmem:v3+s17+$0x0] =	vst.idx.msk $0xffff, v48;
	v3 =	vadd.s32 $0x80, v2  }
0x100: {  	v51 =	vor.u32 $0x7, v5;
	[tilespmem:v45+s17+$0x0] =	vst.idx.msk $0xffff, v3;
	v3 =	vadd.s32 $0x81, v2  }
0x101: {  	v52 =	vor.u32 $0x8, v5;
	[tilespmem:v46+s17+$0x0] =	vst.idx.msk $0xffff, v3;
	v3 =	vadd.s32 $0x4000, v2  }
0x102: {  	v53 =	vor.u32 $0x9, v5;
	[tilespmem:v47+s17+$0x0] =	vst.idx.msk $0xffff, v3;
	v3 =	vadd.s32 $0x4001, v2  }
0x103: {  	v54 =	vor.u32 $0xA, v5;
	[tilespmem:v49+s17+$0x0] =	vst.idx.msk $0xffff, v3;
	v3 =	vadd.s32 $0x4080, v2  }
0x104: {  	v55 =	vor.u32 $0xB, v5;
	[tilespmem:v50+s17+$0x0] =	vst.idx.msk $0xffff, v3;
	v3 =	vadd.s32 $0x4081, v2  }
0x105: {  	v56 =	vor.u32 $0xC, v5;
	v57 =	vadd.s32 $0x200000, v2;
	[tilespmem:v51+s17+$0x0] =	vst.idx.msk $0xffff, v3  }
0x106: {  	v58 =	vadd.s32 $0x200001, v2;
	v3 =	vor.u32 $0xD, v5;
	[tilespmem:v52+s17+$0x0] =	vst.idx.msk $0xffff, v57  }
0x107: {  	v59 =	vor.u32 $0xE, v5;
	v60 =	vadd.s32 $0x200080, v2;
	[tilespmem:v53+s17+$0x0] =	vst.idx.msk $0xffff, v58  }
0x108: {  	v61 =	vadd.s32 $0x200081, v2;
	v5 =	vor.u32 $0xF, v5;
	[tilespmem:v54+s17+$0x0] =	vst.idx.msk $0xffff, v60  }
0x109: {  	v62 =	vadd.s32 $0x204000, v2;
	[tilespmem:v55+s17+$0x0] =	vst.idx.msk $0xffff, v61  }
0x10a: {  	v63 =	vadd.s32 $0x204001, v2;
	[tilespmem:v56+s17+$0x0] =	vst.idx.msk $0xffff, v62  }
0x10b: {  	[tilespmem:v3+s17+$0x0] =	vst.idx.msk $0xffff, v63;
	v3 =	vadd.s32 $0x204080, v2  }
0x10c: {  	s31 =	simm.s32 $0x13000;
	v2 =	vadd.s32 $0x204081, v2;
	[tilespmem:v59+s17+$0x0] =	vst.idx.msk $0xffff, v3  }
0x10d: {  	s3 =	simm.s32 $0xF000;
	s5 =	simm.s32 $0x17000;
	s0 =	simm.s32 $0x200;
	[tilespmem:v5+s17+$0x0] =	vst.idx.msk $0xffff, v2  }
0x10e: {  	[tilespmem:s31], [sflag:$0x2] =	stream.indirect.gather [hbm4b:s1+s15], $0x1, s3, s15, $0xb8;
	[tilespmem:$0x1C800] =	vst v63  }
.LBB2_9:
0x10f: {  	[tilespmem:s5], [sflag:$0x2] =	stream.indirect.gather [hbm4b:s2+s15], $0x1, s3, s15, $0xb8;
	[tilespmem:$0x1C800] =	vst v63  }
0x110: {  	s3 =	smov.u32 s0;
	p0 =	sne.s32 s0, $0xFE00  }
.Ltmp4:
0x111: {  	s0 =	sadd.s32 $0x200, s0;
	(pc) =	sbr.rel @p0 .LBB2_9-.Ltmp4, $4  }
0x112: {  	s5 =	sshra.s32 s3, $0x2  }
0x113: {  	s8 =	sadd.s32 $0x13000, s5;
	s3 =	sadd.s32 $0xF000, s5  }
0x114: {  	[tilespmem:s8], [sflag:$0x2] =	stream.indirect.gather [hbm4b:s1+s15], $0x1, s3, s15, $0xb8;
	[tilespmem:$0x1C800] =	vst v63  }
0x115: {  	s5 =	sadd.s32 $0x17000, s5  }
0x116: {  	[tilespmem:s5], [sflag:$0x2] =	stream.indirect.gather [hbm4b:s2+s15], $0x1, s3, s15, $0xb8;
	[tilespmem:$0x1C800] =	vst v63  }
0x117: {  	s0 =	simm.s32 $0x0;
	_ =	swait.ge [sflag:s18], $0x4000  }
0x118: {  	v2 =	vmov s0;
	[sflag:s18] =	ssyncset.done $0x0  }
0x119: {  	v2 =	vshll.u32 v2, $0x4;
	[sflag:s18] =	ssyncadd.s32 $0xFFFFC000  }
0x11a: {  	v8 =	vor.u32 v1, v2;
	_ =	swait.ge [sflag:s18], $0x4000  }
0x11b: {  	v13 =	vor.u32 $0xD, v8;
	[sflag:s18] =	ssyncset.done $0x0  }
0x11c: {  	s3 =	sand.u32 $0x3F0, s0;
	v12 =	vor.u32 $0x1, v8;
	[sflag:s18] =	ssyncadd.s32 $0xFFFFC000  }
0x11d: {  	v7 =	vor.u32 $0xF, v8;
	v2 =	vld [tilespmem:s3+$0xD400]  }
0x11e: {  	v6 =	vor.u32 $0x2, v8;
	v3 =	vld [tilespmem:s3+$0xD800]  }
0x11f: {  	v20 =	vor.u32 $0x9, v8;
	v5 =	vld.idx.msk [tilespmem:v8+s19+$0x0], $0xffff  }
0x120: {  	v4 =	vor.u32 $0xA, v8;
	v18 =	vld.idx.msk [tilespmem:v13+s20+$0x0], $0xffff  }
0x121: {  	v21 =	vor.u32 $0xE, v8;
	v17 =	vld.idx.msk [tilespmem:v12+s19+$0x0], $0xffff  }
0x122: {  	v30 =	vor.u32 $0xB, v8;
	v19 =	vld.idx.msk [tilespmem:v7+s20+$0x0], $0xffff  }
0x123: {  	v11 =	vor.u32 $0x7, v8;
	v10 =	vld.idx.msk [tilespmem:v6+s20+$0x0], $0xffff  }
0x124: {  	v22 =	vor.u32 $0xC, v8;
	v29 =	vld.idx.msk [tilespmem:v20+s20+$0x0], $0xffff  }
0x125: {  	v31 =	vld.idx.msk [tilespmem:v4+s20+$0x0], $0xffff  }
0x126: {  	v24 =	vor.u32 $0x8, v8;
	v25 =	vld.idx.msk [tilespmem:v21+s20+$0x0], $0xffff  }
0x127: {  	v9 =	vor.u32 $0x4, v8;
	v27 =	vld.idx.msk [tilespmem:v30+s20+$0x0], $0xffff  }
0x128: {  	v23 =	vld.idx.msk [tilespmem:v11+s20+$0x0], $0xffff  }
0x129: {  	v32 =	vor.u32 $0x5, v8;
	v33 =	vld.idx.msk [tilespmem:v22+s20+$0x0], $0xffff  }
0x12a: {  	v14 =	vld.idx.msk [tilespmem:v4+s19+$0x0], $0xffff  }
0x12b: {  	v26 =	vld.idx.msk [tilespmem:v24+s20+$0x0], $0xffff  }
0x12c: {  	v4 =	vld.idx.msk [tilespmem:v9+s19+$0x0], $0xffff  }
0x12d: {  	v28 =	vld.idx.msk [tilespmem:v7+s19+$0x0], $0xffff  }
0x12e: {  	v16 =	vld.idx.msk [tilespmem:v32+s20+$0x0], $0xffff  }
0x12f: {  	v32 =	vld.idx.msk [tilespmem:v32+s19+$0x0], $0xffff  }
0x130: {  	v7 =	vor.u32 $0x6, v8;
	v22 =	vld.idx.msk [tilespmem:v22+s19+$0x0], $0xffff;
	v34 =	vsub.f32 v19, v25;
	v18 =	vsub.f32 v18, v33  }
0x131: {  	v15 =	vor.u32 $0x3, v8;
	v19 =	vld.idx.msk [tilespmem:v24+s19+$0x0], $0xffff  }
0x132: {  	v24 =	vld.idx.msk [tilespmem:v21+s19+$0x0], $0xffff;
	v21 =	vsub.f32 v27, v31;
	v34 =	vmul.f32 v34, v3;
	v18 =	vmul.f32 v18, v3  }
0x133: {  	v30 =	vld.idx.msk [tilespmem:v30+s19+$0x0], $0xffff;
	v35 =	vsub.f32 v29, v26  }
0x134: {  	s8 =	simm.s32 $0xD000;
	v29 =	vld.idx.msk [tilespmem:v20+s19+$0x0], $0xffff;
	v36 =	vmul.f32 v21, v3;
	v34 =	vadd.f32 v34, v25;
	v18 =	vadd.f32 v18, v33  }
0x135: {  	s26 =	simm.s32 $0x1C000;
	s11 =	simm.s32 $0x1C400;
	s5 =	simm.s32 $0x10;
	v20 =	vsub.f32 v32, v4;
	v32 =	vmul.f32 v35, v3;
	v25 =	vld.idx.msk [tilespmem:v7+s20+$0x0], $0xffff  }
0x136: {  	s12 =	simm.s32 $0xD000;
	s31 =	simm.s32 $0x1C400;
	s0 =	simm.s32 $0x1C000;
	v27 =	vld.idx.msk [tilespmem:v15+s20+$0x0], $0xffff;
	v31 =	vadd.f32 v36, v31;
	v21 =	vsub.f32 v34, v18  }
.LBB2_11:
0x137: {  	v28 =	vsub.f32 v28, v24;
	v12 =	vld.idx.msk [tilespmem:v12+s20+$0x0], $0xffff;
	v26 =	vadd.f32 v32, v26;
	s8 =	sadd.s32 $0x10, s8;
	s26 =	sadd.s32 $0x10, s26;
	s11 =	sadd.s32 $0x10, s11  }
0x138: {  	p0 =	sne.s32 s5, $0x3F0;
	s9 =	smov.u32 s5;
	s5 =	sadd.s32 $0x10, s5;
	v8 =	vld.idx.msk [tilespmem:v8+s20+$0x0], $0xffff  }
0x139: {  	v13 =	vld.idx.msk [tilespmem:v13+s19+$0x0], $0xffff;
	v28 =	vmul.f32 v28, v3;
	v31 =	vsub.f32 v31, v26  }
0x13a: {  	v23 =	vsub.f32 v23, v25;
	v15 =	vld.idx.msk [tilespmem:v15+s19+$0x0], $0xffff  }
0x13b: {  	v27 =	vsub.f32 v27, v10;
	v6 =	vld.idx.msk [tilespmem:v6+s19+$0x0], $0xffff;
	v31 =	vmul.f32 v31, v2  }
0x13c: {  	v17 =	vsub.f32 v17, v5;
	v29 =	vsub.f32 v29, v19;
	v23 =	vmul.f32 v23, v3;
	v9 =	vld.idx.msk [tilespmem:v9+s20+$0x0], $0xffff  }
0x13d: {  	v27 =	vmul.f32 v27, v3;
	v30 =	vsub.f32 v30, v14;
	v26 =	vadd.f32 v31, v26  }
0x13e: {  	v17 =	vmul.f32 v17, v3;
	v24 =	vadd.f32 v28, v24;
	v23 =	vadd.f32 v23, v25;
	v11 =	vld.idx.msk [tilespmem:v11+s19+$0x0], $0xffff  }
0x13f: {  	v25 =	vmul.f32 v30, v3;
	v12 =	vsub.f32 v12, v8;
	v13 =	vsub.f32 v13, v22;
	v7 =	vld.idx.msk [tilespmem:v7+s19+$0x0], $0xffff  }
0x140: {  	v5 =	vadd.f32 v17, v5;
	v17 =	vmul.f32 v29, v3;
	v10 =	vadd.f32 v27, v10  }
0x141: {  	v14 =	vadd.f32 v25, v14;
	v15 =	vsub.f32 v15, v6;
	v13 =	vmul.f32 v13, v3  }
0x142: {  	v21 =	vmul.f32 v21, v2;
	v12 =	vmul.f32 v12, v3;
	v16 =	vsub.f32 v16, v9  }
0x143: {  	v17 =	vadd.f32 v17, v19;
	v15 =	vmul.f32 v15, v3;
	v13 =	vadd.f32 v13, v22  }
0x144: {  	v8 =	vadd.f32 v12, v8;
	v12 =	vmul.f32 v16, v3;
	v16 =	vadd.f32 v21, v18  }
0x145: {  	v6 =	vadd.f32 v15, v6;
	v11 =	vsub.f32 v11, v7  }
0x146: {  	v10 =	vsub.f32 v10, v8;
	v18 =	vsub.f32 v24, v13;
	v15 =	vld [tilespmem:s12+$0x0];
	s12 =	smov.u32 s8  }
0x147: {  	v19 =	vmul.f32 v20, v3;
	v9 =	vadd.f32 v12, v9;
	v6 =	vsub.f32 v6, v5  }
0x148: {  	v10 =	vmul.f32 v10, v2;
	v3 =	vmul.f32 v11, v3;
	v11 =	vsub.f32 v14, v17  }
0x149: {  	v14 =	vsub.f32 v16, v26;
	v12 =	vsub.f32 v23, v9;
	v6 =	vmul.f32 v6, v2  }
0x14a: {  	v4 =	vadd.f32 v19, v4;
	v3 =	vadd.f32 v3, v7;
	v7 =	vmul.f32 v18, v2  }
0x14b: {  	v12 =	vmul.f32 v12, v2;
	v14 =	vmul.f32 v14, v15  }
0x14c: {  	v8 =	vadd.f32 v10, v8;
	v3 =	vsub.f32 v3, v4  }
0x14d: {  	v10 =	vmul.f32 v11, v2;
	v7 =	vadd.f32 v7, v13;
	v9 =	vadd.f32 v12, v9  }
0x14e: {  	v5 =	vadd.f32 v6, v5;
	v2 =	vmul.f32 v3, v2;
	v3 =	vadd.f32 v14, v26  }
0x14f: {  	v6 =	vadd.f32 v10, v17;
	v9 =	vsub.f32 v9, v8  }
0x150: {  	v2 =	vadd.f32 v2, v4  }
0x151: {  	v4 =	vsub.f32 v7, v6;
	v7 =	vmul.f32 v9, v15  }
0x152: {  	v2 =	vsub.f32 v2, v5;
	v10 =	vld [tilespmem:s3+$0xDC00]  }
0x153: {  	v9 =	vmov s9;
	v4 =	vmul.f32 v4, v15;
	v11 =	vadd.f32 v7, v8  }
0x154: {  	v7 =	vshll.u32 v9, $0x4;
	v2 =	vmul.f32 v2, v15  }
0x155: {  	v8 =	vor.u32 v1, v7;
	v4 =	vadd.f32 v4, v6;
	v3 =	vsub.f32 v3, v11  }
0x156: {  	v12 =	vor.u32 $0x1, v8;
	v6 =	vor.u32 $0x2, v8;
	v2 =	vadd.f32 v2, v5  }
0x157: {  	v15 =	vor.u32 $0x3, v8;
	v9 =	vor.u32 $0x4, v8;
	v3 =	vmul.f32 v3, v10  }
0x158: {  	v7 =	vor.u32 $0x6, v8;
	v18 =	vor.u32 $0x8, v8;
	v4 =	vsub.f32 v4, v2  }
0x159: {  	v21 =	vor.u32 $0xC, v8;
	v20 =	vor.u32 $0xE, v8;
	v3 =	vadd.f32 v3, v11  }
0x15a: {  	v14 =	vor.u32 $0xA, v8;
	v30 =	vor.u32 $0xB, v8;
	v4 =	vmul.f32 v4, v10  }
0x15b: {  	v13 =	vor.u32 $0xD, v8  }
0x15c: {  	v16 =	vor.u32 $0xF, v8;
	v2 =	vadd.f32 v4, v2  }
0x15d: {  	v22 =	vor.u32 $0x9, v8  }
0x15e: {  	v11 =	vor.u32 $0x7, v8;
	[tilespmem:s0+$0x0] =	vst v2;
	s0 =	smov.u32 s26  }
0x15f: {  	[tilespmem:s31+$0x0] =	vst v3;
	s31 =	smov.u32 s11  }
0x160: {  	s3 =	sand.u32 $0x3F0, s9;
	v5 =	vld.idx.msk [tilespmem:v8+s19+$0x0], $0xffff  }
0x161: {  	v2 =	vld [tilespmem:s3+$0xD400]  }
0x162: {  	v3 =	vld [tilespmem:s3+$0xD800]  }
0x163: {  	v19 =	vld.idx.msk [tilespmem:v13+s20+$0x0], $0xffff  }
0x164: {  	v17 =	vld.idx.msk [tilespmem:v12+s19+$0x0], $0xffff  }
0x165: {  	v24 =	vld.idx.msk [tilespmem:v16+s20+$0x0], $0xffff  }
0x166: {  	v10 =	vld.idx.msk [tilespmem:v6+s20+$0x0], $0xffff  }
0x167: {  	v29 =	vld.idx.msk [tilespmem:v22+s20+$0x0], $0xffff  }
0x168: {  	v25 =	vor.u32 $0x5, v8;
	v31 =	vld.idx.msk [tilespmem:v14+s20+$0x0], $0xffff  }
0x169: {  	v27 =	vld.idx.msk [tilespmem:v20+s20+$0x0], $0xffff  }
0x16a: {  	v32 =	vld.idx.msk [tilespmem:v30+s20+$0x0], $0xffff  }
0x16b: {  	v23 =	vld.idx.msk [tilespmem:v11+s20+$0x0], $0xffff  }
0x16c: {  	v33 =	vld.idx.msk [tilespmem:v21+s20+$0x0], $0xffff  }
0x16d: {  	v14 =	vld.idx.msk [tilespmem:v14+s19+$0x0], $0xffff  }
0x16e: {  	v26 =	vld.idx.msk [tilespmem:v18+s20+$0x0], $0xffff  }
0x16f: {  	v24 =	vsub.f32 v24, v27;
	v4 =	vld.idx.msk [tilespmem:v9+s19+$0x0], $0xffff  }
0x170: {  	v28 =	vld.idx.msk [tilespmem:v16+s19+$0x0], $0xffff  }
0x171: {  	v24 =	vmul.f32 v24, v3;
	v16 =	vld.idx.msk [tilespmem:v25+s20+$0x0], $0xffff  }
0x172: {  	v34 =	vld.idx.msk [tilespmem:v25+s19+$0x0], $0xffff;
	v25 =	vsub.f32 v19, v33  }
0x173: {  	v35 =	vadd.f32 v24, v27;
	v19 =	vld.idx.msk [tilespmem:v18+s19+$0x0], $0xffff  }
0x174: {  	v18 =	vsub.f32 v32, v31;
	v24 =	vld.idx.msk [tilespmem:v20+s19+$0x0], $0xffff;
	v20 =	vmul.f32 v25, v3  }
.Ltmp5:
0x175: {  	v27 =	vld.idx.msk [tilespmem:v15+s20+$0x0], $0xffff;
	(pc) =	sbr.rel @p0 .LBB2_11-.Ltmp5, $4  }
0x176: {  	v32 =	vsub.f32 v29, v26;
	v36 =	vmul.f32 v18, v3;
	v25 =	vld.idx.msk [tilespmem:v7+s20+$0x0], $0xffff;
	v18 =	vadd.f32 v20, v33  }
0x177: {  	v29 =	vld.idx.msk [tilespmem:v22+s19+$0x0], $0xffff  }
0x178: {  	v32 =	vmul.f32 v32, v3;
	v20 =	vsub.f32 v34, v4;
	v22 =	vld.idx.msk [tilespmem:v21+s19+$0x0], $0xffff;
	v21 =	vsub.f32 v35, v18  }
0x179: {  	v31 =	vadd.f32 v36, v31;
	v30 =	vld.idx.msk [tilespmem:v30+s19+$0x0], $0xffff  }
0x17a: {  	_ =	sdelay $0x3  }
0x17b: {  	v12 =	vld.idx.msk [tilespmem:v12+s20+$0x0], $0xffff  }
0x17c: {  	v8 =	vld.idx.msk [tilespmem:v8+s20+$0x0], $0xffff  }
0x17d: {  	v13 =	vld.idx.msk [tilespmem:v13+s19+$0x0], $0xffff  }
0x17e: {  	v26 =	vadd.f32 v32, v26;
	v28 =	vsub.f32 v28, v24;
	v15 =	vld.idx.msk [tilespmem:v15+s19+$0x0], $0xffff  }
0x17f: {  	v6 =	vld.idx.msk [tilespmem:v6+s19+$0x0], $0xffff;
	v27 =	vsub.f32 v27, v10;
	v17 =	vsub.f32 v17, v5;
	v51 =	vmul.f32 v20, v3  }
0x180: {  	v9 =	vld.idx.msk [tilespmem:v9+s20+$0x0], $0xffff;
	v23 =	vsub.f32 v23, v25;
	v31 =	vsub.f32 v31, v26;
	v28 =	vmul.f32 v28, v3  }
0x181: {  	v11 =	vld.idx.msk [tilespmem:v11+s19+$0x0], $0xffff;
	v29 =	vsub.f32 v29, v19;
	v27 =	vmul.f32 v27, v3;
	v17 =	vmul.f32 v17, v3  }
0x182: {  	v7 =	vld.idx.msk [tilespmem:v7+s19+$0x0], $0xffff;
	v4 =	vadd.f32 v51, v4;
	v23 =	vmul.f32 v23, v3;
	v30 =	vsub.f32 v30, v14  }
0x183: {  	v45 =	vadd.f32 v28, v24;
	v47 =	vadd.f32 v17, v5  }
0x184: {  	v48 =	vadd.f32 v27, v10;
	v23 =	vadd.f32 v23, v25  }
0x185: {  	v31 =	vmul.f32 v31, v2;
	v13 =	vsub.f32 v13, v22;
	v12 =	vsub.f32 v12, v8  }
0x186: {  	v49 =	vmul.f32 v29, v3;
	v15 =	vsub.f32 v15, v6;
	v16 =	vsub.f32 v16, v9  }
0x187: {  	v11 =	vsub.f32 v11, v7;
	v26 =	vadd.f32 v31, v26;
	v46 =	vmul.f32 v30, v3  }
0x188: {  	v17 =	vadd.f32 v49, v19;
	v13 =	vmul.f32 v13, v3;
	v12 =	vmul.f32 v12, v3  }
0x189: {  	v15 =	vmul.f32 v15, v3;
	v11 =	vmul.f32 v11, v3;
	v50 =	vadd.f32 v46, v14  }
0x18a: {  	v3 =	vmul.f32 v16, v3;
	v13 =	vadd.f32 v13, v22;
	v8 =	vadd.f32 v12, v8  }
0x18b: {  	v6 =	vadd.f32 v15, v6;
	v7 =	vadd.f32 v11, v7  }
0x18c: {  	v3 =	vadd.f32 v3, v9;
	v54 =	vsub.f32 v50, v17  }
0x18d: {  	v53 =	vmul.f32 v21, v2;
	v52 =	vsub.f32 v45, v13;
	v10 =	vsub.f32 v48, v8  }
0x18e: {  	v6 =	vsub.f32 v6, v47;
	v7 =	vsub.f32 v7, v4;
	v9 =	vmul.f32 v54, v2  }
0x18f: {  	v55 =	vsub.f32 v23, v3;
	v10 =	vmul.f32 v10, v2;
	v56 =	vmul.f32 v52, v2  }
0x190: {  	v11 =	vadd.f32 v53, v18;
	v6 =	vmul.f32 v6, v2;
	v7 =	vmul.f32 v7, v2  }
0x191: {  	v57 =	vld [tilespmem:s12+$0x0];
	v2 =	vmul.f32 v55, v2;
	v59 =	vadd.f32 v9, v17;
	v58 =	vadd.f32 v56, v13  }
0x192: {  	v5 =	vadd.f32 v6, v47;
	v4 =	vadd.f32 v7, v4  }
0x193: {  	v60 =	vadd.f32 v10, v8;
	v2 =	vadd.f32 v2, v3  }
0x194: {  	v3 =	vsub.f32 v58, v59;
	v4 =	vsub.f32 v4, v5  }
0x195: {  	v61 =	vsub.f32 v11, v26;
	v2 =	vsub.f32 v2, v60  }
0x196: {  	v3 =	vmul.f32 v3, v57;
	v4 =	vmul.f32 v4, v57  }
0x197: {  	v62 =	vld [tilespmem:s3+$0xDC00];
	v8 =	vmul.f32 v61, v57;
	v2 =	vmul.f32 v2, v57  }
0x198: {  	v3 =	vadd.f32 v3, v59;
	v4 =	vadd.f32 v4, v5  }
0x199: {  	v63 =	vadd.f32 v8, v26;
	v2 =	vadd.f32 v2, v60  }
0x19a: {  	v3 =	vsub.f32 v3, v4  }
0x19b: {  	v5 =	vsub.f32 v63, v2  }
0x19c: {  	v3 =	vmul.f32 v3, v62  }
0x19d: {  	v5 =	vmul.f32 v5, v62  }
0x19e: {  	v3 =	vadd.f32 v3, v4  }
0x19f: {  	s26 =	sor.u32 s21, s30;
	v2 =	vadd.f32 v5, v2  }
0x1a0: {  	s30 =	sshrl.u32 s26, $0x3;
	[tilespmem:s0+$0x0] =	vst v3  }
0x1a1: {  	s3 =	sadd.s32 s6, s30;
	[tilespmem:s31+$0x0] =	vst v2;
	s31 =	simm.s32 $0x1C000  }
0x1a2: {  	[hbm4b:s3+s4] =	stream.linear.scatter [tilespmem:s31], [sflag:$0x3], $0x400, $0x38;
	[tilespmem:$0x1C800] =	vst v63  }
0x1a3: {  	_ =	swait.ge [sflag:s13], $0x400  }
0x1a4: {  	p0 =	seq.s32 s28, $0xF;
	[sflag:s13] =	ssyncset.done $0x0  }
.Ltmp6:
0x1a5: {  	s0 =	sadd.s32 s7, s30;
	[sflag:s13] =	ssyncadd.s32 $0xFFFFFC00;
	(pc) =	sbr.rel @p0 .LBB2_18-.Ltmp6, $4  }
0x1a6: {  	[hbm4b:s0+s4] =	stream.linear.scatter [tilespmem:s22], [sflag:$0x3], $0x400, $0x38;
	[tilespmem:$0x1C800] =	vst v63  }
0x1a7: {  	_ =	swait.ge [sflag:s13], $0x400  }
0x1a8: {  	[sflag:s13] =	ssyncset.done $0x0  }
0x1a9: {  	[sflag:s13] =	ssyncadd.s32 $0xFFFFFC00  }
0x1aa: {  	s0 =	simm.s32 $0x0  }
0x1ab: {  	s3 =	sshll.u32 s28, $0xA;
	s5 =	rddreg [dreg:$0x6];
	v2 =	vor.u32 s0, v0  }
0x1ac: {  	s3 =	sadd.s32 s3, s5;
	v3 =	vshll.u32 v2, $0x2  }
0x1ad: {  	[tilespmem:s0], [sflag:$0x3] =	stream.linear.gather [hbm4b:s3+s0], $0x1000, $0x38;
	v4 =	vor.u32 $0x1, v3;
	[tilespmem:$0x1C800] =	vst v63  }
0x1ae: {  	_ =	swait.ge [sflag:s13], $0x1000;
	v5 =	vor.u32 $0x3, v3  }
0x1af: {  	v6 =	vor.u32 $0x2, v3;
	[sflag:s13] =	ssyncset.done $0x0  }
0x1b0: {  	[sflag:s13] =	ssyncadd.s32 $0xFFFFF000  }
0x1b1: {  	v3 =	vld.idx.msk [tilespmem:v3+s0+$0x0], $0xffff  }
0x1b2: {  	v4 =	vld.idx.msk [tilespmem:v4+s0+$0x0], $0xffff  }
0x1b3: {  	v5 =	vld.idx.msk [tilespmem:v5+s0+$0x0], $0xffff  }
0x1b4: {  	v6 =	vld.idx.msk [tilespmem:v6+s0+$0x0], $0xffff;
	_ =	sdelay $0x2  }
0x1b5: {  	v3 =	vmul.f32 $1.270000000e+02, v3  }
0x1b6: {  	v4 =	vmul.f32 $1.270000000e+02, v4;
	v5 =	vmul.f32 $7.000000000e+00, v5  }
0x1b7: {  	v6 =	vmul.f32 $1.270000000e+02, v6;
	v7 =	vtrunc.f32 v3  }
0x1b8: {  	v7 =	vcvt.f32.s32 v7;
	v8 =	vtrunc.f32 v4  }
0x1b9: {  	v9 =	vtrunc.f32 v5;
	v10 =	vtrunc.f32 v6  }
0x1ba: {  	v8 =	vcvt.f32.s32 v8;
	v9 =	vcvt.f32.s32 v9;
	vm0 =	vgt.s32 v7, $0x0  }
0x1bb: {  	v2 =	vshll.u32 v2, $0x4;
	v10 =	vcvt.f32.s32 v10;
	v7 =	vnsel vm0, $0x0, v7  }
0x1bc: {  	vm13 =	vgt.s32 v8, $0x0;
	vm14 =	vgt.s32 v9, $0x0;
	v7 =	vmin.u32 v7, $0x7E  }
0x1bd: {  	vm15 =	vgt.s32 v10, $0x0;
	v8 =	vnsel vm13, $0x0, v8;
	v11 =	vcvt.s32.f32 v7  }
0x1be: {  	v9 =	vnsel vm14, $0x0, v9;
	v10 =	vnsel vm15, $0x0, v10;
	v8 =	vmin.u32 v8, $0x7E  }
0x1bf: {  	v9 =	vmin.u32 v9, $0x6;
	v3 =	vsub.f32 v3, v11;
	v11 =	vcvt.s32.f32 v8  }
0x1c0: {  	v7 =	vshll.u32 v7, $0xE;
	v10 =	vmin.u32 v10, $0x7E;
	v12 =	vcvt.s32.f32 v9  }
0x1c1: {  	s3 =	simm.s32 $0xD000;
	v9 =	vshll.u32 v9, $0x15;
	v4 =	vsub.f32 v4, v11;
	v11 =	vcvt.s32.f32 v10  }
0x1c2: {  	s30 =	sand.u32 $0x3F0, s0;
	v7 =	vor.u32 v7, v9;
	v9 =	vor.u32 $0x1, v2;
	v5 =	vsub.f32 v5, v12;
	[tilespmem:s3+$0x0] =	vst v3  }
0x1c3: {  	[tilespmem:s30+$0xD400] =	vst v4;
	v3 =	vsub.f32 v6, v11;
	v4 =	vshll.u32 v8, $0x7;
	v6 =	vor.u32 $0x2, v2  }
0x1c4: {  	[tilespmem:s30+$0xDC00] =	vst v5;
	v5 =	vor.u32 $0x3, v2;
	v4 =	vor.u32 v4, v7  }
0x1c5: {  	v7 =	vor.u32 $0x4, v2;
	[tilespmem:s30+$0xD800] =	vst v3;
	v3 =	vor.u32 v10, v4  }
0x1c6: {  	v8 =	vor.u32 $0x5, v2;
	[tilespmem:v2+s14+$0x0] =	vst.idx.msk $0xffff, v3;
	v4 =	vadd.s32 $0x1, v3  }
0x1c7: {  	v11 =	vor.u32 $0x6, v2;
	[tilespmem:v9+s14+$0x0] =	vst.idx.msk $0xffff, v4;
	v4 =	vadd.s32 $0x80, v3  }
0x1c8: {  	[tilespmem:v6+s14+$0x0] =	vst.idx.msk $0xffff, v4;
	v6 =	vadd.s32 $0x81, v3  }
0x1c9: {  	v10 =	vor.u32 $0x7, v2;
	[tilespmem:v5+s14+$0x0] =	vst.idx.msk $0xffff, v6;
	v6 =	vadd.s32 $0x4000, v3  }
0x1ca: {  	v9 =	vor.u32 $0x8, v2;
	v4 =	vor.u32 $0xC, v2;
	[tilespmem:v7+s14+$0x0] =	vst.idx.msk $0xffff, v6;
	v7 =	vadd.s32 $0x4001, v3  }
0x1cb: {  	v5 =	vadd.s32 $0x200000, v3;
	v6 =	vor.u32 $0x9, v2;
	[tilespmem:v8+s14+$0x0] =	vst.idx.msk $0xffff, v7;
	v7 =	vadd.s32 $0x4080, v3  }
0x1cc: {  	s8 =	simm.s32 $0x20;
	s5 =	simm.s32 $0x10;
	v8 =	vor.u32 $0xA, v2;
	[tilespmem:v11+s14+$0x0] =	vst.idx.msk $0xffff, v7;
	v11 =	vadd.s32 $0x4081, v3;
	v7 =	vor.u32 $0xB, v2  }
.LBB2_14:
0x1cd: {  	p0 =	sne.s32 s8, $0x3F0  }
0x1ce: {  	v12 =	vor.u32 s5, v0;
	[tilespmem:v10+s14+$0x0] =	vst.idx.msk $0xffff, v11;
	v10 =	vor.u32 $0xD, v2;
	v11 =	vor.u32 $0xE, v2;
	s3 =	sadd.s32 $0x10, s3;
	s9 =	smov.u32 s8;
	s8 =	sadd.s32 $0x10, s8  }
0x1cf: {  	v13 =	vshll.u32 v12, $0x2;
	[tilespmem:v9+s14+$0x0] =	vst.idx.msk $0xffff, v5;
	v5 =	vadd.s32 $0x200001, v3;
	v9 =	vadd.s32 $0x200080, v3  }
0x1d0: {  	v14 =	vor.u32 $0x1, v13;
	v15 =	vor.u32 $0x2, v13;
	v16 =	vor.u32 $0x3, v13;
	[tilespmem:v6+s14+$0x0] =	vst.idx.msk $0xffff, v5  }
0x1d1: {  	v2 =	vor.u32 $0xF, v2;
	v5 =	vadd.s32 $0x200081, v3;
	[tilespmem:v8+s14+$0x0] =	vst.idx.msk $0xffff, v9  }
0x1d2: {  	[tilespmem:v7+s14+$0x0] =	vst.idx.msk $0xffff, v5;
	v5 =	vadd.s32 $0x204000, v3  }
0x1d3: {  	[tilespmem:v4+s14+$0x0] =	vst.idx.msk $0xffff, v5;
	v4 =	vadd.s32 $0x204001, v3  }
0x1d4: {  	[tilespmem:v10+s14+$0x0] =	vst.idx.msk $0xffff, v4;
	v4 =	vadd.s32 $0x204080, v3  }
0x1d5: {  	v3 =	vadd.s32 $0x204081, v3;
	[tilespmem:v11+s14+$0x0] =	vst.idx.msk $0xffff, v4  }
0x1d6: {  	[tilespmem:v2+s14+$0x0] =	vst.idx.msk $0xffff, v3  }
0x1d7: {  	v2 =	vld.idx.msk [tilespmem:v13+s0+$0x0], $0xffff  }
0x1d8: {  	v3 =	vld.idx.msk [tilespmem:v14+s0+$0x0], $0xffff  }
0x1d9: {  	v4 =	vld.idx.msk [tilespmem:v16+s0+$0x0], $0xffff;
	_ =	sdelay $0x2  }
0x1da: {  	v5 =	vld.idx.msk [tilespmem:v15+s0+$0x0], $0xffff  }
0x1db: {  	v2 =	vmul.f32 $1.270000000e+02, v2  }
0x1dc: {  	v3 =	vmul.f32 $1.270000000e+02, v3  }
0x1dd: {  	v4 =	vmul.f32 $7.000000000e+00, v4;
	v6 =	vtrunc.f32 v2  }
0x1de: {  	v6 =	vcvt.f32.s32 v6;
	v7 =	vtrunc.f32 v3  }
0x1df: {  	v7 =	vcvt.f32.s32 v7;
	v8 =	vtrunc.f32 v4  }
0x1e0: {  	v5 =	vmul.f32 $1.270000000e+02, v5;
	vm0 =	vgt.s32 v6, $0x0;
	v8 =	vcvt.f32.s32 v8  }
0x1e1: {  	v6 =	vnsel vm0, $0x0, v6;
	vm0 =	vgt.s32 v7, $0x0  }
0x1e2: {  	v6 =	vmin.u32 v6, $0x7E;
	v7 =	vnsel vm0, $0x0, v7;
	vm0 =	vgt.s32 v8, $0x0  }
0x1e3: {  	v9 =	vtrunc.f32 v5;
	v8 =	vnsel vm0, $0x0, v8;
	v10 =	vcvt.s32.f32 v6  }
0x1e4: {  	v7 =	vmin.u32 v7, $0x7E;
	v9 =	vcvt.f32.s32 v9;
	v8 =	vmin.u32 v8, $0x6  }
0x1e5: {  	v10 =	vsub.f32 v2, v10;
	v2 =	vcvt.s32.f32 v7;
	v11 =	vcvt.s32.f32 v8  }
0x1e6: {  	v6 =	vshll.u32 v6, $0xE;
	vm0 =	vgt.s32 v9, $0x0;
	v8 =	vshll.u32 v8, $0x15  }
0x1e7: {  	v9 =	vnsel vm0, $0x0, v9;
	v3 =	vsub.f32 v3, v2;
	v11 =	vsub.f32 v4, v11  }
0x1e8: {  	v6 =	vor.u32 v6, v8;
	v9 =	vmin.u32 v9, $0x7E  }
0x1e9: {  	v2 =	vshll.u32 v12, $0x4;
	v8 =	vcvt.s32.f32 v9  }
0x1ea: {  	s11 =	sand.u32 $0x3F0, s5;
	s5 =	smov.u32 s9;
	v4 =	vor.u32 $0xC, v2;
	[tilespmem:s3+$0x0] =	vst v10;
	v10 =	vor.u32 $0x1, v2  }
0x1eb: {  	[tilespmem:s11+$0xD400] =	vst v3;
	v3 =	vsub.f32 v5, v8;
	v5 =	vshll.u32 v7, $0x7;
	v7 =	vor.u32 $0x2, v2  }
0x1ec: {  	[tilespmem:s11+$0xDC00] =	vst v11;
	v5 =	vor.u32 v5, v6;
	v6 =	vor.u32 $0x3, v2  }
0x1ed: {  	v8 =	vor.u32 $0x4, v2;
	[tilespmem:s11+$0xD800] =	vst v3;
	v3 =	vor.u32 v9, v5  }
0x1ee: {  	v11 =	vor.u32 $0x5, v2;
	[tilespmem:v2+s14+$0x0] =	vst.idx.msk $0xffff, v3;
	v9 =	vadd.s32 $0x1, v3;
	v5 =	vadd.s32 $0x200000, v3  }
0x1ef: {  	v12 =	vor.u32 $0x6, v2;
	[tilespmem:v10+s14+$0x0] =	vst.idx.msk $0xffff, v9;
	v9 =	vadd.s32 $0x80, v3  }
.Ltmp7:
0x1f0: {  	v10 =	vor.u32 $0x7, v2;
	[tilespmem:v7+s14+$0x0] =	vst.idx.msk $0xffff, v9;
	v7 =	vadd.s32 $0x81, v3;
	(pc) =	sbr.rel @p0 .LBB2_14-.Ltmp7, $4  }
0x1f1: {  	v9 =	vor.u32 $0x8, v2;
	[tilespmem:v6+s14+$0x0] =	vst.idx.msk $0xffff, v7;
	v6 =	vadd.s32 $0x4000, v3  }
0x1f2: {  	v7 =	vadd.s32 $0x4001, v3;
	[tilespmem:v8+s14+$0x0] =	vst.idx.msk $0xffff, v6;
	v6 =	vor.u32 $0x9, v2  }
0x1f3: {  	v8 =	vor.u32 $0xA, v2;
	[tilespmem:v11+s14+$0x0] =	vst.idx.msk $0xffff, v7;
	v7 =	vadd.s32 $0x4080, v3  }
0x1f4: {  	v11 =	vadd.s32 $0x4081, v3;
	[tilespmem:v12+s14+$0x0] =	vst.idx.msk $0xffff, v7;
	v7 =	vor.u32 $0xB, v2  }
0x1f5: {  	_ =	sdelay $0x3  }
0x1f6: {  	[tilespmem:v10+s14+$0x0] =	vst.idx.msk $0xffff, v11  }
0x1f7: {  	v25 =	vor.u32 $0xD, v2;
	v26 =	vadd.s32 $0x200001, v3;
	[tilespmem:v9+s14+$0x0] =	vst.idx.msk $0xffff, v5  }
0x1f8: {  	v27 =	vor.u32 $0xE, v2;
	v28 =	vadd.s32 $0x200080, v3;
	[tilespmem:v6+s14+$0x0] =	vst.idx.msk $0xffff, v26  }
0x1f9: {  	v29 =	vor.u32 s5, v0;
	v30 =	vadd.s32 $0x200081, v3;
	v2 =	vor.u32 $0xF, v2;
	[tilespmem:v8+s14+$0x0] =	vst.idx.msk $0xffff, v28  }
0x1fa: {  	v32 =	vadd.s32 $0x204000, v3;
	v31 =	vshll.u32 v29, $0x2;
	[tilespmem:v7+s14+$0x0] =	vst.idx.msk $0xffff, v30  }
0x1fb: {  	v34 =	vadd.s32 $0x204001, v3;
	v33 =	vor.u32 $0x1, v31;
	[tilespmem:v4+s14+$0x0] =	vst.idx.msk $0xffff, v32  }
0x1fc: {  	v36 =	vadd.s32 $0x204080, v3;
	v35 =	vor.u32 $0x3, v31;
	[tilespmem:v25+s14+$0x0] =	vst.idx.msk $0xffff, v34  }
0x1fd: {  	v3 =	vadd.s32 $0x204081, v3;
	[tilespmem:v27+s14+$0x0] =	vst.idx.msk $0xffff, v36  }
0x1fe: {  	[tilespmem:v2+s14+$0x0] =	vst.idx.msk $0xffff, v3  }
0x1ff: {  	v2 =	vor.u32 $0x2, v31;
	v3 =	vld.idx.msk [tilespmem:v31+s0+$0x0], $0xffff  }
0x200: {  	v4 =	vld.idx.msk [tilespmem:v33+s0+$0x0], $0xffff  }
0x201: {  	v6 =	vld.idx.msk [tilespmem:v35+s0+$0x0], $0xffff;
	_ =	sdelay $0x2  }
0x202: {  	v2 =	vld.idx.msk [tilespmem:v2+s0+$0x0], $0xffff  }
0x203: {  	v3 =	vmul.f32 $1.270000000e+02, v3;
	v4 =	vmul.f32 $1.270000000e+02, v4  }
0x204: {  	v6 =	vmul.f32 $7.000000000e+00, v6  }
0x205: {  	v37 =	vtrunc.f32 v3;
	v38 =	vtrunc.f32 v4  }
0x206: {  	v39 =	vtrunc.f32 v6;
	v7 =	vcvt.f32.s32 v37  }
0x207: {  	v5 =	vshll.u32 v29, $0x4;
	v8 =	vcvt.f32.s32 v38;
	v2 =	vmul.f32 $1.270000000e+02, v2  }
0x208: {  	v45 =	vor.u32 $0x2, v5;
	v9 =	vcvt.f32.s32 v39  }
0x209: {  	vm0 =	vgt.s32 v7, $0x0;
	vm13 =	vgt.s32 v8, $0x0;
	v40 =	vtrunc.f32 v2  }
0x20a: {  	vm14 =	vgt.s32 v9, $0x0;
	v7 =	vnsel vm0, $0x0, v7;
	v10 =	vcvt.f32.s32 v40  }
0x20b: {  	v8 =	vnsel vm13, $0x0, v8;
	v9 =	vnsel vm14, $0x0, v9;
	v7 =	vmin.u32 v7, $0x7E  }
0x20c: {  	v8 =	vmin.u32 v8, $0x7E;
	v41 =	vcvt.s32.f32 v7;
	vm15 =	vgt.s32 v10, $0x0  }
0x20d: {  	v9 =	vmin.u32 v9, $0x6;
	v42 =	vcvt.s32.f32 v8;
	v10 =	vnsel vm15, $0x0, v10  }
0x20e: {  	v12 =	vcvt.s32.f32 v9;
	v3 =	vsub.f32 v3, v41;
	v10 =	vmin.u32 v10, $0x7E  }
0x20f: {  	s12 =	sadd.s32 $0x10, s3;
	v9 =	vshll.u32 v9, $0x15;
	v4 =	vsub.f32 v4, v42;
	v43 =	vcvt.s32.f32 v10  }
0x210: {  	s26 =	sand.u32 $0x3F0, s5;
	v7 =	vshll.u32 v7, $0xE;
	v6 =	vsub.f32 v6, v12;
	[tilespmem:s12+$0x0] =	vst v3;
	v3 =	vor.u32 $0x1, v5  }
0x211: {  	v44 =	vshll.u32 v8, $0x7;
	v7 =	vor.u32 v7, v9;
	[tilespmem:s26+$0xD400] =	vst v4;
	v2 =	vsub.f32 v2, v43  }
0x212: {  	v46 =	vor.u32 $0x3, v5;
	[tilespmem:s26+$0xDC00] =	vst v6;
	v4 =	vor.u32 v44, v7  }
0x213: {  	v47 =	vor.u32 $0x4, v5;
	[tilespmem:s26+$0xD800] =	vst v2;
	v2 =	vor.u32 v10, v4  }
0x214: {  	v49 =	vor.u32 $0x5, v5;
	[tilespmem:v5+s14+$0x0] =	vst.idx.msk $0xffff, v2;
	v48 =	vadd.s32 $0x1, v2  }
0x215: {  	v50 =	vor.u32 $0x6, v5;
	[tilespmem:v3+s14+$0x0] =	vst.idx.msk $0xffff, v48;
	v3 =	vadd.s32 $0x80, v2  }
0x216: {  	v51 =	vor.u32 $0x7, v5;
	[tilespmem:v45+s14+$0x0] =	vst.idx.msk $0xffff, v3;
	v3 =	vadd.s32 $0x81, v2  }
0x217: {  	v52 =	vor.u32 $0x8, v5;
	[tilespmem:v46+s14+$0x0] =	vst.idx.msk $0xffff, v3;
	v3 =	vadd.s32 $0x4000, v2  }
0x218: {  	v53 =	vor.u32 $0x9, v5;
	[tilespmem:v47+s14+$0x0] =	vst.idx.msk $0xffff, v3;
	v3 =	vadd.s32 $0x4001, v2  }
0x219: {  	v54 =	vor.u32 $0xA, v5;
	[tilespmem:v49+s14+$0x0] =	vst.idx.msk $0xffff, v3;
	v3 =	vadd.s32 $0x4080, v2  }
0x21a: {  	v55 =	vor.u32 $0xB, v5;
	[tilespmem:v50+s14+$0x0] =	vst.idx.msk $0xffff, v3;
	v3 =	vadd.s32 $0x4081, v2  }
0x21b: {  	v56 =	vor.u32 $0xC, v5;
	v57 =	vadd.s32 $0x200000, v2;
	[tilespmem:v51+s14+$0x0] =	vst.idx.msk $0xffff, v3  }
0x21c: {  	v58 =	vadd.s32 $0x200001, v2;
	v3 =	vor.u32 $0xD, v5;
	[tilespmem:v52+s14+$0x0] =	vst.idx.msk $0xffff, v57  }
0x21d: {  	v59 =	vor.u32 $0xE, v5;
	v60 =	vadd.s32 $0x200080, v2;
	[tilespmem:v53+s14+$0x0] =	vst.idx.msk $0xffff, v58  }
0x21e: {  	v61 =	vadd.s32 $0x200081, v2;
	v5 =	vor.u32 $0xF, v5;
	[tilespmem:v54+s14+$0x0] =	vst.idx.msk $0xffff, v60  }
0x21f: {  	v62 =	vadd.s32 $0x204000, v2;
	[tilespmem:v55+s14+$0x0] =	vst.idx.msk $0xffff, v61  }
0x220: {  	v63 =	vadd.s32 $0x204001, v2;
	[tilespmem:v56+s14+$0x0] =	vst.idx.msk $0xffff, v62  }
0x221: {  	[tilespmem:v3+s14+$0x0] =	vst.idx.msk $0xffff, v63;
	v3 =	vadd.s32 $0x204080, v2  }
0x222: {  	s30 =	simm.s32 $0x5000;
	v2 =	vadd.s32 $0x204081, v2;
	[tilespmem:v59+s14+$0x0] =	vst.idx.msk $0xffff, v3  }
0x223: {  	s3 =	simm.s32 $0x1000;
	s5 =	simm.s32 $0x9000;
	s0 =	simm.s32 $0x200;
	[tilespmem:v5+s14+$0x0] =	vst.idx.msk $0xffff, v2  }
0x224: {  	[tilespmem:s30], [sflag:$0x1] =	stream.indirect.gather [hbm4b:s1+s15], $0x1, s3, s15, $0xb8;
	[tilespmem:$0x1C800] =	vst v63  }
.LBB2_16:
0x225: {  	[tilespmem:s5], [sflag:$0x1] =	stream.indirect.gather [hbm4b:s2+s15], $0x1, s3, s15, $0xb8;
	[tilespmem:$0x1C800] =	vst v63  }
0x226: {  	s3 =	smov.u32 s0;
	p0 =	sne.s32 s0, $0xFE00  }
.Ltmp8:
0x227: {  	s0 =	sadd.s32 $0x200, s0;
	(pc) =	sbr.rel @p0 .LBB2_16-.Ltmp8, $4  }
0x228: {  	s5 =	sshra.s32 s3, $0x2  }
0x229: {  	s8 =	sadd.s32 $0x5000, s5;
	s3 =	sadd.s32 $0x1000, s5  }
0x22a: {  	[tilespmem:s8], [sflag:$0x1] =	stream.indirect.gather [hbm4b:s1+s15], $0x1, s3, s15, $0xb8;
	[tilespmem:$0x1C800] =	vst v63  }
0x22b: {  	s5 =	sadd.s32 $0x9000, s5  }
0x22c: {  	[tilespmem:s5], [sflag:$0x1] =	stream.indirect.gather [hbm4b:s2+s15], $0x1, s3, s15, $0xb8;
	[tilespmem:$0x1C800] =	vst v63  }
.LBB2_18:
0x22d: {  	s0 =	simm.s32 $0x0;
	_ =	swait.ge [sflag:s23], $0x4000  }
0x22e: {  	v2 =	vmov s0;
	[sflag:s23] =	ssyncset.done $0x0  }
0x22f: {  	v2 =	vshll.u32 v2, $0x4;
	[sflag:s23] =	ssyncadd.s32 $0xFFFFC000  }
0x230: {  	v8 =	vor.u32 v1, v2;
	_ =	swait.ge [sflag:s23], $0x4000  }
0x231: {  	[sflag:s23] =	ssyncset.done $0x0;
	v13 =	vor.u32 $0xD, v8  }
0x232: {  	s3 =	sand.u32 $0x3F0, s0;
	v12 =	vor.u32 $0x1, v8;
	[sflag:s23] =	ssyncadd.s32 $0xFFFFC000  }
0x233: {  	v7 =	vor.u32 $0xF, v8;
	v2 =	vld [tilespmem:s3+$0x1B400]  }
0x234: {  	v6 =	vor.u32 $0x2, v8;
	v3 =	vld [tilespmem:s3+$0x1B800]  }
0x235: {  	v20 =	vor.u32 $0x9, v8;
	v5 =	vld.idx.msk [tilespmem:v8+s24+$0x0], $0xffff  }
0x236: {  	v4 =	vor.u32 $0xA, v8;
	v18 =	vld.idx.msk [tilespmem:v13+s25+$0x0], $0xffff  }
0x237: {  	v21 =	vor.u32 $0xE, v8;
	v17 =	vld.idx.msk [tilespmem:v12+s24+$0x0], $0xffff  }
0x238: {  	v30 =	vor.u32 $0xB, v8;
	v19 =	vld.idx.msk [tilespmem:v7+s25+$0x0], $0xffff  }
0x239: {  	v11 =	vor.u32 $0x7, v8;
	v10 =	vld.idx.msk [tilespmem:v6+s25+$0x0], $0xffff  }
0x23a: {  	v22 =	vor.u32 $0xC, v8;
	v29 =	vld.idx.msk [tilespmem:v20+s25+$0x0], $0xffff  }
0x23b: {  	v31 =	vld.idx.msk [tilespmem:v4+s25+$0x0], $0xffff  }
0x23c: {  	v24 =	vor.u32 $0x8, v8;
	v25 =	vld.idx.msk [tilespmem:v21+s25+$0x0], $0xffff  }
0x23d: {  	v9 =	vor.u32 $0x4, v8;
	v27 =	vld.idx.msk [tilespmem:v30+s25+$0x0], $0xffff  }
0x23e: {  	v23 =	vld.idx.msk [tilespmem:v11+s25+$0x0], $0xffff  }
0x23f: {  	v32 =	vor.u32 $0x5, v8;
	v33 =	vld.idx.msk [tilespmem:v22+s25+$0x0], $0xffff  }
0x240: {  	v14 =	vld.idx.msk [tilespmem:v4+s24+$0x0], $0xffff  }
0x241: {  	v26 =	vld.idx.msk [tilespmem:v24+s25+$0x0], $0xffff  }
0x242: {  	v4 =	vld.idx.msk [tilespmem:v9+s24+$0x0], $0xffff  }
0x243: {  	v28 =	vld.idx.msk [tilespmem:v7+s24+$0x0], $0xffff  }
0x244: {  	v16 =	vld.idx.msk [tilespmem:v32+s25+$0x0], $0xffff  }
0x245: {  	v32 =	vld.idx.msk [tilespmem:v32+s24+$0x0], $0xffff  }
0x246: {  	v7 =	vor.u32 $0x6, v8;
	v22 =	vld.idx.msk [tilespmem:v22+s24+$0x0], $0xffff;
	v34 =	vsub.f32 v19, v25;
	v18 =	vsub.f32 v18, v33  }
0x247: {  	v15 =	vor.u32 $0x3, v8;
	v19 =	vld.idx.msk [tilespmem:v24+s24+$0x0], $0xffff  }
0x248: {  	v24 =	vld.idx.msk [tilespmem:v21+s24+$0x0], $0xffff;
	v21 =	vsub.f32 v27, v31;
	v34 =	vmul.f32 v34, v3;
	v18 =	vmul.f32 v18, v3  }
0x249: {  	v30 =	vld.idx.msk [tilespmem:v30+s24+$0x0], $0xffff;
	v35 =	vsub.f32 v29, v26  }
0x24a: {  	s8 =	simm.s32 $0x1B000;
	v29 =	vld.idx.msk [tilespmem:v20+s24+$0x0], $0xffff;
	v36 =	vmul.f32 v21, v3;
	v34 =	vadd.f32 v34, v25;
	v18 =	vadd.f32 v18, v33  }
0x24b: {  	s26 =	simm.s32 $0x1C000;
	s11 =	simm.s32 $0x1C400;
	s5 =	simm.s32 $0x10;
	v20 =	vsub.f32 v32, v4;
	v32 =	vmul.f32 v35, v3;
	v25 =	vld.idx.msk [tilespmem:v7+s25+$0x0], $0xffff  }
0x24c: {  	s12 =	simm.s32 $0x1B000;
	s30 =	simm.s32 $0x1C000;
	s0 =	simm.s32 $0x1C400;
	v27 =	vld.idx.msk [tilespmem:v15+s25+$0x0], $0xffff;
	v31 =	vadd.f32 v36, v31;
	v21 =	vsub.f32 v34, v18  }
.LBB2_19:
0x24d: {  	v28 =	vsub.f32 v28, v24;
	v12 =	vld.idx.msk [tilespmem:v12+s25+$0x0], $0xffff;
	v26 =	vadd.f32 v32, v26;
	s8 =	sadd.s32 $0x10, s8;
	s26 =	sadd.s32 $0x10, s26;
	s11 =	sadd.s32 $0x10, s11  }
0x24e: {  	p0 =	sne.s32 s5, $0x3F0;
	s9 =	smov.u32 s5;
	s5 =	sadd.s32 $0x10, s5;
	v8 =	vld.idx.msk [tilespmem:v8+s25+$0x0], $0xffff  }
0x24f: {  	v13 =	vld.idx.msk [tilespmem:v13+s24+$0x0], $0xffff;
	v28 =	vmul.f32 v28, v3;
	v31 =	vsub.f32 v31, v26  }
0x250: {  	v23 =	vsub.f32 v23, v25;
	v15 =	vld.idx.msk [tilespmem:v15+s24+$0x0], $0xffff  }
0x251: {  	v27 =	vsub.f32 v27, v10;
	v6 =	vld.idx.msk [tilespmem:v6+s24+$0x0], $0xffff;
	v31 =	vmul.f32 v31, v2  }
0x252: {  	v17 =	vsub.f32 v17, v5;
	v29 =	vsub.f32 v29, v19;
	v23 =	vmul.f32 v23, v3;
	v9 =	vld.idx.msk [tilespmem:v9+s25+$0x0], $0xffff  }
0x253: {  	v27 =	vmul.f32 v27, v3;
	v30 =	vsub.f32 v30, v14;
	v26 =	vadd.f32 v31, v26  }
0x254: {  	v17 =	vmul.f32 v17, v3;
	v24 =	vadd.f32 v28, v24;
	v23 =	vadd.f32 v23, v25;
	v11 =	vld.idx.msk [tilespmem:v11+s24+$0x0], $0xffff  }
0x255: {  	v25 =	vmul.f32 v30, v3;
	v12 =	vsub.f32 v12, v8;
	v13 =	vsub.f32 v13, v22;
	v7 =	vld.idx.msk [tilespmem:v7+s24+$0x0], $0xffff  }
0x256: {  	v5 =	vadd.f32 v17, v5;
	v17 =	vmul.f32 v29, v3;
	v10 =	vadd.f32 v27, v10  }
0x257: {  	v14 =	vadd.f32 v25, v14;
	v15 =	vsub.f32 v15, v6;
	v13 =	vmul.f32 v13, v3  }
0x258: {  	v21 =	vmul.f32 v21, v2;
	v12 =	vmul.f32 v12, v3;
	v16 =	vsub.f32 v16, v9  }
0x259: {  	v17 =	vadd.f32 v17, v19;
	v15 =	vmul.f32 v15, v3;
	v13 =	vadd.f32 v13, v22  }
0x25a: {  	v8 =	vadd.f32 v12, v8;
	v12 =	vmul.f32 v16, v3;
	v16 =	vadd.f32 v21, v18  }
0x25b: {  	v6 =	vadd.f32 v15, v6;
	v11 =	vsub.f32 v11, v7  }
0x25c: {  	v10 =	vsub.f32 v10, v8;
	v18 =	vsub.f32 v24, v13;
	v15 =	vld [tilespmem:s12+$0x0];
	s12 =	smov.u32 s8  }
0x25d: {  	v19 =	vmul.f32 v20, v3;
	v9 =	vadd.f32 v12, v9;
	v6 =	vsub.f32 v6, v5  }
0x25e: {  	v10 =	vmul.f32 v10, v2;
	v3 =	vmul.f32 v11, v3;
	v11 =	vsub.f32 v14, v17  }
0x25f: {  	v14 =	vsub.f32 v16, v26;
	v12 =	vsub.f32 v23, v9;
	v6 =	vmul.f32 v6, v2  }
0x260: {  	v4 =	vadd.f32 v19, v4;
	v3 =	vadd.f32 v3, v7;
	v7 =	vmul.f32 v18, v2  }
0x261: {  	v12 =	vmul.f32 v12, v2;
	v14 =	vmul.f32 v14, v15  }
0x262: {  	v8 =	vadd.f32 v10, v8;
	v3 =	vsub.f32 v3, v4  }
0x263: {  	v10 =	vmul.f32 v11, v2;
	v7 =	vadd.f32 v7, v13;
	v9 =	vadd.f32 v12, v9  }
0x264: {  	v5 =	vadd.f32 v6, v5;
	v2 =	vmul.f32 v3, v2;
	v3 =	vadd.f32 v14, v26  }
0x265: {  	v6 =	vadd.f32 v10, v17;
	v9 =	vsub.f32 v9, v8  }
0x266: {  	v2 =	vadd.f32 v2, v4  }
0x267: {  	v4 =	vsub.f32 v7, v6;
	v7 =	vmul.f32 v9, v15  }
0x268: {  	v2 =	vsub.f32 v2, v5;
	v10 =	vld [tilespmem:s3+$0x1BC00]  }
0x269: {  	v9 =	vmov s9;
	v4 =	vmul.f32 v4, v15;
	v11 =	vadd.f32 v7, v8  }
0x26a: {  	v7 =	vshll.u32 v9, $0x4;
	v2 =	vmul.f32 v2, v15  }
0x26b: {  	v8 =	vor.u32 v1, v7;
	v4 =	vadd.f32 v4, v6;
	v3 =	vsub.f32 v3, v11  }
0x26c: {  	v12 =	vor.u32 $0x1, v8;
	v6 =	vor.u32 $0x2, v8;
	v2 =	vadd.f32 v2, v5  }
0x26d: {  	v15 =	vor.u32 $0x3, v8;
	v9 =	vor.u32 $0x4, v8;
	v3 =	vmul.f32 v3, v10  }
0x26e: {  	v7 =	vor.u32 $0x6, v8;
	v18 =	vor.u32 $0x8, v8;
	v4 =	vsub.f32 v4, v2  }
0x26f: {  	v21 =	vor.u32 $0xC, v8;
	v20 =	vor.u32 $0xE, v8;
	v3 =	vadd.f32 v3, v11  }
0x270: {  	v14 =	vor.u32 $0xA, v8;
	v30 =	vor.u32 $0xB, v8;
	v4 =	vmul.f32 v4, v10  }
0x271: {  	v13 =	vor.u32 $0xD, v8  }
0x272: {  	v16 =	vor.u32 $0xF, v8;
	v2 =	vadd.f32 v4, v2  }
0x273: {  	v22 =	vor.u32 $0x9, v8  }
0x274: {  	v11 =	vor.u32 $0x7, v8;
	[tilespmem:s30+$0x0] =	vst v2;
	s30 =	smov.u32 s26  }
0x275: {  	[tilespmem:s0+$0x0] =	vst v3;
	s0 =	smov.u32 s11  }
0x276: {  	s3 =	sand.u32 $0x3F0, s9;
	v5 =	vld.idx.msk [tilespmem:v8+s24+$0x0], $0xffff  }
0x277: {  	v2 =	vld [tilespmem:s3+$0x1B400]  }
0x278: {  	v3 =	vld [tilespmem:s3+$0x1B800]  }
0x279: {  	v19 =	vld.idx.msk [tilespmem:v13+s25+$0x0], $0xffff  }
0x27a: {  	v17 =	vld.idx.msk [tilespmem:v12+s24+$0x0], $0xffff  }
0x27b: {  	v24 =	vld.idx.msk [tilespmem:v16+s25+$0x0], $0xffff  }
0x27c: {  	v10 =	vld.idx.msk [tilespmem:v6+s25+$0x0], $0xffff  }
0x27d: {  	v29 =	vld.idx.msk [tilespmem:v22+s25+$0x0], $0xffff  }
0x27e: {  	v25 =	vor.u32 $0x5, v8;
	v31 =	vld.idx.msk [tilespmem:v14+s25+$0x0], $0xffff  }
0x27f: {  	v27 =	vld.idx.msk [tilespmem:v20+s25+$0x0], $0xffff  }
0x280: {  	v32 =	vld.idx.msk [tilespmem:v30+s25+$0x0], $0xffff  }
0x281: {  	v23 =	vld.idx.msk [tilespmem:v11+s25+$0x0], $0xffff  }
0x282: {  	v33 =	vld.idx.msk [tilespmem:v21+s25+$0x0], $0xffff  }
0x283: {  	v14 =	vld.idx.msk [tilespmem:v14+s24+$0x0], $0xffff  }
0x284: {  	v26 =	vld.idx.msk [tilespmem:v18+s25+$0x0], $0xffff  }
0x285: {  	v24 =	vsub.f32 v24, v27;
	v4 =	vld.idx.msk [tilespmem:v9+s24+$0x0], $0xffff  }
0x286: {  	v28 =	vld.idx.msk [tilespmem:v16+s24+$0x0], $0xffff  }
0x287: {  	v24 =	vmul.f32 v24, v3;
	v16 =	vld.idx.msk [tilespmem:v25+s25+$0x0], $0xffff  }
0x288: {  	v34 =	vld.idx.msk [tilespmem:v25+s24+$0x0], $0xffff;
	v25 =	vsub.f32 v19, v33  }
0x289: {  	v35 =	vadd.f32 v24, v27;
	v19 =	vld.idx.msk [tilespmem:v18+s24+$0x0], $0xffff  }
0x28a: {  	v18 =	vsub.f32 v32, v31;
	v24 =	vld.idx.msk [tilespmem:v20+s24+$0x0], $0xffff;
	v20 =	vmul.f32 v25, v3  }
.Ltmp9:
0x28b: {  	v27 =	vld.idx.msk [tilespmem:v15+s25+$0x0], $0xffff;
	(pc) =	sbr.rel @p0 .LBB2_19-.Ltmp9, $4  }
0x28c: {  	v32 =	vsub.f32 v29, v26;
	v36 =	vmul.f32 v18, v3;
	v25 =	vld.idx.msk [tilespmem:v7+s25+$0x0], $0xffff;
	v18 =	vadd.f32 v20, v33  }
0x28d: {  	v29 =	vld.idx.msk [tilespmem:v22+s24+$0x0], $0xffff  }
0x28e: {  	v32 =	vmul.f32 v32, v3;
	v20 =	vsub.f32 v34, v4;
	v22 =	vld.idx.msk [tilespmem:v21+s24+$0x0], $0xffff;
	v21 =	vsub.f32 v35, v18  }
0x28f: {  	v31 =	vadd.f32 v36, v31;
	v30 =	vld.idx.msk [tilespmem:v30+s24+$0x0], $0xffff  }
0x290: {  	_ =	sdelay $0x3  }
0x291: {  	v12 =	vld.idx.msk [tilespmem:v12+s25+$0x0], $0xffff  }
0x292: {  	v8 =	vld.idx.msk [tilespmem:v8+s25+$0x0], $0xffff  }
0x293: {  	v13 =	vld.idx.msk [tilespmem:v13+s24+$0x0], $0xffff  }
0x294: {  	v26 =	vadd.f32 v32, v26;
	v28 =	vsub.f32 v28, v24;
	v15 =	vld.idx.msk [tilespmem:v15+s24+$0x0], $0xffff  }
0x295: {  	v6 =	vld.idx.msk [tilespmem:v6+s24+$0x0], $0xffff;
	v27 =	vsub.f32 v27, v10;
	v17 =	vsub.f32 v17, v5;
	v51 =	vmul.f32 v20, v3  }
0x296: {  	v9 =	vld.idx.msk [tilespmem:v9+s25+$0x0], $0xffff;
	v23 =	vsub.f32 v23, v25;
	v31 =	vsub.f32 v31, v26;
	v28 =	vmul.f32 v28, v3  }
0x297: {  	v11 =	vld.idx.msk [tilespmem:v11+s24+$0x0], $0xffff;
	v29 =	vsub.f32 v29, v19;
	v27 =	vmul.f32 v27, v3;
	v17 =	vmul.f32 v17, v3  }
0x298: {  	v7 =	vld.idx.msk [tilespmem:v7+s24+$0x0], $0xffff;
	v4 =	vadd.f32 v51, v4;
	v23 =	vmul.f32 v23, v3;
	v30 =	vsub.f32 v30, v14  }
0x299: {  	v45 =	vadd.f32 v28, v24;
	v47 =	vadd.f32 v17, v5  }
0x29a: {  	v48 =	vadd.f32 v27, v10;
	v23 =	vadd.f32 v23, v25  }
0x29b: {  	v31 =	vmul.f32 v31, v2;
	v13 =	vsub.f32 v13, v22;
	v12 =	vsub.f32 v12, v8  }
0x29c: {  	v49 =	vmul.f32 v29, v3;
	v15 =	vsub.f32 v15, v6;
	v16 =	vsub.f32 v16, v9  }
0x29d: {  	v11 =	vsub.f32 v11, v7;
	v26 =	vadd.f32 v31, v26;
	v46 =	vmul.f32 v30, v3  }
0x29e: {  	v17 =	vadd.f32 v49, v19;
	v13 =	vmul.f32 v13, v3;
	v12 =	vmul.f32 v12, v3  }
0x29f: {  	v15 =	vmul.f32 v15, v3;
	v11 =	vmul.f32 v11, v3;
	v50 =	vadd.f32 v46, v14  }
0x2a0: {  	v3 =	vmul.f32 v16, v3;
	v13 =	vadd.f32 v13, v22;
	v8 =	vadd.f32 v12, v8  }
0x2a1: {  	v6 =	vadd.f32 v15, v6;
	v7 =	vadd.f32 v11, v7  }
0x2a2: {  	v3 =	vadd.f32 v3, v9;
	v54 =	vsub.f32 v50, v17  }
0x2a3: {  	v53 =	vmul.f32 v21, v2;
	v52 =	vsub.f32 v45, v13;
	v10 =	vsub.f32 v48, v8  }
0x2a4: {  	v6 =	vsub.f32 v6, v47;
	v7 =	vsub.f32 v7, v4;
	v9 =	vmul.f32 v54, v2  }
0x2a5: {  	v55 =	vsub.f32 v23, v3;
	v10 =	vmul.f32 v10, v2;
	v56 =	vmul.f32 v52, v2  }
0x2a6: {  	v11 =	vadd.f32 v53, v18;
	v6 =	vmul.f32 v6, v2;
	v7 =	vmul.f32 v7, v2  }
0x2a7: {  	v57 =	vld [tilespmem:s12+$0x0];
	v2 =	vmul.f32 v55, v2;
	v59 =	vadd.f32 v9, v17;
	v58 =	vadd.f32 v56, v13  }
0x2a8: {  	v5 =	vadd.f32 v6, v47;
	v4 =	vadd.f32 v7, v4  }
0x2a9: {  	v60 =	vadd.f32 v10, v8;
	v2 =	vadd.f32 v2, v3  }
0x2aa: {  	v3 =	vsub.f32 v58, v59;
	v4 =	vsub.f32 v4, v5  }
0x2ab: {  	v61 =	vsub.f32 v11, v26;
	v2 =	vsub.f32 v2, v60  }
0x2ac: {  	v3 =	vmul.f32 v3, v57;
	v4 =	vmul.f32 v4, v57  }
0x2ad: {  	v62 =	vld [tilespmem:s3+$0x1BC00];
	v8 =	vmul.f32 v61, v57;
	v2 =	vmul.f32 v2, v57  }
0x2ae: {  	v3 =	vadd.f32 v3, v59;
	v4 =	vadd.f32 v4, v5  }
0x2af: {  	v63 =	vadd.f32 v8, v26;
	v2 =	vadd.f32 v2, v60  }
0x2b0: {  	v3 =	vsub.f32 v3, v4  }
0x2b1: {  	v5 =	vsub.f32 v63, v2  }
0x2b2: {  	v3 =	vmul.f32 v3, v62  }
0x2b3: {  	v5 =	vmul.f32 v5, v62  }
0x2b4: {  	v3 =	vadd.f32 v3, v4  }
0x2b5: {  	v2 =	vadd.f32 v5, v2  }
0x2b6: {  	s29 =	sshrl.u32 s29, $0x3;
	[tilespmem:s30+$0x0] =	vst v3  }
0x2b7: {  	s30 =	sadd.s32 s6, s29;
	[tilespmem:s0+$0x0] =	vst v2  }
0x2b8: {  	[hbm4b:s30+s4] =	stream.linear.scatter [tilespmem:s31], [sflag:$0x3], $0x400, $0x38;
	[tilespmem:$0x1C800] =	vst v63  }
0x2b9: {  	s28 =	sadd.s32 $0x1, s28;
	_ =	swait.ge [sflag:s13], $0x400  }
0x2ba: {  	p0 =	sne.s32 s28, $0x10;
	[sflag:s13] =	ssyncset.done $0x0  }
.Ltmp10:
0x2bb: {  	s31 =	sadd.s32 s7, s29;
	[sflag:s13] =	ssyncadd.s32 $0xFFFFFC00;
	(pc) =	sbr.rel @p0 .LBB2_6-.Ltmp10, $4  }
0x2bc: {  	[hbm4b:s31+s4] =	stream.linear.scatter [tilespmem:s22], [sflag:$0x3], $0x400, $0x38;
	[tilespmem:$0x1C800] =	vst v63  }
0x2bd: {  	_ =	swait.ge [sflag:s13], $0x400  }
0x2be: {  	[sflag:s13] =	ssyncset.done $0x0  }
0x2bf: {  	[sflag:s13] =	ssyncadd.s32 $0xFFFFFC00  }
0x2c0: {  	s3 =	rddreg [dreg:$0x8]  }
0x2c1: {  	s0 =	rddreg [dreg:$0x7];
	s3 =	sadd.s32 $0x1, s3  }
0x2c2: {  	p0 =	sne.s32 s3, s0  }
.Ltmp11:
0x2c3: {  	_ = 	snop;
	(pc) =	sbr.rel @p0 .LBB2_1-.Ltmp11, $1  }
0x2c4: {  	_ =	sdelay $0x3  }
0x2c5: {  	_ =	sfence.sel $0x180000  }
0x2c6: {  	[bflag:$0x0] =	sbarrier.arrive $0xFFFF  }
0x2c7: {  	_ =	strace $0x90000047  }
0x2c8: {  	s0 =	stileid.u32;
	[bflag:$0x2] =	sbarrier.arrive $0xFFFF  }
0x2c9: {  	p0 =	sne.s32 s0, $0x0;
	s0 =	rddreg [dreg:$0x3]  }
0x2ca: {  	s0 =	sadd.s32 @!p0 $0x100000, s0  }
0x2cb: {  	[sflag:s0] =	ssyncadd.tile.s32 @!p0 $0x1;
	_ =	shalt  }
.Lfunc_end2:
_tile_overlayer_lowered:
.L_overlay_start_2:
0x2cc: {  	(tag) =	ssettag $0x2  }
0x2cd: {  	s0 =	rddreg [dreg:$0x0];
	s2 =	stileid.u32  }
0x2ce: {  	s1 =	rddreg [dreg:$0x1];
	p0 =	sne.s32 s2, $0x0  }
0x2cf: {  	s3 =	rddreg [dreg:$0x2];
	[bflag:$0x3] =	sbarrier.arrive $0xFFFF;
	s2 =	simm.s32 @!p0 $0x1C03  }
0x2d0: {  	[timem:s3], [sflag:s2] =	dma.local @!p0 [hbm:s0], s1  }
0x2d1: {  	s0 =	simm.s32 @!p0 $0x3  }
0x2d2: {  	_ =	swait.ge @!p0 [sflag:s0], s1  }
0x2d3: {  	s1 =	ssub.s32 @!p0 $0x0, s1;
	[sflag:s0] =	ssyncset.done @!p0 $0x0  }
0x2d4: {  	[sflag:s0] =	ssyncadd.s32 @!p0 s1  }
0x2d5: {  	[bflag:$0x3] =	sbarrier.arrive $0xFFFF  }
0x2d6: {  	_ =	shalt  }

</sc_bundles>
